<compile_context>
chip_gen: v7x
topology: tpu7x:2x2x1
jax: 0.10.2.dev20260603
libtpu: 0.0.44.dev20260713+nightly
codegen_flags: <defaults>
</compile_context>

<pallas_src>
import functools

import jax
import jax.numpy as jnp
from jax import lax
from jax.experimental import pallas as pl
from jax.experimental.pallas import tpu as pltpu
from jax.experimental.pallas import tpu_sc as plsc

VOCAB = 100000
N_CONSTS = 16384
N_ATOMS = 65536
N_PREDS = 64
D_CONST = 128
D_ATOM = 64

NC = 2
NS = 16
NW = NC * NS
LANES = 16
CHUNK = N_ATOMS // NW
BLK = 128
NBLK = CHUNK // BLK


def _sc_interact(x_default, head_pos, tail_pos, constant_table):
    mesh = plsc.VectorSubcoreMesh(core_axis_name="c", subcore_axis_name="s",
                                  num_cores=2)
    hpos3 = head_pos.reshape(NW, NBLK, BLK)
    tpos3 = tail_pos.reshape(NW, NBLK, BLK)

    @functools.partial(
        pl.kernel,
        mesh=mesh,
        out_type=jax.ShapeDtypeStruct((N_ATOMS, D_CONST), jnp.float32),
        scratch_types=[
            pltpu.VMEM((NBLK, BLK), jnp.int32),
            pltpu.VMEM((NBLK, BLK), jnp.int32),
            pltpu.VMEM((NBLK, BLK), jnp.int32),
            pltpu.VMEM((NBLK, BLK), jnp.int32),
            pltpu.VMEM((3, BLK, D_CONST), jnp.float32),
            pltpu.VMEM((3, BLK, D_CONST), jnp.float32),
            pltpu.SemaphoreType.DMA,
            pltpu.SemaphoreType.DMA,
            pltpu.SemaphoreType.DMA,
            pltpu.SemaphoreType.DMA,
            pltpu.SemaphoreType.DMA,
            pltpu.SemaphoreType.DMA,
            pltpu.SemaphoreType.DMA,
        ],
    )
    def k(xdef_hbm, hpos_hbm, tpos_hbm, table_hbm, q_hbm,
          hpos_v, tpos_v, hid_v, tid_v, h_v, t_v,
          sg0, sg1, sg2, sw0, sw1, sw2, sem_t):
        wid = lax.axis_index("s") * NC + lax.axis_index("c")
        base = pl.multiple_of(wid * CHUNK, CHUNK)
        pltpu.sync_copy(hpos_hbm.at[wid], hpos_v)
        pltpu.sync_copy(tpos_hbm.at[wid], tpos_v)

        trans = []
        for j in range(NBLK):
            trans.append(
                pltpu.async_copy(xdef_hbm.at[hpos_v.at[j]], hid_v.at[j], sem_t))
            trans.append(
                pltpu.async_copy(xdef_hbm.at[tpos_v.at[j]], tid_v.at[j], sem_t))
        for cp in trans:
            cp.wait()

        sg = (sg0, sg1, sg2)
        sw = (sw0, sw1, sw2)

        def fire_gather(b, s):
            pltpu.async_copy(table_hbm.at[hid_v.at[b]], h_v.at[s], sg[s])
            pltpu.async_copy(table_hbm.at[tid_v.at[b]], t_v.at[s], sg[s])

        def wait_gather(s):
            pltpu.make_async_copy(
                table_hbm.at[hid_v.at[0]], h_v.at[s], sg[s]).wait()
            pltpu.make_async_copy(
                table_hbm.at[tid_v.at[0]], t_v.at[s], sg[s]).wait()

        def wait_write(s):
            pltpu.make_async_copy(
                h_v.at[s], q_hbm.at[pl.ds(0, BLK)], sw[s]).wait()

        fire_gather(0, 0)
        fire_gather(1, 1)

        def mul_block(s):
            def mul_row(r, c2):
                for j in range(D_CONST // LANES):
                    sl = pl.ds(j * LANES, LANES)
                    h_v[s, r, sl] = h_v[s, r, sl] * t_v[s, r, sl]
                return c2
            lax.fori_loop(0, BLK, mul_row, 0)

        def step(b, s):
            wait_gather(s)
            mul_block(s)

            @pl.when(b >= 1)
            def _():
                wait_write((s - 1) % 3)

            @pl.when(b + 2 <= NBLK - 1)
            def _():
                fire_gather(b + 2, (s + 2) % 3)

            off = pl.multiple_of(base + b * BLK, BLK)
            pltpu.async_copy(h_v.at[s], q_hbm.at[pl.ds(off, BLK)], sw[s])

        def tri_body(i, carry):
            for s in range(3):
                step(3 * i + s, s)
            return carry

        lax.fori_loop(0, NBLK // 3, tri_body, 0)
        step(NBLK - 1, (NBLK - 1) % 3)
        wait_write((NBLK - 1) % 3)

    return k(x_default, hpos3, tpos3, constant_table)


BT = 16384


def _tc_project(pred_ids, q, predicate_rel, w_proj, b_proj):
    pred3 = pred_ids.reshape(N_ATOMS // BT, 1, BT)
    b2 = b_proj.reshape(D_ATOM, 1)

    def body(pred_ref, q_ref, prel_ref, w_ref, b_ref, out_ref):
        pred = pred_ref[0, 0, :]
        oh = (pred[:, None]
              == lax.broadcasted_iota(jnp.int32, (BT, N_PREDS), 1)
              ).astype(jnp.float32)
        r = jnp.dot(oh, prel_ref[...], preferred_element_type=jnp.float32)
        inter = q_ref[...] * r
        acc = lax.dot_general(w_ref[...], inter, (((0,), (1,)), ((), ())),
                              preferred_element_type=jnp.float32)
        out_ref[...] = jnp.tanh(acc + b_ref[...])

    out_t = pl.pallas_call(
        body,
        grid=(N_ATOMS // BT,),
        in_specs=[
            pl.BlockSpec((1, 1, BT), lambda i: (i, 0, 0)),
            pl.BlockSpec((BT, D_CONST), lambda i: (i, 0)),
            pl.BlockSpec((N_PREDS, D_CONST), lambda i: (0, 0)),
            pl.BlockSpec((D_CONST, D_ATOM), lambda i: (0, 0)),
            pl.BlockSpec((D_ATOM, 1), lambda i: (0, 0)),
        ],
        out_specs=pl.BlockSpec((D_ATOM, BT), lambda i: (0, i)),
        out_shape=jax.ShapeDtypeStruct((D_ATOM, N_ATOMS), jnp.float32),
    )(pred3, q, predicate_rel, w_proj, b2)
    return out_t.T


def kernel(X_default, pred_ids, head_pos, tail_pos, constant_table,
           predicate_rel, W_proj, b_proj):
    X_default = X_default.astype(jnp.int32)
    pred_ids = pred_ids.astype(jnp.int32)
    head_pos = head_pos.astype(jnp.int32)
    tail_pos = tail_pos.astype(jnp.int32)
    q = _sc_interact(X_default, head_pos, tail_pos, constant_table)
    return _tc_project(pred_ids, q, predicate_rel, W_proj, b_proj)

# --- scband reference (transcript-rebuilt; emitter-appended) ---
"""Pipeline reference for scband-kgemodel-56341380989544 (READ-ONLY COPY).

The authoritative reference and input builder live on the scoring server;
editing this copy changes nothing except your own understanding.
"""

import jax, jax.numpy as jnp
import numpy as np

VOCAB = 100000
N_CONSTS = 16384
N_ATOMS = 65536
N_PREDS = 64
D_CONST = 128
D_ATOM = 64


def setup_inputs(seed: int = 0) -> dict:
    key = jax.random.key(seed)
    k1, k2, k3, k4, k5, k6, k7, k8 = jax.random.split(key, 8)
    X_default = jax.random.randint(k1, (N_CONSTS,), 0, VOCAB)
    pred_ids = jax.random.randint(k2, (N_ATOMS,), 0, N_PREDS)
    head_pos = jax.random.randint(k3, (N_ATOMS,), 0, N_CONSTS)
    tail_pos = jax.random.randint(k4, (N_ATOMS,), 0, N_CONSTS)
    constant_table = jax.random.normal(k5, (VOCAB, D_CONST), dtype=jnp.float32) * 0.02
    predicate_rel = jax.random.normal(k6, (N_PREDS, D_CONST), dtype=jnp.float32) * 0.02
    W_proj = jax.random.normal(k7, (D_CONST, D_ATOM), dtype=jnp.float32) * (1.0 / np.sqrt(D_CONST))
    b_proj = jnp.zeros((D_ATOM,), dtype=jnp.float32)
    return {
        "X_default": X_default,
        "pred_ids": pred_ids,
        "head_pos": head_pos,
        "tail_pos": tail_pos,
        "constant_table": constant_table,
        "predicate_rel": predicate_rel,
        "W_proj": W_proj,
        "b_proj": b_proj,
    }


def reference(X_default, pred_ids, head_pos, tail_pos, constant_table, predicate_rel, W_proj, b_proj):
    # ConstantEmbeddings: lookup constant embeddings for the grounded constants of the single domain
    const_emb = jnp.take(constant_table, X_default, axis=0)  # [N_CONSTS, D_CONST]
    # AtomEmbeddingLayer (DistMult-style embedder): per-atom gather of head/tail constant
    # embeddings and relation embedding, elementwise trilinear interaction, then projection
    h = jnp.take(const_emb, head_pos, axis=0)  # [N_ATOMS, D_CONST]
    t = jnp.take(const_emb, tail_pos, axis=0)  # [N_ATOMS, D_CONST]
    r = jnp.take(predicate_rel, pred_ids, axis=0)  # [N_ATOMS, D_CONST]
    interaction = h * r * t  # DistMult trilinear elementwise product
    atom_embeddings = jnp.tanh(interaction @ W_proj + b_proj)  # [N_ATOMS, D_ATOM]
    return atom_embeddings

if __name__ == "__main__":
    import jax
    _d = setup_inputs()
    print(jax.jit(kernel)(*tuple(_d.values())))

</pallas_src>

<mosaic_0001>
#map = affine_map<(d0, d1) -> (0)>
#map1 = affine_map<(d0, d1) -> (0, 0, 0)>
#map2 = affine_map<(d0, d1) -> (0, 0)>
module attributes {stable_mosaic.version = 14 : i64} {
  func.func @k(%arg0: i32, %arg1: i32, %arg2: memref<16384xi32, #tpu.memory_space<hbm>>, %arg3: memref<32x16x128xi32, #tpu.memory_space<hbm>>, %arg4: memref<32x16x128xi32, #tpu.memory_space<hbm>>, %arg5: memref<100000x128xf32, #tpu.memory_space<hbm>>, %arg6: memref<65536x128xf32, #tpu.memory_space<hbm>>, %arg7: memref<16x128xi32, #tpu.memory_space<vmem>>, %arg8: memref<16x128xi32, #tpu.memory_space<vmem>>, %arg9: memref<16x128xi32, #tpu.memory_space<vmem>>, %arg10: memref<16x128xi32, #tpu.memory_space<vmem>>, %arg11: memref<3x128x128xf32, #tpu.memory_space<vmem>>, %arg12: memref<3x128x128xf32, #tpu.memory_space<vmem>>, %arg13: memref<!tpu.dma_semaphore, #tpu.memory_space<semaphore_mem>>, %arg14: memref<!tpu.dma_semaphore, #tpu.memory_space<semaphore_mem>>, %arg15: memref<!tpu.dma_semaphore, #tpu.memory_space<semaphore_mem>>, %arg16: memref<!tpu.dma_semaphore, #tpu.memory_space<semaphore_mem>>, %arg17: memref<!tpu.dma_semaphore, #tpu.memory_space<semaphore_mem>>, %arg18: memref<!tpu.dma_semaphore, #tpu.memory_space<semaphore_mem>>, %arg19: memref<!tpu.dma_semaphore, #tpu.memory_space<semaphore_mem>>) attributes {dimension_semantics = [#tpu.dimension_semantics<core_parallel>, #tpu.dimension_semantics<subcore_parallel>], iteration_bounds = array<i64: 2, 16>, scalar_prefetch = 0 : i64, scratch_operands = 13 : i64, tpu.core_type = #tpu.core_type<sc_vector_subcore>, window_params = [{transform_indices = #map}, {transform_indices = #map1}, {transform_indices = #map1}, {transform_indices = #map2}, {transform_indices = #map2}]} {
    %mul3A = arith.constant 2 : i32
    %mul3A_0 = arith.muli %arg1, %mul3A : i32
    %add3A = arith.addi %mul3A_0, %arg0 : i32
    %mul3A_1 = arith.constant 2048 : i32
    %mul3A_2 = arith.muli %add3A, %mul3A_1 : i32
    %multiple_of3A = tpu.assume_multiple %mul3A_2, 2048 : i32
    "tpu.region"() ({
      %run_scoped3A = tpu.sem_alloc : memref<!tpu.dma_semaphore, #tpu.memory_space<semaphore_mem>>
      %dma_start3A_770 = arith.constant 0 : i32
      %dma_start3A_771 = arith.constant 0 : i32
      %dma_start3A_772 = tpu.memref_slice %arg3[%add3A, %dma_start3A_770, %dma_start3A_771] : memref<32x16x128xi32, #tpu.memory_space<hbm>> -> memref<1x16x128xi32, #tpu.memory_space<hbm>>
      %dma_start3A_773 = tpu.memref_squeeze %dma_start3A_772 : memref<1x16x128xi32, #tpu.memory_space<hbm>> -> memref<16x128xi32, #tpu.memory_space<hbm>>
      %dma_start3A_774 = arith.constant 0 : i32
      %dma_start3A_775 = arith.constant 0 : i32
      %dma_start3A_776 = tpu.memref_slice %arg3[%add3A, %dma_start3A_774, %dma_start3A_775] : memref<32x16x128xi32, #tpu.memory_space<hbm>> -> memref<1x16x128xi32, #tpu.memory_space<hbm>>
      %dma_start3A_777 = tpu.memref_squeeze %dma_start3A_776 : memref<1x16x128xi32, #tpu.memory_space<hbm>> -> memref<16x128xi32, #tpu.memory_space<hbm>>
      tpu.enqueue_dma source(%dma_start3A_777 : memref<16x128xi32, #tpu.memory_space<hbm>>) target(%arg7 : memref<16x128xi32, #tpu.memory_space<vmem>>) target_semaphore(%run_scoped3A : memref<!tpu.dma_semaphore, #tpu.memory_space<semaphore_mem>>)
      %dma_wait3A_778 = arith.constant 0 : i32
      %dma_wait3A_779 = arith.constant 0 : i32
      %dma_wait3A_780 = tpu.memref_slice %arg3[%add3A, %dma_wait3A_778, %dma_wait3A_779] : memref<32x16x128xi32, #tpu.memory_space<hbm>> -> memref<1x16x128xi32, #tpu.memory_space<hbm>>
      %dma_wait3A_781 = tpu.memref_squeeze %dma_wait3A_780 : memref<1x16x128xi32, #tpu.memory_space<hbm>> -> memref<16x128xi32, #tpu.memory_space<hbm>>
      %dma_wait3A_782 = arith.constant 0 : i32
      %dma_wait3A_783 = arith.constant 0 : i32
      %dma_wait3A_784 = tpu.memref_slice %arg3[%add3A, %dma_wait3A_782, %dma_wait3A_783] : memref<32x16x128xi32, #tpu.memory_space<hbm>> -> memref<1x16x128xi32, #tpu.memory_space<hbm>>
      %dma_wait3A_785 = tpu.memref_squeeze %dma_wait3A_784 : memref<1x16x128xi32, #tpu.memory_space<hbm>> -> memref<16x128xi32, #tpu.memory_space<hbm>>
      tpu.wait_dma2 semaphore(%run_scoped3A : memref<!tpu.dma_semaphore, #tpu.memory_space<semaphore_mem>>) src(%dma_wait3A_785 : memref<16x128xi32, #tpu.memory_space<hbm>>) dst(%arg7 : memref<16x128xi32, #tpu.memory_space<vmem>>)
      tpu.yield
    }) : () -> ()
    "tpu.region"() ({
      %run_scoped3A = tpu.sem_alloc : memref<!tpu.dma_semaphore, #tpu.memory_space<semaphore_mem>>
      %dma_start3A_770 = arith.constant 0 : i32
      %dma_start3A_771 = arith.constant 0 : i32
      %dma_start3A_772 = tpu.memref_slice %arg4[%add3A, %dma_start3A_770, %dma_start3A_771] : memref<32x16x128xi32, #tpu.memory_space<hbm>> -> memref<1x16x128xi32, #tpu.memory_space<hbm>>
      %dma_start3A_773 = tpu.memref_squeeze %dma_start3A_772 : memref<1x16x128xi32, #tpu.memory_space<hbm>> -> memref<16x128xi32, #tpu.memory_space<hbm>>
      %dma_start3A_774 = arith.constant 0 : i32
      %dma_start3A_775 = arith.constant 0 : i32
      %dma_start3A_776 = tpu.memref_slice %arg4[%add3A, %dma_start3A_774, %dma_start3A_775] : memref<32x16x128xi32, #tpu.memory_space<hbm>> -> memref<1x16x128xi32, #tpu.memory_space<hbm>>
      %dma_start3A_777 = tpu.memref_squeeze %dma_start3A_776 : memref<1x16x128xi32, #tpu.memory_space<hbm>> -> memref<16x128xi32, #tpu.memory_space<hbm>>
      tpu.enqueue_dma source(%dma_start3A_777 : memref<16x128xi32, #tpu.memory_space<hbm>>) target(%arg8 : memref<16x128xi32, #tpu.memory_space<vmem>>) target_semaphore(%run_scoped3A : memref<!tpu.dma_semaphore, #tpu.memory_space<semaphore_mem>>)
      %dma_wait3A_778 = arith.constant 0 : i32
      %dma_wait3A_779 = arith.constant 0 : i32
      %dma_wait3A_780 = tpu.memref_slice %arg4[%add3A, %dma_wait3A_778, %dma_wait3A_779] : memref<32x16x128xi32, #tpu.memory_space<hbm>> -> memref<1x16x128xi32, #tpu.memory_space<hbm>>
      %dma_wait3A_781 = tpu.memref_squeeze %dma_wait3A_780 : memref<1x16x128xi32, #tpu.memory_space<hbm>> -> memref<16x128xi32, #tpu.memory_space<hbm>>
      %dma_wait3A_782 = arith.constant 0 : i32
      %dma_wait3A_783 = arith.constant 0 : i32
      %dma_wait3A_784 = tpu.memref_slice %arg4[%add3A, %dma_wait3A_782, %dma_wait3A_783] : memref<32x16x128xi32, #tpu.memory_space<hbm>> -> memref<1x16x128xi32, #tpu.memory_space<hbm>>
      %dma_wait3A_785 = tpu.memref_squeeze %dma_wait3A_784 : memref<1x16x128xi32, #tpu.memory_space<hbm>> -> memref<16x128xi32, #tpu.memory_space<hbm>>
      tpu.wait_dma2 semaphore(%run_scoped3A : memref<!tpu.dma_semaphore, #tpu.memory_space<semaphore_mem>>) src(%dma_wait3A_785 : memref<16x128xi32, #tpu.memory_space<hbm>>) dst(%arg8 : memref<16x128xi32, #tpu.memory_space<vmem>>)
      tpu.yield
    }) : () -> ()
    %dma_start3A = arith.constant 0 : i32
    %dma_start3A_3 = arith.constant 0 : i32
    %dma_start3A_4 = arith.constant 0 : i32
    %dma_start3A_5 = tpu.memref_slice %arg9[%dma_start3A_3, %dma_start3A_4] : memref<16x128xi32, #tpu.memory_space<vmem>> -> memref<1x128xi32, #tpu.memory_space<vmem>>
    %dma_start3A_6 = tpu.memref_squeeze %dma_start3A_5 : memref<1x128xi32, #tpu.memory_space<vmem>> -> memref<128xi32, #tpu.memory_space<vmem>>
    %dma_start3A_7 = arith.constant 0 : i32
    %dma_start3A_8 = tpu.memref_slice %arg7[%dma_start3A, %dma_start3A_7] : memref<16x128xi32, #tpu.memory_space<vmem>> -> memref<1x128xi32, #tpu.memory_space<vmem>>
    %dma_start3A_9 = tpu.memref_squeeze %dma_start3A_8 : memref<1x128xi32, #tpu.memory_space<vmem>> -> memref<128xi32, #tpu.memory_space<vmem>>
    %dma_start3A_10 = arith.constant 0 : i32
    %dma_start3A_11 = tpu.memref_slice %arg2[%dma_start3A_10] : memref<16384xi32, #tpu.memory_space<hbm>> -> memref<16384xi32, #tpu.memory_space<hbm>>
    tpu.enqueue_indirect_dma source(%dma_start3A_11 : memref<16384xi32, #tpu.memory_space<hbm>>) target(%dma_start3A_6 : memref<128xi32, #tpu.memory_space<vmem>>) offsets(%dma_start3A_9 : memref<128xi32, #tpu.memory_space<vmem>>) semaphore(%arg19 : memref<!tpu.dma_semaphore, #tpu.memory_space<semaphore_mem>>)
    %dma_start3A_12 = arith.constant 0 : i32
    %dma_start3A_13 = arith.constant 0 : i32
    %dma_start3A_14 = arith.constant 0 : i32
    %dma_start3A_15 = tpu.memref_slice %arg10[%dma_start3A_13, %dma_start3A_14] : memref<16x128xi32, #tpu.memory_space<vmem>> -> memref<1x128xi32, #tpu.memory_space<vmem>>
    %dma_start3A_16 = tpu.memref_squeeze %dma_start3A_15 : memref<1x128xi32, #tpu.memory_space<vmem>> -> memref<128xi32, #tpu.memory_space<vmem>>
    %dma_start3A_17 = arith.constant 0 : i32
    %dma_start3A_18 = tpu.memref_slice %arg8[%dma_start3A_12, %dma_start3A_17] : memref<16x128xi32, #tpu.memory_space<vmem>> -> memref<1x128xi32, #tpu.memory_space<vmem>>
    %dma_start3A_19 = tpu.memref_squeeze %dma_start3A_18 : memref<1x128xi32, #tpu.memory_space<vmem>> -> memref<128xi32, #tpu.memory_space<vmem>>
    %dma_start3A_20 = arith.constant 0 : i32
    %dma_start3A_21 = tpu.memref_slice %arg2[%dma_start3A_20] : memref<16384xi32, #tpu.memory_space<hbm>> -> memref<16384xi32, #tpu.memory_space<hbm>>
    tpu.enqueue_indirect_dma source(%dma_start3A_21 : memref<16384xi32, #tpu.memory_space<hbm>>) target(%dma_start3A_16 : memref<128xi32, #tpu.memory_space<vmem>>) offsets(%dma_start3A_19 : memref<128xi32, #tpu.memory_space<vmem>>) semaphore(%arg19 : memref<!tpu.dma_semaphore, #tpu.memory_space<semaphore_mem>>)
    %dma_start3A_22 = arith.constant 1 : i32
    %dma_start3A_23 = arith.constant 1 : i32
    %dma_start3A_24 = arith.constant 0 : i32
    %dma_start3A_25 = tpu.memref_slice %arg9[%dma_start3A_23, %dma_start3A_24] : memref<16x128xi32, #tpu.memory_space<vmem>> -> memref<1x128xi32, #tpu.memory_space<vmem>>
    %dma_start3A_26 = tpu.memref_squeeze %dma_start3A_25 : memref<1x128xi32, #tpu.memory_space<vmem>> -> memref<128xi32, #tpu.memory_space<vmem>>
    %dma_start3A_27 = arith.constant 0 : i32
    %dma_start3A_28 = tpu.memref_slice %arg7[%dma_start3A_22, %dma_start3A_27] : memref<16x128xi32, #tpu.memory_space<vmem>> -> memref<1x128xi32, #tpu.memory_space<vmem>>
    %dma_start3A_29 = tpu.memref_squeeze %dma_start3A_28 : memref<1x128xi32, #tpu.memory_space<vmem>> -> memref<128xi32, #tpu.memory_space<vmem>>
    %dma_start3A_30 = arith.constant 0 : i32
    %dma_start3A_31 = tpu.memref_slice %arg2[%dma_start3A_30] : memref<16384xi32, #tpu.memory_space<hbm>> -> memref<16384xi32, #tpu.memory_space<hbm>>
    tpu.enqueue_indirect_dma source(%dma_start3A_31 : memref<16384xi32, #tpu.memory_space<hbm>>) target(%dma_start3A_26 : memref<128xi32, #tpu.memory_space<vmem>>) offsets(%dma_start3A_29 : memref<128xi32, #tpu.memory_space<vmem>>) semaphore(%arg19 : memref<!tpu.dma_semaphore, #tpu.memory_space<semaphore_mem>>)
    %dma_start3A_32 = arith.constant 1 : i32
    %dma_start3A_33 = arith.constant 1 : i32
    %dma_start3A_34 = arith.constant 0 : i32
    %dma_start3A_35 = tpu.memref_slice %arg10[%dma_start3A_33, %dma_start3A_34] : memref<16x128xi32, #tpu.memory_space<vmem>> -> memref<1x128xi32, #tpu.memory_space<vmem>>
    %dma_start3A_36 = tpu.memref_squeeze %dma_start3A_35 : memref<1x128xi32, #tpu.memory_space<vmem>> -> memref<128xi32, #tpu.memory_space<vmem>>
    %dma_start3A_37 = arith.constant 0 : i32
    %dma_start3A_38 = tpu.memref_slice %arg8[%dma_start3A_32, %dma_start3A_37] : memref<16x128xi32, #tpu.memory_space<vmem>> -> memref<1x128xi32, #tpu.memory_space<vmem>>
    %dma_start3A_39 = tpu.memref_squeeze %dma_start3A_38 : memref<1x128xi32, #tpu.memory_space<vmem>> -> memref<128xi32, #tpu.memory_space<vmem>>
    %dma_start3A_40 = arith.constant 0 : i32
    %dma_start3A_41 = tpu.memref_slice %arg2[%dma_start3A_40] : memref<16384xi32, #tpu.memory_space<hbm>> -> memref<16384xi32, #tpu.memory_space<hbm>>
    tpu.enqueue_indirect_dma source(%dma_start3A_41 : memref<16384xi32, #tpu.memory_space<hbm>>) target(%dma_start3A_36 : memref<128xi32, #tpu.memory_space<vmem>>) offsets(%dma_start3A_39 : memref<128xi32, #tpu.memory_space<vmem>>) semaphore(%arg19 : memref<!tpu.dma_semaphore, #tpu.memory_space<semaphore_mem>>)
    %dma_start3A_42 = arith.constant 2 : i32
    %dma_start3A_43 = arith.constant 2 : i32
    %dma_start3A_44 = arith.constant 0 : i32
    %dma_start3A_45 = tpu.memref_slice %arg9[%dma_start3A_43, %dma_start3A_44] : memref<16x128xi32, #tpu.memory_space<vmem>> -> memref<1x128xi32, #tpu.memory_space<vmem>>
    %dma_start3A_46 = tpu.memref_squeeze %dma_start3A_45 : memref<1x128xi32, #tpu.memory_space<vmem>> -> memref<128xi32, #tpu.memory_space<vmem>>
    %dma_start3A_47 = arith.constant 0 : i32
    %dma_start3A_48 = tpu.memref_slice %arg7[%dma_start3A_42, %dma_start3A_47] : memref<16x128xi32, #tpu.memory_space<vmem>> -> memref<1x128xi32, #tpu.memory_space<vmem>>
    %dma_start3A_49 = tpu.memref_squeeze %dma_start3A_48 : memref<1x128xi32, #tpu.memory_space<vmem>> -> memref<128xi32, #tpu.memory_space<vmem>>
    %dma_start3A_50 = arith.constant 0 : i32
    %dma_start3A_51 = tpu.memref_slice %arg2[%dma_start3A_50] : memref<16384xi32, #tpu.memory_space<hbm>> -> memref<16384xi32, #tpu.memory_space<hbm>>
    tpu.enqueue_indirect_dma source(%dma_start3A_51 : memref<16384xi32, #tpu.memory_space<hbm>>) target(%dma_start3A_46 : memref<128xi32, #tpu.memory_space<vmem>>) offsets(%dma_start3A_49 : memref<128xi32, #tpu.memory_space<vmem>>) semaphore(%arg19 : memref<!tpu.dma_semaphore, #tpu.memory_space<semaphore_mem>>)
    %dma_start3A_52 = arith.constant 2 : i32
    %dma_start3A_53 = arith.constant 2 : i32
    %dma_start3A_54 = arith.constant 0 : i32
    %dma_start3A_55 = tpu.memref_slice %arg10[%dma_start3A_53, %dma_start3A_54] : memref<16x128xi32, #tpu.memory_space<vmem>> -> memref<1x128xi32, #tpu.memory_space<vmem>>
    %dma_start3A_56 = tpu.memref_squeeze %dma_start3A_55 : memref<1x128xi32, #tpu.memory_space<vmem>> -> memref<128xi32, #tpu.memory_space<vmem>>
    %dma_start3A_57 = arith.constant 0 : i32
    %dma_start3A_58 = tpu.memref_slice %arg8[%dma_start3A_52, %dma_start3A_57] : memref<16x128xi32, #tpu.memory_space<vmem>> -> memref<1x128xi32, #tpu.memory_space<vmem>>
    %dma_start3A_59 = tpu.memref_squeeze %dma_start3A_58 : memref<1x128xi32, #tpu.memory_space<vmem>> -> memref<128xi32, #tpu.memory_space<vmem>>
    %dma_start3A_60 = arith.constant 0 : i32
    %dma_start3A_61 = tpu.memref_slice %arg2[%dma_start3A_60] : memref<16384xi32, #tpu.memory_space<hbm>> -> memref<16384xi32, #tpu.memory_space<hbm>>
    tpu.enqueue_indirect_dma source(%dma_start3A_61 : memref<16384xi32, #tpu.memory_space<hbm>>) target(%dma_start3A_56 : memref<128xi32, #tpu.memory_space<vmem>>) offsets(%dma_start3A_59 : memref<128xi32, #tpu.memory_space<vmem>>) semaphore(%arg19 : memref<!tpu.dma_semaphore, #tpu.memory_space<semaphore_mem>>)
    %dma_start3A_62 = arith.constant 3 : i32
    %dma_start3A_63 = arith.constant 3 : i32
    %dma_start3A_64 = arith.constant 0 : i32
    %dma_start3A_65 = tpu.memref_slice %arg9[%dma_start3A_63, %dma_start3A_64] : memref<16x128xi32, #tpu.memory_space<vmem>> -> memref<1x128xi32, #tpu.memory_space<vmem>>
    %dma_start3A_66 = tpu.memref_squeeze %dma_start3A_65 : memref<1x128xi32, #tpu.memory_space<vmem>> -> memref<128xi32, #tpu.memory_space<vmem>>
    %dma_start3A_67 = arith.constant 0 : i32
    %dma_start3A_68 = tpu.memref_slice %arg7[%dma_start3A_62, %dma_start3A_67] : memref<16x128xi32, #tpu.memory_space<vmem>> -> memref<1x128xi32, #tpu.memory_space<vmem>>
    %dma_start3A_69 = tpu.memref_squeeze %dma_start3A_68 : memref<1x128xi32, #tpu.memory_space<vmem>> -> memref<128xi32, #tpu.memory_space<vmem>>
    %dma_start3A_70 = arith.constant 0 : i32
    %dma_start3A_71 = tpu.memref_slice %arg2[%dma_start3A_70] : memref<16384xi32, #tpu.memory_space<hbm>> -> memref<16384xi32, #tpu.memory_space<hbm>>
    tpu.enqueue_indirect_dma source(%dma_start3A_71 : memref<16384xi32, #tpu.memory_space<hbm>>) target(%dma_start3A_66 : memref<128xi32, #tpu.memory_space<vmem>>) offsets(%dma_start3A_69 : memref<128xi32, #tpu.memory_space<vmem>>) semaphore(%arg19 : memref<!tpu.dma_semaphore, #tpu.memory_space<semaphore_mem>>)
    %dma_start3A_72 = arith.constant 3 : i32
    %dma_start3A_73 = arith.constant 3 : i32
    %dma_start3A_74 = arith.constant 0 : i32
    %dma_start3A_75 = tpu.memref_slice %arg10[%dma_start3A_73, %dma_start3A_74] : memref<16x128xi32, #tpu.memory_space<vmem>> -> memref<1x128xi32, #tpu.memory_space<vmem>>
    %dma_start3A_76 = tpu.memref_squeeze %dma_start3A_75 : memref<1x128xi32, #tpu.memory_space<vmem>> -> memref<128xi32, #tpu.memory_space<vmem>>
    %dma_start3A_77 = arith.constant 0 : i32
    %dma_start3A_78 = tpu.memref_slice %arg8[%dma_start3A_72, %dma_start3A_77] : memref<16x128xi32, #tpu.memory_space<vmem>> -> memref<1x128xi32, #tpu.memory_space<vmem>>
    %dma_start3A_79 = tpu.memref_squeeze %dma_start3A_78 : memref<1x128xi32, #tpu.memory_space<vmem>> -> memref<128xi32, #tpu.memory_space<vmem>>
    %dma_start3A_80 = arith.constant 0 : i32
    %dma_start3A_81 = tpu.memref_slice %arg2[%dma_start3A_80] : memref<16384xi32, #tpu.memory_space<hbm>> -> memref<16384xi32, #tpu.memory_space<hbm>>
    tpu.enqueue_indirect_dma source(%dma_start3A_81 : memref<16384xi32, #tpu.memory_space<hbm>>) target(%dma_start3A_76 : memref<128xi32, #tpu.memory_space<vmem>>) offsets(%dma_start3A_79 : memref<128xi32, #tpu.memory_space<vmem>>) semaphore(%arg19 : memref<!tpu.dma_semaphore, #tpu.memory_space<semaphore_mem>>)
    %dma_start3A_82 = arith.constant 4 : i32
    %dma_start3A_83 = arith.constant 4 : i32
    %dma_start3A_84 = arith.constant 0 : i32
    %dma_start3A_85 = tpu.memref_slice %arg9[%dma_start3A_83, %dma_start3A_84] : memref<16x128xi32, #tpu.memory_space<vmem>> -> memref<1x128xi32, #tpu.memory_space<vmem>>
    %dma_start3A_86 = tpu.memref_squeeze %dma_start3A_85 : memref<1x128xi32, #tpu.memory_space<vmem>> -> memref<128xi32, #tpu.memory_space<vmem>>
    %dma_start3A_87 = arith.constant 0 : i32
    %dma_start3A_88 = tpu.memref_slice %arg7[%dma_start3A_82, %dma_start3A_87] : memref<16x128xi32, #tpu.memory_space<vmem>> -> memref<1x128xi32, #tpu.memory_space<vmem>>
    %dma_start3A_89 = tpu.memref_squeeze %dma_start3A_88 : memref<1x128xi32, #tpu.memory_space<vmem>> -> memref<128xi32, #tpu.memory_space<vmem>>
    %dma_start3A_90 = arith.constant 0 : i32
    %dma_start3A_91 = tpu.memref_slice %arg2[%dma_start3A_90] : memref<16384xi32, #tpu.memory_space<hbm>> -> memref<16384xi32, #tpu.memory_space<hbm>>
    tpu.enqueue_indirect_dma source(%dma_start3A_91 : memref<16384xi32, #tpu.memory_space<hbm>>) target(%dma_start3A_86 : memref<128xi32, #tpu.memory_space<vmem>>) offsets(%dma_start3A_89 : memref<128xi32, #tpu.memory_space<vmem>>) semaphore(%arg19 : memref<!tpu.dma_semaphore, #tpu.memory_space<semaphore_mem>>)
    %dma_start3A_92 = arith.constant 4 : i32
    %dma_start3A_93 = arith.constant 4 : i32
    %dma_start3A_94 = arith.constant 0 : i32
    %dma_start3A_95 = tpu.memref_slice %arg10[%dma_start3A_93, %dma_start3A_94] : memref<16x128xi32, #tpu.memory_space<vmem>> -> memref<1x128xi32, #tpu.memory_space<vmem>>
    %dma_start3A_96 = tpu.memref_squeeze %dma_start3A_95 : memref<1x128xi32, #tpu.memory_space<vmem>> -> memref<128xi32, #tpu.memory_space<vmem>>
    %dma_start3A_97 = arith.constant 0 : i32
    %dma_start3A_98 = tpu.memref_slice %arg8[%dma_start3A_92, %dma_start3A_97] : memref<16x128xi32, #tpu.memory_space<vmem>> -> memref<1x128xi32, #tpu.memory_space<vmem>>
    %dma_start3A_99 = tpu.memref_squeeze %dma_start3A_98 : memref<1x128xi32, #tpu.memory_space<vmem>> -> memref<128xi32, #tpu.memory_space<vmem>>
    %dma_start3A_100 = arith.constant 0 : i32
    %dma_start3A_101 = tpu.memref_slice %arg2[%dma_start3A_100] : memref<16384xi32, #tpu.memory_space<hbm>> -> memref<16384xi32, #tpu.memory_space<hbm>>
    tpu.enqueue_indirect_dma source(%dma_start3A_101 : memref<16384xi32, #tpu.memory_space<hbm>>) target(%dma_start3A_96 : memref<128xi32, #tpu.memory_space<vmem>>) offsets(%dma_start3A_99 : memref<128xi32, #tpu.memory_space<vmem>>) semaphore(%arg19 : memref<!tpu.dma_semaphore, #tpu.memory_space<semaphore_mem>>)
    %dma_start3A_102 = arith.constant 5 : i32
    %dma_start3A_103 = arith.constant 5 : i32
    %dma_start3A_104 = arith.constant 0 : i32
    %dma_start3A_105 = tpu.memref_slice %arg9[%dma_start3A_103, %dma_start3A_104] : memref<16x128xi32, #tpu.memory_space<vmem>> -> memref<1x128xi32, #tpu.memory_space<vmem>>
    %dma_start3A_106 = tpu.memref_squeeze %dma_start3A_105 : memref<1x128xi32, #tpu.memory_space<vmem>> -> memref<128xi32, #tpu.memory_space<vmem>>
    %dma_start3A_107 = arith.constant 0 : i32
    %dma_start3A_108 = tpu.memref_slice %arg7[%dma_start3A_102, %dma_start3A_107] : memref<16x128xi32, #tpu.memory_space<vmem>> -> memref<1x128xi32, #tpu.memory_space<vmem>>
    %dma_start3A_109 = tpu.memref_squeeze %dma_start3A_108 : memref<1x128xi32, #tpu.memory_space<vmem>> -> memref<128xi32, #tpu.memory_space<vmem>>
    %dma_start3A_110 = arith.constant 0 : i32
    %dma_start3A_111 = tpu.memref_slice %arg2[%dma_start3A_110] : memref<16384xi32, #tpu.memory_space<hbm>> -> memref<16384xi32, #tpu.memory_space<hbm>>
    tpu.enqueue_indirect_dma source(%dma_start3A_111 : memref<16384xi32, #tpu.memory_space<hbm>>) target(%dma_start3A_106 : memref<128xi32, #tpu.memory_space<vmem>>) offsets(%dma_start3A_109 : memref<128xi32, #tpu.memory_space<vmem>>) semaphore(%arg19 : memref<!tpu.dma_semaphore, #tpu.memory_space<semaphore_mem>>)
    %dma_start3A_112 = arith.constant 5 : i32
    %dma_start3A_113 = arith.constant 5 : i32
    %dma_start3A_114 = arith.constant 0 : i32
    %dma_start3A_115 = tpu.memref_slice %arg10[%dma_start3A_113, %dma_start3A_114] : memref<16x128xi32, #tpu.memory_space<vmem>> -> memref<1x128xi32, #tpu.memory_space<vmem>>
    %dma_start3A_116 = tpu.memref_squeeze %dma_start3A_115 : memref<1x128xi32, #tpu.memory_space<vmem>> -> memref<128xi32, #tpu.memory_space<vmem>>
    %dma_start3A_117 = arith.constant 0 : i32
    %dma_start3A_118 = tpu.memref_slice %arg8[%dma_start3A_112, %dma_start3A_117] : memref<16x128xi32, #tpu.memory_space<vmem>> -> memref<1x128xi32, #tpu.memory_space<vmem>>
    %dma_start3A_119 = tpu.memref_squeeze %dma_start3A_118 : memref<1x128xi32, #tpu.memory_space<vmem>> -> memref<128xi32, #tpu.memory_space<vmem>>
    %dma_start3A_120 = arith.constant 0 : i32
    %dma_start3A_121 = tpu.memref_slice %arg2[%dma_start3A_120] : memref<16384xi32, #tpu.memory_space<hbm>> -> memref<16384xi32, #tpu.memory_space<hbm>>
    tpu.enqueue_indirect_dma source(%dma_start3A_121 : memref<16384xi32, #tpu.memory_space<hbm>>) target(%dma_start3A_116 : memref<128xi32, #tpu.memory_space<vmem>>) offsets(%dma_start3A_119 : memref<128xi32, #tpu.memory_space<vmem>>) semaphore(%arg19 : memref<!tpu.dma_semaphore, #tpu.memory_space<semaphore_mem>>)
    %dma_start3A_122 = arith.constant 6 : i32
    %dma_start3A_123 = arith.constant 6 : i32
    %dma_start3A_124 = arith.constant 0 : i32
    %dma_start3A_125 = tpu.memref_slice %arg9[%dma_start3A_123, %dma_start3A_124] : memref<16x128xi32, #tpu.memory_space<vmem>> -> memref<1x128xi32, #tpu.memory_space<vmem>>
    %dma_start3A_126 = tpu.memref_squeeze %dma_start3A_125 : memref<1x128xi32, #tpu.memory_space<vmem>> -> memref<128xi32, #tpu.memory_space<vmem>>
    %dma_start3A_127 = arith.constant 0 : i32
    %dma_start3A_128 = tpu.memref_slice %arg7[%dma_start3A_122, %dma_start3A_127] : memref<16x128xi32, #tpu.memory_space<vmem>> -> memref<1x128xi32, #tpu.memory_space<vmem>>
    %dma_start3A_129 = tpu.memref_squeeze %dma_start3A_128 : memref<1x128xi32, #tpu.memory_space<vmem>> -> memref<128xi32, #tpu.memory_space<vmem>>
    %dma_start3A_130 = arith.constant 0 : i32
    %dma_start3A_131 = tpu.memref_slice %arg2[%dma_start3A_130] : memref<16384xi32, #tpu.memory_space<hbm>> -> memref<16384xi32, #tpu.memory_space<hbm>>
    tpu.enqueue_indirect_dma source(%dma_start3A_131 : memref<16384xi32, #tpu.memory_space<hbm>>) target(%dma_start3A_126 : memref<128xi32, #tpu.memory_space<vmem>>) offsets(%dma_start3A_129 : memref<128xi32, #tpu.memory_space<vmem>>) semaphore(%arg19 : memref<!tpu.dma_semaphore, #tpu.memory_space<semaphore_mem>>)
    %dma_start3A_132 = arith.constant 6 : i32
    %dma_start3A_133 = arith.constant 6 : i32
    %dma_start3A_134 = arith.constant 0 : i32
    %dma_start3A_135 = tpu.memref_slice %arg10[%dma_start3A_133, %dma_start3A_134] : memref<16x128xi32, #tpu.memory_space<vmem>> -> memref<1x128xi32, #tpu.memory_space<vmem>>
    %dma_start3A_136 = tpu.memref_squeeze %dma_start3A_135 : memref<1x128xi32, #tpu.memory_space<vmem>> -> memref<128xi32, #tpu.memory_space<vmem>>
    %dma_start3A_137 = arith.constant 0 : i32
    %dma_start3A_138 = tpu.memref_slice %arg8[%dma_start3A_132, %dma_start3A_137] : memref<16x128xi32, #tpu.memory_space<vmem>> -> memref<1x128xi32, #tpu.memory_space<vmem>>
    %dma_start3A_139 = tpu.memref_squeeze %dma_start3A_138 : memref<1x128xi32, #tpu.memory_space<vmem>> -> memref<128xi32, #tpu.memory_space<vmem>>
    %dma_start3A_140 = arith.constant 0 : i32
    %dma_start3A_141 = tpu.memref_slice %arg2[%dma_start3A_140] : memref<16384xi32, #tpu.memory_space<hbm>> -> memref<16384xi32, #tpu.memory_space<hbm>>
    tpu.enqueue_indirect_dma source(%dma_start3A_141 : memref<16384xi32, #tpu.memory_space<hbm>>) target(%dma_start3A_136 : memref<128xi32, #tpu.memory_space<vmem>>) offsets(%dma_start3A_139 : memref<128xi32, #tpu.memory_space<vmem>>) semaphore(%arg19 : memref<!tpu.dma_semaphore, #tpu.memory_space<semaphore_mem>>)
    %dma_start3A_142 = arith.constant 7 : i32
    %dma_start3A_143 = arith.constant 7 : i32
    %dma_start3A_144 = arith.constant 0 : i32
    %dma_start3A_145 = tpu.memref_slice %arg9[%dma_start3A_143, %dma_start3A_144] : memref<16x128xi32, #tpu.memory_space<vmem>> -> memref<1x128xi32, #tpu.memory_space<vmem>>
    %dma_start3A_146 = tpu.memref_squeeze %dma_start3A_145 : memref<1x128xi32, #tpu.memory_space<vmem>> -> memref<128xi32, #tpu.memory_space<vmem>>
    %dma_start3A_147 = arith.constant 0 : i32
    %dma_start3A_148 = tpu.memref_slice %arg7[%dma_start3A_142, %dma_start3A_147] : memref<16x128xi32, #tpu.memory_space<vmem>> -> memref<1x128xi32, #tpu.memory_space<vmem>>
    %dma_start3A_149 = tpu.memref_squeeze %dma_start3A_148 : memref<1x128xi32, #tpu.memory_space<vmem>> -> memref<128xi32, #tpu.memory_space<vmem>>
    %dma_start3A_150 = arith.constant 0 : i32
    %dma_start3A_151 = tpu.memref_slice %arg2[%dma_start3A_150] : memref<16384xi32, #tpu.memory_space<hbm>> -> memref<16384xi32, #tpu.memory_space<hbm>>
    tpu.enqueue_indirect_dma source(%dma_start3A_151 : memref<16384xi32, #tpu.memory_space<hbm>>) target(%dma_start3A_146 : memref<128xi32, #tpu.memory_space<vmem>>) offsets(%dma_start3A_149 : memref<128xi32, #tpu.memory_space<vmem>>) semaphore(%arg19 : memref<!tpu.dma_semaphore, #tpu.memory_space<semaphore_mem>>)
    %dma_start3A_152 = arith.constant 7 : i32
    %dma_start3A_153 = arith.constant 7 : i32
    %dma_start3A_154 = arith.constant 0 : i32
    %dma_start3A_155 = tpu.memref_slice %arg10[%dma_start3A_153, %dma_start3A_154] : memref<16x128xi32, #tpu.memory_space<vmem>> -> memref<1x128xi32, #tpu.memory_space<vmem>>
    %dma_start3A_156 = tpu.memref_squeeze %dma_start3A_155 : memref<1x128xi32, #tpu.memory_space<vmem>> -> memref<128xi32, #tpu.memory_space<vmem>>
    %dma_start3A_157 = arith.constant 0 : i32
    %dma_start3A_158 = tpu.memref_slice %arg8[%dma_start3A_152, %dma_start3A_157] : memref<16x128xi32, #tpu.memory_space<vmem>> -> memref<1x128xi32, #tpu.memory_space<vmem>>
    %dma_start3A_159 = tpu.memref_squeeze %dma_start3A_158 : memref<1x128xi32, #tpu.memory_space<vmem>> -> memref<128xi32, #tpu.memory_space<vmem>>
    %dma_start3A_160 = arith.constant 0 : i32
    %dma_start3A_161 = tpu.memref_slice %arg2[%dma_start3A_160] : memref<16384xi32, #tpu.memory_space<hbm>> -> memref<16384xi32, #tpu.memory_space<hbm>>
    tpu.enqueue_indirect_dma source(%dma_start3A_161 : memref<16384xi32, #tpu.memory_space<hbm>>) target(%dma_start3A_156 : memref<128xi32, #tpu.memory_space<vmem>>) offsets(%dma_start3A_159 : memref<128xi32, #tpu.memory_space<vmem>>) semaphore(%arg19 : memref<!tpu.dma_semaphore, #tpu.memory_space<semaphore_mem>>)
    %dma_start3A_162 = arith.constant 8 : i32
    %dma_start3A_163 = arith.constant 8 : i32
    %dma_start3A_164 = arith.constant 0 : i32
    %dma_start3A_165 = tpu.memref_slice %arg9[%dma_start3A_163, %dma_start3A_164] : memref<16x128xi32, #tpu.memory_space<vmem>> -> memref<1x128xi32, #tpu.memory_space<vmem>>
    %dma_start3A_166 = tpu.memref_squeeze %dma_start3A_165 : memref<1x128xi32, #tpu.memory_space<vmem>> -> memref<128xi32, #tpu.memory_space<vmem>>
    %dma_start3A_167 = arith.constant 0 : i32
    %dma_start3A_168 = tpu.memref_slice %arg7[%dma_start3A_162, %dma_start3A_167] : memref<16x128xi32, #tpu.memory_space<vmem>> -> memref<1x128xi32, #tpu.memory_space<vmem>>
    %dma_start3A_169 = tpu.memref_squeeze %dma_start3A_168 : memref<1x128xi32, #tpu.memory_space<vmem>> -> memref<128xi32, #tpu.memory_space<vmem>>
    %dma_start3A_170 = arith.constant 0 : i32
    %dma_start3A_171 = tpu.memref_slice %arg2[%dma_start3A_170] : memref<16384xi32, #tpu.memory_space<hbm>> -> memref<16384xi32, #tpu.memory_space<hbm>>
    tpu.enqueue_indirect_dma source(%dma_start3A_171 : memref<16384xi32, #tpu.memory_space<hbm>>) target(%dma_start3A_166 : memref<128xi32, #tpu.memory_space<vmem>>) offsets(%dma_start3A_169 : memref<128xi32, #tpu.memory_space<vmem>>) semaphore(%arg19 : memref<!tpu.dma_semaphore, #tpu.memory_space<semaphore_mem>>)
    %dma_start3A_172 = arith.constant 8 : i32
    %dma_start3A_173 = arith.constant 8 : i32
    %dma_start3A_174 = arith.constant 0 : i32
    %dma_start3A_175 = tpu.memref_slice %arg10[%dma_start3A_173, %dma_start3A_174] : memref<16x128xi32, #tpu.memory_space<vmem>> -> memref<1x128xi32, #tpu.memory_space<vmem>>
    %dma_start3A_176 = tpu.memref_squeeze %dma_start3A_175 : memref<1x128xi32, #tpu.memory_space<vmem>> -> memref<128xi32, #tpu.memory_space<vmem>>
    %dma_start3A_177 = arith.constant 0 : i32
    %dma_start3A_178 = tpu.memref_slice %arg8[%dma_start3A_172, %dma_start3A_177] : memref<16x128xi32, #tpu.memory_space<vmem>> -> memref<1x128xi32, #tpu.memory_space<vmem>>
    %dma_start3A_179 = tpu.memref_squeeze %dma_start3A_178 : memref<1x128xi32, #tpu.memory_space<vmem>> -> memref<128xi32, #tpu.memory_space<vmem>>
    %dma_start3A_180 = arith.constant 0 : i32
    %dma_start3A_181 = tpu.memref_slice %arg2[%dma_start3A_180] : memref<16384xi32, #tpu.memory_space<hbm>> -> memref<16384xi32, #tpu.memory_space<hbm>>
    tpu.enqueue_indirect_dma source(%dma_start3A_181 : memref<16384xi32, #tpu.memory_space<hbm>>) target(%dma_start3A_176 : memref<128xi32, #tpu.memory_space<vmem>>) offsets(%dma_start3A_179 : memref<128xi32, #tpu.memory_space<vmem>>) semaphore(%arg19 : memref<!tpu.dma_semaphore, #tpu.memory_space<semaphore_mem>>)
    %dma_start3A_182 = arith.constant 9 : i32
    %dma_start3A_183 = arith.constant 9 : i32
    %dma_start3A_184 = arith.constant 0 : i32
    %dma_start3A_185 = tpu.memref_slice %arg9[%dma_start3A_183, %dma_start3A_184] : memref<16x128xi32, #tpu.memory_space<vmem>> -> memref<1x128xi32, #tpu.memory_space<vmem>>
    %dma_start3A_186 = tpu.memref_squeeze %dma_start3A_185 : memref<1x128xi32, #tpu.memory_space<vmem>> -> memref<128xi32, #tpu.memory_space<vmem>>
    %dma_start3A_187 = arith.constant 0 : i32
    %dma_start3A_188 = tpu.memref_slice %arg7[%dma_start3A_182, %dma_start3A_187] : memref<16x128xi32, #tpu.memory_space<vmem>> -> memref<1x128xi32, #tpu.memory_space<vmem>>
    %dma_start3A_189 = tpu.memref_squeeze %dma_start3A_188 : memref<1x128xi32, #tpu.memory_space<vmem>> -> memref<128xi32, #tpu.memory_space<vmem>>
    %dma_start3A_190 = arith.constant 0 : i32
    %dma_start3A_191 = tpu.memref_slice %arg2[%dma_start3A_190] : memref<16384xi32, #tpu.memory_space<hbm>> -> memref<16384xi32, #tpu.memory_space<hbm>>
    tpu.enqueue_indirect_dma source(%dma_start3A_191 : memref<16384xi32, #tpu.memory_space<hbm>>) target(%dma_start3A_186 : memref<128xi32, #tpu.memory_space<vmem>>) offsets(%dma_start3A_189 : memref<128xi32, #tpu.memory_space<vmem>>) semaphore(%arg19 : memref<!tpu.dma_semaphore, #tpu.memory_space<semaphore_mem>>)
    %dma_start3A_192 = arith.constant 9 : i32
    %dma_start3A_193 = arith.constant 9 : i32
    %dma_start3A_194 = arith.constant 0 : i32
    %dma_start3A_195 = tpu.memref_slice %arg10[%dma_start3A_193, %dma_start3A_194] : memref<16x128xi32, #tpu.memory_space<vmem>> -> memref<1x128xi32, #tpu.memory_space<vmem>>
    %dma_start3A_196 = tpu.memref_squeeze %dma_start3A_195 : memref<1x128xi32, #tpu.memory_space<vmem>> -> memref<128xi32, #tpu.memory_space<vmem>>
    %dma_start3A_197 = arith.constant 0 : i32
    %dma_start3A_198 = tpu.memref_slice %arg8[%dma_start3A_192, %dma_start3A_197] : memref<16x128xi32, #tpu.memory_space<vmem>> -> memref<1x128xi32, #tpu.memory_space<vmem>>
    %dma_start3A_199 = tpu.memref_squeeze %dma_start3A_198 : memref<1x128xi32, #tpu.memory_space<vmem>> -> memref<128xi32, #tpu.memory_space<vmem>>
    %dma_start3A_200 = arith.constant 0 : i32
    %dma_start3A_201 = tpu.memref_slice %arg2[%dma_start3A_200] : memref<16384xi32, #tpu.memory_space<hbm>> -> memref<16384xi32, #tpu.memory_space<hbm>>
    tpu.enqueue_indirect_dma source(%dma_start3A_201 : memref<16384xi32, #tpu.memory_space<hbm>>) target(%dma_start3A_196 : memref<128xi32, #tpu.memory_space<vmem>>) offsets(%dma_start3A_199 : memref<128xi32, #tpu.memory_space<vmem>>) semaphore(%arg19 : memref<!tpu.dma_semaphore, #tpu.memory_space<semaphore_mem>>)
    %dma_start3A_202 = arith.constant 10 : i32
    %dma_start3A_203 = arith.constant 10 : i32
    %dma_start3A_204 = arith.constant 0 : i32
    %dma_start3A_205 = tpu.memref_slice %arg9[%dma_start3A_203, %dma_start3A_204] : memref<16x128xi32, #tpu.memory_space<vmem>> -> memref<1x128xi32, #tpu.memory_space<vmem>>
    %dma_start3A_206 = tpu.memref_squeeze %dma_start3A_205 : memref<1x128xi32, #tpu.memory_space<vmem>> -> memref<128xi32, #tpu.memory_space<vmem>>
    %dma_start3A_207 = arith.constant 0 : i32
    %dma_start3A_208 = tpu.memref_slice %arg7[%dma_start3A_202, %dma_start3A_207] : memref<16x128xi32, #tpu.memory_space<vmem>> -> memref<1x128xi32, #tpu.memory_space<vmem>>
    %dma_start3A_209 = tpu.memref_squeeze %dma_start3A_208 : memref<1x128xi32, #tpu.memory_space<vmem>> -> memref<128xi32, #tpu.memory_space<vmem>>
    %dma_start3A_210 = arith.constant 0 : i32
    %dma_start3A_211 = tpu.memref_slice %arg2[%dma_start3A_210] : memref<16384xi32, #tpu.memory_space<hbm>> -> memref<16384xi32, #tpu.memory_space<hbm>>
    tpu.enqueue_indirect_dma source(%dma_start3A_211 : memref<16384xi32, #tpu.memory_space<hbm>>) target(%dma_start3A_206 : memref<128xi32, #tpu.memory_space<vmem>>) offsets(%dma_start3A_209 : memref<128xi32, #tpu.memory_space<vmem>>) semaphore(%arg19 : memref<!tpu.dma_semaphore, #tpu.memory_space<semaphore_mem>>)
    %dma_start3A_212 = arith.constant 10 : i32
    %dma_start3A_213 = arith.constant 10 : i32
    %dma_start3A_214 = arith.constant 0 : i32
    %dma_start3A_215 = tpu.memref_slice %arg10[%dma_start3A_213, %dma_start3A_214] : memref<16x128xi32, #tpu.memory_space<vmem>> -> memref<1x128xi32, #tpu.memory_space<vmem>>
    %dma_start3A_216 = tpu.memref_squeeze %dma_start3A_215 : memref<1x128xi32, #tpu.memory_space<vmem>> -> memref<128xi32, #tpu.memory_space<vmem>>
    %dma_start3A_217 = arith.constant 0 : i32
    %dma_start3A_218 = tpu.memref_slice %arg8[%dma_start3A_212, %dma_start3A_217] : memref<16x128xi32, #tpu.memory_space<vmem>> -> memref<1x128xi32, #tpu.memory_space<vmem>>
    %dma_start3A_219 = tpu.memref_squeeze %dma_start3A_218 : memref<1x128xi32, #tpu.memory_space<vmem>> -> memref<128xi32, #tpu.memory_space<vmem>>
    %dma_start3A_220 = arith.constant 0 : i32
    %dma_start3A_221 = tpu.memref_slice %arg2[%dma_start3A_220] : memref<16384xi32, #tpu.memory_space<hbm>> -> memref<16384xi32, #tpu.memory_space<hbm>>
    tpu.enqueue_indirect_dma source(%dma_start3A_221 : memref<16384xi32, #tpu.memory_space<hbm>>) target(%dma_start3A_216 : memref<128xi32, #tpu.memory_space<vmem>>) offsets(%dma_start3A_219 : memref<128xi32, #tpu.memory_space<vmem>>) semaphore(%arg19 : memref<!tpu.dma_semaphore, #tpu.memory_space<semaphore_mem>>)
    %dma_start3A_222 = arith.constant 11 : i32
    %dma_start3A_223 = arith.constant 11 : i32
    %dma_start3A_224 = arith.constant 0 : i32
    %dma_start3A_225 = tpu.memref_slice %arg9[%dma_start3A_223, %dma_start3A_224] : memref<16x128xi32, #tpu.memory_space<vmem>> -> memref<1x128xi32, #tpu.memory_space<vmem>>
    %dma_start3A_226 = tpu.memref_squeeze %dma_start3A_225 : memref<1x128xi32, #tpu.memory_space<vmem>> -> memref<128xi32, #tpu.memory_space<vmem>>
    %dma_start3A_227 = arith.constant 0 : i32
    %dma_start3A_228 = tpu.memref_slice %arg7[%dma_start3A_222, %dma_start3A_227] : memref<16x128xi32, #tpu.memory_space<vmem>> -> memref<1x128xi32, #tpu.memory_space<vmem>>
    %dma_start3A_229 = tpu.memref_squeeze %dma_start3A_228 : memref<1x128xi32, #tpu.memory_space<vmem>> -> memref<128xi32, #tpu.memory_space<vmem>>
    %dma_start3A_230 = arith.constant 0 : i32
    %dma_start3A_231 = tpu.memref_slice %arg2[%dma_start3A_230] : memref<16384xi32, #tpu.memory_space<hbm>> -> memref<16384xi32, #tpu.memory_space<hbm>>
    tpu.enqueue_indirect_dma source(%dma_start3A_231 : memref<16384xi32, #tpu.memory_space<hbm>>) target(%dma_start3A_226 : memref<128xi32, #tpu.memory_space<vmem>>) offsets(%dma_start3A_229 : memref<128xi32, #tpu.memory_space<vmem>>) semaphore(%arg19 : memref<!tpu.dma_semaphore, #tpu.memory_space<semaphore_mem>>)
    %dma_start3A_232 = arith.constant 11 : i32
    %dma_start3A_233 = arith.constant 11 : i32
    %dma_start3A_234 = arith.constant 0 : i32
    %dma_start3A_235 = tpu.memref_slice %arg10[%dma_start3A_233, %dma_start3A_234] : memref<16x128xi32, #tpu.memory_space<vmem>> -> memref<1x128xi32, #tpu.memory_space<vmem>>
    %dma_start3A_236 = tpu.memref_squeeze %dma_start3A_235 : memref<1x128xi32, #tpu.memory_space<vmem>> -> memref<128xi32, #tpu.memory_space<vmem>>
    %dma_start3A_237 = arith.constant 0 : i32
    %dma_start3A_238 = tpu.memref_slice %arg8[%dma_start3A_232, %dma_start3A_237] : memref<16x128xi32, #tpu.memory_space<vmem>> -> memref<1x128xi32, #tpu.memory_space<vmem>>
    %dma_start3A_239 = tpu.memref_squeeze %dma_start3A_238 : memref<1x128xi32, #tpu.memory_space<vmem>> -> memref<128xi32, #tpu.memory_space<vmem>>
    %dma_start3A_240 = arith.constant 0 : i32
    %dma_start3A_241 = tpu.memref_slice %arg2[%dma_start3A_240] : memref<16384xi32, #tpu.memory_space<hbm>> -> memref<16384xi32, #tpu.memory_space<hbm>>
    tpu.enqueue_indirect_dma source(%dma_start3A_241 : memref<16384xi32, #tpu.memory_space<hbm>>) target(%dma_start3A_236 : memref<128xi32, #tpu.memory_space<vmem>>) offsets(%dma_start3A_239 : memref<128xi32, #tpu.memory_space<vmem>>) semaphore(%arg19 : memref<!tpu.dma_semaphore, #tpu.memory_space<semaphore_mem>>)
    %dma_start3A_242 = arith.constant 12 : i32
    %dma_start3A_243 = arith.constant 12 : i32
    %dma_start3A_244 = arith.constant 0 : i32
    %dma_start3A_245 = tpu.memref_slice %arg9[%dma_start3A_243, %dma_start3A_244] : memref<16x128xi32, #tpu.memory_space<vmem>> -> memref<1x128xi32, #tpu.memory_space<vmem>>
    %dma_start3A_246 = tpu.memref_squeeze %dma_start3A_245 : memref<1x128xi32, #tpu.memory_space<vmem>> -> memref<128xi32, #tpu.memory_space<vmem>>
    %dma_start3A_247 = arith.constant 0 : i32
    %dma_start3A_248 = tpu.memref_slice %arg7[%dma_start3A_242, %dma_start3A_247] : memref<16x128xi32, #tpu.memory_space<vmem>> -> memref<1x128xi32, #tpu.memory_space<vmem>>
    %dma_start3A_249 = tpu.memref_squeeze %dma_start3A_248 : memref<1x128xi32, #tpu.memory_space<vmem>> -> memref<128xi32, #tpu.memory_space<vmem>>
    %dma_start3A_250 = arith.constant 0 : i32
    %dma_start3A_251 = tpu.memref_slice %arg2[%dma_start3A_250] : memref<16384xi32, #tpu.memory_space<hbm>> -> memref<16384xi32, #tpu.memory_space<hbm>>
    tpu.enqueue_indirect_dma source(%dma_start3A_251 : memref<16384xi32, #tpu.memory_space<hbm>>) target(%dma_start3A_246 : memref<128xi32, #tpu.memory_space<vmem>>) offsets(%dma_start3A_249 : memref<128xi32, #tpu.memory_space<vmem>>) semaphore(%arg19 : memref<!tpu.dma_semaphore, #tpu.memory_space<semaphore_mem>>)
    %dma_start3A_252 = arith.constant 12 : i32
    %dma_start3A_253 = arith.constant 12 : i32
    %dma_start3A_254 = arith.constant 0 : i32
    %dma_start3A_255 = tpu.memref_slice %arg10[%dma_start3A_253, %dma_start3A_254] : memref<16x128xi32, #tpu.memory_space<vmem>> -> memref<1x128xi32, #tpu.memory_space<vmem>>
    %dma_start3A_256 = tpu.memref_squeeze %dma_start3A_255 : memref<1x128xi32, #tpu.memory_space<vmem>> -> memref<128xi32, #tpu.memory_space<vmem>>
    %dma_start3A_257 = arith.constant 0 : i32
    %dma_start3A_258 = tpu.memref_slice %arg8[%dma_start3A_252, %dma_start3A_257] : memref<16x128xi32, #tpu.memory_space<vmem>> -> memref<1x128xi32, #tpu.memory_space<vmem>>
    %dma_start3A_259 = tpu.memref_squeeze %dma_start3A_258 : memref<1x128xi32, #tpu.memory_space<vmem>> -> memref<128xi32, #tpu.memory_space<vmem>>
    %dma_start3A_260 = arith.constant 0 : i32
    %dma_start3A_261 = tpu.memref_slice %arg2[%dma_start3A_260] : memref<16384xi32, #tpu.memory_space<hbm>> -> memref<16384xi32, #tpu.memory_space<hbm>>
    tpu.enqueue_indirect_dma source(%dma_start3A_261 : memref<16384xi32, #tpu.memory_space<hbm>>) target(%dma_start3A_256 : memref<128xi32, #tpu.memory_space<vmem>>) offsets(%dma_start3A_259 : memref<128xi32, #tpu.memory_space<vmem>>) semaphore(%arg19 : memref<!tpu.dma_semaphore, #tpu.memory_space<semaphore_mem>>)
    %dma_start3A_262 = arith.constant 13 : i32
    %dma_start3A_263 = arith.constant 13 : i32
    %dma_start3A_264 = arith.constant 0 : i32
    %dma_start3A_265 = tpu.memref_slice %arg9[%dma_start3A_263, %dma_start3A_264] : memref<16x128xi32, #tpu.memory_space<vmem>> -> memref<1x128xi32, #tpu.memory_space<vmem>>
    %dma_start3A_266 = tpu.memref_squeeze %dma_start3A_265 : memref<1x128xi32, #tpu.memory_space<vmem>> -> memref<128xi32, #tpu.memory_space<vmem>>
    %dma_start3A_267 = arith.constant 0 : i32
    %dma_start3A_268 = tpu.memref_slice %arg7[%dma_start3A_262, %dma_start3A_267] : memref<16x128xi32, #tpu.memory_space<vmem>> -> memref<1x128xi32, #tpu.memory_space<vmem>>
    %dma_start3A_269 = tpu.memref_squeeze %dma_start3A_268 : memref<1x128xi32, #tpu.memory_space<vmem>> -> memref<128xi32, #tpu.memory_space<vmem>>
    %dma_start3A_270 = arith.constant 0 : i32
    %dma_start3A_271 = tpu.memref_slice %arg2[%dma_start3A_270] : memref<16384xi32, #tpu.memory_space<hbm>> -> memref<16384xi32, #tpu.memory_space<hbm>>
    tpu.enqueue_indirect_dma source(%dma_start3A_271 : memref<16384xi32, #tpu.memory_space<hbm>>) target(%dma_start3A_266 : memref<128xi32, #tpu.memory_space<vmem>>) offsets(%dma_start3A_269 : memref<128xi32, #tpu.memory_space<vmem>>) semaphore(%arg19 : memref<!tpu.dma_semaphore, #tpu.memory_space<semaphore_mem>>)
    %dma_start3A_272 = arith.constant 13 : i32
    %dma_start3A_273 = arith.constant 13 : i32
    %dma_start3A_274 = arith.constant 0 : i32
    %dma_start3A_275 = tpu.memref_slice %arg10[%dma_start3A_273, %dma_start3A_274] : memref<16x128xi32, #tpu.memory_space<vmem>> -> memref<1x128xi32, #tpu.memory_space<vmem>>
    %dma_start3A_276 = tpu.memref_squeeze %dma_start3A_275 : memref<1x128xi32, #tpu.memory_space<vmem>> -> memref<128xi32, #tpu.memory_space<vmem>>
    %dma_start3A_277 = arith.constant 0 : i32
    %dma_start3A_278 = tpu.memref_slice %arg8[%dma_start3A_272, %dma_start3A_277] : memref<16x128xi32, #tpu.memory_space<vmem>> -> memref<1x128xi32, #tpu.memory_space<vmem>>
    %dma_start3A_279 = tpu.memref_squeeze %dma_start3A_278 : memref<1x128xi32, #tpu.memory_space<vmem>> -> memref<128xi32, #tpu.memory_space<vmem>>
    %dma_start3A_280 = arith.constant 0 : i32
    %dma_start3A_281 = tpu.memref_slice %arg2[%dma_start3A_280] : memref<16384xi32, #tpu.memory_space<hbm>> -> memref<16384xi32, #tpu.memory_space<hbm>>
    tpu.enqueue_indirect_dma source(%dma_start3A_281 : memref<16384xi32, #tpu.memory_space<hbm>>) target(%dma_start3A_276 : memref<128xi32, #tpu.memory_space<vmem>>) offsets(%dma_start3A_279 : memref<128xi32, #tpu.memory_space<vmem>>) semaphore(%arg19 : memref<!tpu.dma_semaphore, #tpu.memory_space<semaphore_mem>>)
    %dma_start3A_282 = arith.constant 14 : i32
    %dma_start3A_283 = arith.constant 14 : i32
    %dma_start3A_284 = arith.constant 0 : i32
    %dma_start3A_285 = tpu.memref_slice %arg9[%dma_start3A_283, %dma_start3A_284] : memref<16x128xi32, #tpu.memory_space<vmem>> -> memref<1x128xi32, #tpu.memory_space<vmem>>
    %dma_start3A_286 = tpu.memref_squeeze %dma_start3A_285 : memref<1x128xi32, #tpu.memory_space<vmem>> -> memref<128xi32, #tpu.memory_space<vmem>>
    %dma_start3A_287 = arith.constant 0 : i32
    %dma_start3A_288 = tpu.memref_slice %arg7[%dma_start3A_282, %dma_start3A_287] : memref<16x128xi32, #tpu.memory_space<vmem>> -> memref<1x128xi32, #tpu.memory_space<vmem>>
    %dma_start3A_289 = tpu.memref_squeeze %dma_start3A_288 : memref<1x128xi32, #tpu.memory_space<vmem>> -> memref<128xi32, #tpu.memory_space<vmem>>
    %dma_start3A_290 = arith.constant 0 : i32
    %dma_start3A_291 = tpu.memref_slice %arg2[%dma_start3A_290] : memref<16384xi32, #tpu.memory_space<hbm>> -> memref<16384xi32, #tpu.memory_space<hbm>>
    tpu.enqueue_indirect_dma source(%dma_start3A_291 : memref<16384xi32, #tpu.memory_space<hbm>>) target(%dma_start3A_286 : memref<128xi32, #tpu.memory_space<vmem>>) offsets(%dma_start3A_289 : memref<128xi32, #tpu.memory_space<vmem>>) semaphore(%arg19 : memref<!tpu.dma_semaphore, #tpu.memory_space<semaphore_mem>>)
    %dma_start3A_292 = arith.constant 14 : i32
    %dma_start3A_293 = arith.constant 14 : i32
    %dma_start3A_294 = arith.constant 0 : i32
    %dma_start3A_295 = tpu.memref_slice %arg10[%dma_start3A_293, %dma_start3A_294] : memref<16x128xi32, #tpu.memory_space<vmem>> -> memref<1x128xi32, #tpu.memory_space<vmem>>
    %dma_start3A_296 = tpu.memref_squeeze %dma_start3A_295 : memref<1x128xi32, #tpu.memory_space<vmem>> -> memref<128xi32, #tpu.memory_space<vmem>>
    %dma_start3A_297 = arith.constant 0 : i32
    %dma_start3A_298 = tpu.memref_slice %arg8[%dma_start3A_292, %dma_start3A_297] : memref<16x128xi32, #tpu.memory_space<vmem>> -> memref<1x128xi32, #tpu.memory_space<vmem>>
    %dma_start3A_299 = tpu.memref_squeeze %dma_start3A_298 : memref<1x128xi32, #tpu.memory_space<vmem>> -> memref<128xi32, #tpu.memory_space<vmem>>
    %dma_start3A_300 = arith.constant 0 : i32
    %dma_start3A_301 = tpu.memref_slice %arg2[%dma_start3A_300] : memref<16384xi32, #tpu.memory_space<hbm>> -> memref<16384xi32, #tpu.memory_space<hbm>>
    tpu.enqueue_indirect_dma source(%dma_start3A_301 : memref<16384xi32, #tpu.memory_space<hbm>>) target(%dma_start3A_296 : memref<128xi32, #tpu.memory_space<vmem>>) offsets(%dma_start3A_299 : memref<128xi32, #tpu.memory_space<vmem>>) semaphore(%arg19 : memref<!tpu.dma_semaphore, #tpu.memory_space<semaphore_mem>>)
    %dma_start3A_302 = arith.constant 15 : i32
    %dma_start3A_303 = arith.constant 15 : i32
    %dma_start3A_304 = arith.constant 0 : i32
    %dma_start3A_305 = tpu.memref_slice %arg9[%dma_start3A_303, %dma_start3A_304] : memref<16x128xi32, #tpu.memory_space<vmem>> -> memref<1x128xi32, #tpu.memory_space<vmem>>
    %dma_start3A_306 = tpu.memref_squeeze %dma_start3A_305 : memref<1x128xi32, #tpu.memory_space<vmem>> -> memref<128xi32, #tpu.memory_space<vmem>>
    %dma_start3A_307 = arith.constant 0 : i32
    %dma_start3A_308 = tpu.memref_slice %arg7[%dma_start3A_302, %dma_start3A_307] : memref<16x128xi32, #tpu.memory_space<vmem>> -> memref<1x128xi32, #tpu.memory_space<vmem>>
    %dma_start3A_309 = tpu.memref_squeeze %dma_start3A_308 : memref<1x128xi32, #tpu.memory_space<vmem>> -> memref<128xi32, #tpu.memory_space<vmem>>
    %dma_start3A_310 = arith.constant 0 : i32
    %dma_start3A_311 = tpu.memref_slice %arg2[%dma_start3A_310] : memref<16384xi32, #tpu.memory_space<hbm>> -> memref<16384xi32, #tpu.memory_space<hbm>>
    tpu.enqueue_indirect_dma source(%dma_start3A_311 : memref<16384xi32, #tpu.memory_space<hbm>>) target(%dma_start3A_306 : memref<128xi32, #tpu.memory_space<vmem>>) offsets(%dma_start3A_309 : memref<128xi32, #tpu.memory_space<vmem>>) semaphore(%arg19 : memref<!tpu.dma_semaphore, #tpu.memory_space<semaphore_mem>>)
    %dma_start3A_312 = arith.constant 15 : i32
    %dma_start3A_313 = arith.constant 15 : i32
    %dma_start3A_314 = arith.constant 0 : i32
    %dma_start3A_315 = tpu.memref_slice %arg10[%dma_start3A_313, %dma_start3A_314] : memref<16x128xi32, #tpu.memory_space<vmem>> -> memref<1x128xi32, #tpu.memory_space<vmem>>
    %dma_start3A_316 = tpu.memref_squeeze %dma_start3A_315 : memref<1x128xi32, #tpu.memory_space<vmem>> -> memref<128xi32, #tpu.memory_space<vmem>>
    %dma_start3A_317 = arith.constant 0 : i32
    %dma_start3A_318 = tpu.memref_slice %arg8[%dma_start3A_312, %dma_start3A_317] : memref<16x128xi32, #tpu.memory_space<vmem>> -> memref<1x128xi32, #tpu.memory_space<vmem>>
    %dma_start3A_319 = tpu.memref_squeeze %dma_start3A_318 : memref<1x128xi32, #tpu.memory_space<vmem>> -> memref<128xi32, #tpu.memory_space<vmem>>
    %dma_start3A_320 = arith.constant 0 : i32
    %dma_start3A_321 = tpu.memref_slice %arg2[%dma_start3A_320] : memref<16384xi32, #tpu.memory_space<hbm>> -> memref<16384xi32, #tpu.memory_space<hbm>>
    tpu.enqueue_indirect_dma source(%dma_start3A_321 : memref<16384xi32, #tpu.memory_space<hbm>>) target(%dma_start3A_316 : memref<128xi32, #tpu.memory_space<vmem>>) offsets(%dma_start3A_319 : memref<128xi32, #tpu.memory_space<vmem>>) semaphore(%arg19 : memref<!tpu.dma_semaphore, #tpu.memory_space<semaphore_mem>>)
    %dma_wait3A = arith.constant 0 : i32
    %dma_wait3A_322 = arith.constant 0 : i32
    %dma_wait3A_323 = arith.constant 0 : i32
    %dma_wait3A_324 = tpu.memref_slice %arg9[%dma_wait3A_322, %dma_wait3A_323] : memref<16x128xi32, #tpu.memory_space<vmem>> -> memref<1x128xi32, #tpu.memory_space<vmem>>
    %dma_wait3A_325 = tpu.memref_squeeze %dma_wait3A_324 : memref<1x128xi32, #tpu.memory_space<vmem>> -> memref<128xi32, #tpu.memory_space<vmem>>
    %dma_wait3A_326 = arith.constant 0 : i32
    %dma_wait3A_327 = tpu.memref_slice %arg7[%dma_wait3A, %dma_wait3A_326] : memref<16x128xi32, #tpu.memory_space<vmem>> -> memref<1x128xi32, #tpu.memory_space<vmem>>
    %dma_wait3A_328 = tpu.memref_squeeze %dma_wait3A_327 : memref<1x128xi32, #tpu.memory_space<vmem>> -> memref<128xi32, #tpu.memory_space<vmem>>
    %dma_wait3A_329 = arith.constant 0 : i32
    %dma_wait3A_330 = tpu.memref_slice %arg2[%dma_wait3A_329] : memref<16384xi32, #tpu.memory_space<hbm>> -> memref<16384xi32, #tpu.memory_space<hbm>>
    tpu.wait_indirect_dma semaphore(%arg19 : memref<!tpu.dma_semaphore, #tpu.memory_space<semaphore_mem>>) src(%dma_wait3A_330 : memref<16384xi32, #tpu.memory_space<hbm>>) dst(%dma_wait3A_325 : memref<128xi32, #tpu.memory_space<vmem>>)
    %dma_wait3A_331 = arith.constant 0 : i32
    %dma_wait3A_332 = arith.constant 0 : i32
    %dma_wait3A_333 = arith.constant 0 : i32
    %dma_wait3A_334 = tpu.memref_slice %arg10[%dma_wait3A_332, %dma_wait3A_333] : memref<16x128xi32, #tpu.memory_space<vmem>> -> memref<1x128xi32, #tpu.memory_space<vmem>>
    %dma_wait3A_335 = tpu.memref_squeeze %dma_wait3A_334 : memref<1x128xi32, #tpu.memory_space<vmem>> -> memref<128xi32, #tpu.memory_space<vmem>>
    %dma_wait3A_336 = arith.constant 0 : i32
    %dma_wait3A_337 = tpu.memref_slice %arg8[%dma_wait3A_331, %dma_wait3A_336] : memref<16x128xi32, #tpu.memory_space<vmem>> -> memref<1x128xi32, #tpu.memory_space<vmem>>
    %dma_wait3A_338 = tpu.memref_squeeze %dma_wait3A_337 : memref<1x128xi32, #tpu.memory_space<vmem>> -> memref<128xi32, #tpu.memory_space<vmem>>
    %dma_wait3A_339 = arith.constant 0 : i32
    %dma_wait3A_340 = tpu.memref_slice %arg2[%dma_wait3A_339] : memref<16384xi32, #tpu.memory_space<hbm>> -> memref<16384xi32, #tpu.memory_space<hbm>>
    tpu.wait_indirect_dma semaphore(%arg19 : memref<!tpu.dma_semaphore, #tpu.memory_space<semaphore_mem>>) src(%dma_wait3A_340 : memref<16384xi32, #tpu.memory_space<hbm>>) dst(%dma_wait3A_335 : memref<128xi32, #tpu.memory_space<vmem>>)
    %dma_wait3A_341 = arith.constant 1 : i32
    %dma_wait3A_342 = arith.constant 1 : i32
    %dma_wait3A_343 = arith.constant 0 : i32
    %dma_wait3A_344 = tpu.memref_slice %arg9[%dma_wait3A_342, %dma_wait3A_343] : memref<16x128xi32, #tpu.memory_space<vmem>> -> memref<1x128xi32, #tpu.memory_space<vmem>>
    %dma_wait3A_345 = tpu.memref_squeeze %dma_wait3A_344 : memref<1x128xi32, #tpu.memory_space<vmem>> -> memref<128xi32, #tpu.memory_space<vmem>>
    %dma_wait3A_346 = arith.constant 0 : i32
    %dma_wait3A_347 = tpu.memref_slice %arg7[%dma_wait3A_341, %dma_wait3A_346] : memref<16x128xi32, #tpu.memory_space<vmem>> -> memref<1x128xi32, #tpu.memory_space<vmem>>
    %dma_wait3A_348 = tpu.memref_squeeze %dma_wait3A_347 : memref<1x128xi32, #tpu.memory_space<vmem>> -> memref<128xi32, #tpu.memory_space<vmem>>
    %dma_wait3A_349 = arith.constant 0 : i32
    %dma_wait3A_350 = tpu.memref_slice %arg2[%dma_wait3A_349] : memref<16384xi32, #tpu.memory_space<hbm>> -> memref<16384xi32, #tpu.memory_space<hbm>>
    tpu.wait_indirect_dma semaphore(%arg19 : memref<!tpu.dma_semaphore, #tpu.memory_space<semaphore_mem>>) src(%dma_wait3A_350 : memref<16384xi32, #tpu.memory_space<hbm>>) dst(%dma_wait3A_345 : memref<128xi32, #tpu.memory_space<vmem>>)
    %dma_wait3A_351 = arith.constant 1 : i32
    %dma_wait3A_352 = arith.constant 1 : i32
    %dma_wait3A_353 = arith.constant 0 : i32
    %dma_wait3A_354 = tpu.memref_slice %arg10[%dma_wait3A_352, %dma_wait3A_353] : memref<16x128xi32, #tpu.memory_space<vmem>> -> memref<1x128xi32, #tpu.memory_space<vmem>>
    %dma_wait3A_355 = tpu.memref_squeeze %dma_wait3A_354 : memref<1x128xi32, #tpu.memory_space<vmem>> -> memref<128xi32, #tpu.memory_space<vmem>>
    %dma_wait3A_356 = arith.constant 0 : i32
    %dma_wait3A_357 = tpu.memref_slice %arg8[%dma_wait3A_351, %dma_wait3A_356] : memref<16x128xi32, #tpu.memory_space<vmem>> -> memref<1x128xi32, #tpu.memory_space<vmem>>
    %dma_wait3A_358 = tpu.memref_squeeze %dma_wait3A_357 : memref<1x128xi32, #tpu.memory_space<vmem>> -> memref<128xi32, #tpu.memory_space<vmem>>
    %dma_wait3A_359 = arith.constant 0 : i32
    %dma_wait3A_360 = tpu.memref_slice %arg2[%dma_wait3A_359] : memref<16384xi32, #tpu.memory_space<hbm>> -> memref<16384xi32, #tpu.memory_space<hbm>>
    tpu.wait_indirect_dma semaphore(%arg19 : memref<!tpu.dma_semaphore, #tpu.memory_space<semaphore_mem>>) src(%dma_wait3A_360 : memref<16384xi32, #tpu.memory_space<hbm>>) dst(%dma_wait3A_355 : memref<128xi32, #tpu.memory_space<vmem>>)
    %dma_wait3A_361 = arith.constant 2 : i32
    %dma_wait3A_362 = arith.constant 2 : i32
    %dma_wait3A_363 = arith.constant 0 : i32
    %dma_wait3A_364 = tpu.memref_slice %arg9[%dma_wait3A_362, %dma_wait3A_363] : memref<16x128xi32, #tpu.memory_space<vmem>> -> memref<1x128xi32, #tpu.memory_space<vmem>>
    %dma_wait3A_365 = tpu.memref_squeeze %dma_wait3A_364 : memref<1x128xi32, #tpu.memory_space<vmem>> -> memref<128xi32, #tpu.memory_space<vmem>>
    %dma_wait3A_366 = arith.constant 0 : i32
    %dma_wait3A_367 = tpu.memref_slice %arg7[%dma_wait3A_361, %dma_wait3A_366] : memref<16x128xi32, #tpu.memory_space<vmem>> -> memref<1x128xi32, #tpu.memory_space<vmem>>
    %dma_wait3A_368 = tpu.memref_squeeze %dma_wait3A_367 : memref<1x128xi32, #tpu.memory_space<vmem>> -> memref<128xi32, #tpu.memory_space<vmem>>
    %dma_wait3A_369 = arith.constant 0 : i32
    %dma_wait3A_370 = tpu.memref_slice %arg2[%dma_wait3A_369] : memref<16384xi32, #tpu.memory_space<hbm>> -> memref<16384xi32, #tpu.memory_space<hbm>>
    tpu.wait_indirect_dma semaphore(%arg19 : memref<!tpu.dma_semaphore, #tpu.memory_space<semaphore_mem>>) src(%dma_wait3A_370 : memref<16384xi32, #tpu.memory_space<hbm>>) dst(%dma_wait3A_365 : memref<128xi32, #tpu.memory_space<vmem>>)
    %dma_wait3A_371 = arith.constant 2 : i32
    %dma_wait3A_372 = arith.constant 2 : i32
    %dma_wait3A_373 = arith.constant 0 : i32
    %dma_wait3A_374 = tpu.memref_slice %arg10[%dma_wait3A_372, %dma_wait3A_373] : memref<16x128xi32, #tpu.memory_space<vmem>> -> memref<1x128xi32, #tpu.memory_space<vmem>>
    %dma_wait3A_375 = tpu.memref_squeeze %dma_wait3A_374 : memref<1x128xi32, #tpu.memory_space<vmem>> -> memref<128xi32, #tpu.memory_space<vmem>>
    %dma_wait3A_376 = arith.constant 0 : i32
    %dma_wait3A_377 = tpu.memref_slice %arg8[%dma_wait3A_371, %dma_wait3A_376] : memref<16x128xi32, #tpu.memory_space<vmem>> -> memref<1x128xi32, #tpu.memory_space<vmem>>
    %dma_wait3A_378 = tpu.memref_squeeze %dma_wait3A_377 : memref<1x128xi32, #tpu.memory_space<vmem>> -> memref<128xi32, #tpu.memory_space<vmem>>
    %dma_wait3A_379 = arith.constant 0 : i32
    %dma_wait3A_380 = tpu.memref_slice %arg2[%dma_wait3A_379] : memref<16384xi32, #tpu.memory_space<hbm>> -> memref<16384xi32, #tpu.memory_space<hbm>>
    tpu.wait_indirect_dma semaphore(%arg19 : memref<!tpu.dma_semaphore, #tpu.memory_space<semaphore_mem>>) src(%dma_wait3A_380 : memref<16384xi32, #tpu.memory_space<hbm>>) dst(%dma_wait3A_375 : memref<128xi32, #tpu.memory_space<vmem>>)
    %dma_wait3A_381 = arith.constant 3 : i32
    %dma_wait3A_382 = arith.constant 3 : i32
    %dma_wait3A_383 = arith.constant 0 : i32
    %dma_wait3A_384 = tpu.memref_slice %arg9[%dma_wait3A_382, %dma_wait3A_383] : memref<16x128xi32, #tpu.memory_space<vmem>> -> memref<1x128xi32, #tpu.memory_space<vmem>>
    %dma_wait3A_385 = tpu.memref_squeeze %dma_wait3A_384 : memref<1x128xi32, #tpu.memory_space<vmem>> -> memref<128xi32, #tpu.memory_space<vmem>>
    %dma_wait3A_386 = arith.constant 0 : i32
    %dma_wait3A_387 = tpu.memref_slice %arg7[%dma_wait3A_381, %dma_wait3A_386] : memref<16x128xi32, #tpu.memory_space<vmem>> -> memref<1x128xi32, #tpu.memory_space<vmem>>
    %dma_wait3A_388 = tpu.memref_squeeze %dma_wait3A_387 : memref<1x128xi32, #tpu.memory_space<vmem>> -> memref<128xi32, #tpu.memory_space<vmem>>
    %dma_wait3A_389 = arith.constant 0 : i32
    %dma_wait3A_390 = tpu.memref_slice %arg2[%dma_wait3A_389] : memref<16384xi32, #tpu.memory_space<hbm>> -> memref<16384xi32, #tpu.memory_space<hbm>>
    tpu.wait_indirect_dma semaphore(%arg19 : memref<!tpu.dma_semaphore, #tpu.memory_space<semaphore_mem>>) src(%dma_wait3A_390 : memref<16384xi32, #tpu.memory_space<hbm>>) dst(%dma_wait3A_385 : memref<128xi32, #tpu.memory_space<vmem>>)
    %dma_wait3A_391 = arith.constant 3 : i32
    %dma_wait3A_392 = arith.constant 3 : i32
    %dma_wait3A_393 = arith.constant 0 : i32
    %dma_wait3A_394 = tpu.memref_slice %arg10[%dma_wait3A_392, %dma_wait3A_393] : memref<16x128xi32, #tpu.memory_space<vmem>> -> memref<1x128xi32, #tpu.memory_space<vmem>>
    %dma_wait3A_395 = tpu.memref_squeeze %dma_wait3A_394 : memref<1x128xi32, #tpu.memory_space<vmem>> -> memref<128xi32, #tpu.memory_space<vmem>>
    %dma_wait3A_396 = arith.constant 0 : i32
    %dma_wait3A_397 = tpu.memref_slice %arg8[%dma_wait3A_391, %dma_wait3A_396] : memref<16x128xi32, #tpu.memory_space<vmem>> -> memref<1x128xi32, #tpu.memory_space<vmem>>
    %dma_wait3A_398 = tpu.memref_squeeze %dma_wait3A_397 : memref<1x128xi32, #tpu.memory_space<vmem>> -> memref<128xi32, #tpu.memory_space<vmem>>
    %dma_wait3A_399 = arith.constant 0 : i32
    %dma_wait3A_400 = tpu.memref_slice %arg2[%dma_wait3A_399] : memref<16384xi32, #tpu.memory_space<hbm>> -> memref<16384xi32, #tpu.memory_space<hbm>>
    tpu.wait_indirect_dma semaphore(%arg19 : memref<!tpu.dma_semaphore, #tpu.memory_space<semaphore_mem>>) src(%dma_wait3A_400 : memref<16384xi32, #tpu.memory_space<hbm>>) dst(%dma_wait3A_395 : memref<128xi32, #tpu.memory_space<vmem>>)
    %dma_wait3A_401 = arith.constant 4 : i32
    %dma_wait3A_402 = arith.constant 4 : i32
    %dma_wait3A_403 = arith.constant 0 : i32
    %dma_wait3A_404 = tpu.memref_slice %arg9[%dma_wait3A_402, %dma_wait3A_403] : memref<16x128xi32, #tpu.memory_space<vmem>> -> memref<1x128xi32, #tpu.memory_space<vmem>>
    %dma_wait3A_405 = tpu.memref_squeeze %dma_wait3A_404 : memref<1x128xi32, #tpu.memory_space<vmem>> -> memref<128xi32, #tpu.memory_space<vmem>>
    %dma_wait3A_406 = arith.constant 0 : i32
    %dma_wait3A_407 = tpu.memref_slice %arg7[%dma_wait3A_401, %dma_wait3A_406] : memref<16x128xi32, #tpu.memory_space<vmem>> -> memref<1x128xi32, #tpu.memory_space<vmem>>
    %dma_wait3A_408 = tpu.memref_squeeze %dma_wait3A_407 : memref<1x128xi32, #tpu.memory_space<vmem>> -> memref<128xi32, #tpu.memory_space<vmem>>
    %dma_wait3A_409 = arith.constant 0 : i32
    %dma_wait3A_410 = tpu.memref_slice %arg2[%dma_wait3A_409] : memref<16384xi32, #tpu.memory_space<hbm>> -> memref<16384xi32, #tpu.memory_space<hbm>>
    tpu.wait_indirect_dma semaphore(%arg19 : memref<!tpu.dma_semaphore, #tpu.memory_space<semaphore_mem>>) src(%dma_wait3A_410 : memref<16384xi32, #tpu.memory_space<hbm>>) dst(%dma_wait3A_405 : memref<128xi32, #tpu.memory_space<vmem>>)
    %dma_wait3A_411 = arith.constant 4 : i32
    %dma_wait3A_412 = arith.constant 4 : i32
    %dma_wait3A_413 = arith.constant 0 : i32
    %dma_wait3A_414 = tpu.memref_slice %arg10[%dma_wait3A_412, %dma_wait3A_413] : memref<16x128xi32, #tpu.memory_space<vmem>> -> memref<1x128xi32, #tpu.memory_space<vmem>>
    %dma_wait3A_415 = tpu.memref_squeeze %dma_wait3A_414 : memref<1x128xi32, #tpu.memory_space<vmem>> -> memref<128xi32, #tpu.memory_space<vmem>>
    %dma_wait3A_416 = arith.constant 0 : i32
    %dma_wait3A_417 = tpu.memref_slice %arg8[%dma_wait3A_411, %dma_wait3A_416] : memref<16x128xi32, #tpu.memory_space<vmem>> -> memref<1x128xi32, #tpu.memory_space<vmem>>
    %dma_wait3A_418 = tpu.memref_squeeze %dma_wait3A_417 : memref<1x128xi32, #tpu.memory_space<vmem>> -> memref<128xi32, #tpu.memory_space<vmem>>
    %dma_wait3A_419 = arith.constant 0 : i32
    %dma_wait3A_420 = tpu.memref_slice %arg2[%dma_wait3A_419] : memref<16384xi32, #tpu.memory_space<hbm>> -> memref<16384xi32, #tpu.memory_space<hbm>>
    tpu.wait_indirect_dma semaphore(%arg19 : memref<!tpu.dma_semaphore, #tpu.memory_space<semaphore_mem>>) src(%dma_wait3A_420 : memref<16384xi32, #tpu.memory_space<hbm>>) dst(%dma_wait3A_415 : memref<128xi32, #tpu.memory_space<vmem>>)
    %dma_wait3A_421 = arith.constant 5 : i32
    %dma_wait3A_422 = arith.constant 5 : i32
    %dma_wait3A_423 = arith.constant 0 : i32
    %dma_wait3A_424 = tpu.memref_slice %arg9[%dma_wait3A_422, %dma_wait3A_423] : memref<16x128xi32, #tpu.memory_space<vmem>> -> memref<1x128xi32, #tpu.memory_space<vmem>>
    %dma_wait3A_425 = tpu.memref_squeeze %dma_wait3A_424 : memref<1x128xi32, #tpu.memory_space<vmem>> -> memref<128xi32, #tpu.memory_space<vmem>>
    %dma_wait3A_426 = arith.constant 0 : i32
    %dma_wait3A_427 = tpu.memref_slice %arg7[%dma_wait3A_421, %dma_wait3A_426] : memref<16x128xi32, #tpu.memory_space<vmem>> -> memref<1x128xi32, #tpu.memory_space<vmem>>
    %dma_wait3A_428 = tpu.memref_squeeze %dma_wait3A_427 : memref<1x128xi32, #tpu.memory_space<vmem>> -> memref<128xi32, #tpu.memory_space<vmem>>
    %dma_wait3A_429 = arith.constant 0 : i32
    %dma_wait3A_430 = tpu.memref_slice %arg2[%dma_wait3A_429] : memref<16384xi32, #tpu.memory_space<hbm>> -> memref<16384xi32, #tpu.memory_space<hbm>>
    tpu.wait_indirect_dma semaphore(%arg19 : memref<!tpu.dma_semaphore, #tpu.memory_space<semaphore_mem>>) src(%dma_wait3A_430 : memref<16384xi32, #tpu.memory_space<hbm>>) dst(%dma_wait3A_425 : memref<128xi32, #tpu.memory_space<vmem>>)
    %dma_wait3A_431 = arith.constant 5 : i32
    %dma_wait3A_432 = arith.constant 5 : i32
    %dma_wait3A_433 = arith.constant 0 : i32
    %dma_wait3A_434 = tpu.memref_slice %arg10[%dma_wait3A_432, %dma_wait3A_433] : memref<16x128xi32, #tpu.memory_space<vmem>> -> memref<1x128xi32, #tpu.memory_space<vmem>>
    %dma_wait3A_435 = tpu.memref_squeeze %dma_wait3A_434 : memref<1x128xi32, #tpu.memory_space<vmem>> -> memref<128xi32, #tpu.memory_space<vmem>>
    %dma_wait3A_436 = arith.constant 0 : i32
    %dma_wait3A_437 = tpu.memref_slice %arg8[%dma_wait3A_431, %dma_wait3A_436] : memref<16x128xi32, #tpu.memory_space<vmem>> -> memref<1x128xi32, #tpu.memory_space<vmem>>
    %dma_wait3A_438 = tpu.memref_squeeze %dma_wait3A_437 : memref<1x128xi32, #tpu.memory_space<vmem>> -> memref<128xi32, #tpu.memory_space<vmem>>
    %dma_wait3A_439 = arith.constant 0 : i32
    %dma_wait3A_440 = tpu.memref_slice %arg2[%dma_wait3A_439] : memref<16384xi32, #tpu.memory_space<hbm>> -> memref<16384xi32, #tpu.memory_space<hbm>>
    tpu.wait_indirect_dma semaphore(%arg19 : memref<!tpu.dma_semaphore, #tpu.memory_space<semaphore_mem>>) src(%dma_wait3A_440 : memref<16384xi32, #tpu.memory_space<hbm>>) dst(%dma_wait3A_435 : memref<128xi32, #tpu.memory_space<vmem>>)
    %dma_wait3A_441 = arith.constant 6 : i32
    %dma_wait3A_442 = arith.constant 6 : i32
    %dma_wait3A_443 = arith.constant 0 : i32
    %dma_wait3A_444 = tpu.memref_slice %arg9[%dma_wait3A_442, %dma_wait3A_443] : memref<16x128xi32, #tpu.memory_space<vmem>> -> memref<1x128xi32, #tpu.memory_space<vmem>>
    %dma_wait3A_445 = tpu.memref_squeeze %dma_wait3A_444 : memref<1x128xi32, #tpu.memory_space<vmem>> -> memref<128xi32, #tpu.memory_space<vmem>>
    %dma_wait3A_446 = arith.constant 0 : i32
    %dma_wait3A_447 = tpu.memref_slice %arg7[%dma_wait3A_441, %dma_wait3A_446] : memref<16x128xi32, #tpu.memory_space<vmem>> -> memref<1x128xi32, #tpu.memory_space<vmem>>
    %dma_wait3A_448 = tpu.memref_squeeze %dma_wait3A_447 : memref<1x128xi32, #tpu.memory_space<vmem>> -> memref<128xi32, #tpu.memory_space<vmem>>
    %dma_wait3A_449 = arith.constant 0 : i32
    %dma_wait3A_450 = tpu.memref_slice %arg2[%dma_wait3A_449] : memref<16384xi32, #tpu.memory_space<hbm>> -> memref<16384xi32, #tpu.memory_space<hbm>>
    tpu.wait_indirect_dma semaphore(%arg19 : memref<!tpu.dma_semaphore, #tpu.memory_space<semaphore_mem>>) src(%dma_wait3A_450 : memref<16384xi32, #tpu.memory_space<hbm>>) dst(%dma_wait3A_445 : memref<128xi32, #tpu.memory_space<vmem>>)
    %dma_wait3A_451 = arith.constant 6 : i32
    %dma_wait3A_452 = arith.constant 6 : i32
    %dma_wait3A_453 = arith.constant 0 : i32
    %dma_wait3A_454 = tpu.memref_slice %arg10[%dma_wait3A_452, %dma_wait3A_453] : memref<16x128xi32, #tpu.memory_space<vmem>> -> memref<1x128xi32, #tpu.memory_space<vmem>>
    %dma_wait3A_455 = tpu.memref_squeeze %dma_wait3A_454 : memref<1x128xi32, #tpu.memory_space<vmem>> -> memref<128xi32, #tpu.memory_space<vmem>>
    %dma_wait3A_456 = arith.constant 0 : i32
    %dma_wait3A_457 = tpu.memref_slice %arg8[%dma_wait3A_451, %dma_wait3A_456] : memref<16x128xi32, #tpu.memory_space<vmem>> -> memref<1x128xi32, #tpu.memory_space<vmem>>
    %dma_wait3A_458 = tpu.memref_squeeze %dma_wait3A_457 : memref<1x128xi32, #tpu.memory_space<vmem>> -> memref<128xi32, #tpu.memory_space<vmem>>
    %dma_wait3A_459 = arith.constant 0 : i32
    %dma_wait3A_460 = tpu.memref_slice %arg2[%dma_wait3A_459] : memref<16384xi32, #tpu.memory_space<hbm>> -> memref<16384xi32, #tpu.memory_space<hbm>>
    tpu.wait_indirect_dma semaphore(%arg19 : memref<!tpu.dma_semaphore, #tpu.memory_space<semaphore_mem>>) src(%dma_wait3A_460 : memref<16384xi32, #tpu.memory_space<hbm>>) dst(%dma_wait3A_455 : memref<128xi32, #tpu.memory_space<vmem>>)
    %dma_wait3A_461 = arith.constant 7 : i32
    %dma_wait3A_462 = arith.constant 7 : i32
    %dma_wait3A_463 = arith.constant 0 : i32
    %dma_wait3A_464 = tpu.memref_slice %arg9[%dma_wait3A_462, %dma_wait3A_463] : memref<16x128xi32, #tpu.memory_space<vmem>> -> memref<1x128xi32, #tpu.memory_space<vmem>>
    %dma_wait3A_465 = tpu.memref_squeeze %dma_wait3A_464 : memref<1x128xi32, #tpu.memory_space<vmem>> -> memref<128xi32, #tpu.memory_space<vmem>>
    %dma_wait3A_466 = arith.constant 0 : i32
    %dma_wait3A_467 = tpu.memref_slice %arg7[%dma_wait3A_461, %dma_wait3A_466] : memref<16x128xi32, #tpu.memory_space<vmem>> -> memref<1x128xi32, #tpu.memory_space<vmem>>
    %dma_wait3A_468 = tpu.memref_squeeze %dma_wait3A_467 : memref<1x128xi32, #tpu.memory_space<vmem>> -> memref<128xi32, #tpu.memory_space<vmem>>
    %dma_wait3A_469 = arith.constant 0 : i32
    %dma_wait3A_470 = tpu.memref_slice %arg2[%dma_wait3A_469] : memref<16384xi32, #tpu.memory_space<hbm>> -> memref<16384xi32, #tpu.memory_space<hbm>>
    tpu.wait_indirect_dma semaphore(%arg19 : memref<!tpu.dma_semaphore, #tpu.memory_space<semaphore_mem>>) src(%dma_wait3A_470 : memref<16384xi32, #tpu.memory_space<hbm>>) dst(%dma_wait3A_465 : memref<128xi32, #tpu.memory_space<vmem>>)
    %dma_wait3A_471 = arith.constant 7 : i32
    %dma_wait3A_472 = arith.constant 7 : i32
    %dma_wait3A_473 = arith.constant 0 : i32
    %dma_wait3A_474 = tpu.memref_slice %arg10[%dma_wait3A_472, %dma_wait3A_473] : memref<16x128xi32, #tpu.memory_space<vmem>> -> memref<1x128xi32, #tpu.memory_space<vmem>>
    %dma_wait3A_475 = tpu.memref_squeeze %dma_wait3A_474 : memref<1x128xi32, #tpu.memory_space<vmem>> -> memref<128xi32, #tpu.memory_space<vmem>>
    %dma_wait3A_476 = arith.constant 0 : i32
    %dma_wait3A_477 = tpu.memref_slice %arg8[%dma_wait3A_471, %dma_wait3A_476] : memref<16x128xi32, #tpu.memory_space<vmem>> -> memref<1x128xi32, #tpu.memory_space<vmem>>
    %dma_wait3A_478 = tpu.memref_squeeze %dma_wait3A_477 : memref<1x128xi32, #tpu.memory_space<vmem>> -> memref<128xi32, #tpu.memory_space<vmem>>
    %dma_wait3A_479 = arith.constant 0 : i32
    %dma_wait3A_480 = tpu.memref_slice %arg2[%dma_wait3A_479] : memref<16384xi32, #tpu.memory_space<hbm>> -> memref<16384xi32, #tpu.memory_space<hbm>>
    tpu.wait_indirect_dma semaphore(%arg19 : memref<!tpu.dma_semaphore, #tpu.memory_space<semaphore_mem>>) src(%dma_wait3A_480 : memref<16384xi32, #tpu.memory_space<hbm>>) dst(%dma_wait3A_475 : memref<128xi32, #tpu.memory_space<vmem>>)
    %dma_wait3A_481 = arith.constant 8 : i32
    %dma_wait3A_482 = arith.constant 8 : i32
    %dma_wait3A_483 = arith.constant 0 : i32
    %dma_wait3A_484 = tpu.memref_slice %arg9[%dma_wait3A_482, %dma_wait3A_483] : memref<16x128xi32, #tpu.memory_space<vmem>> -> memref<1x128xi32, #tpu.memory_space<vmem>>
    %dma_wait3A_485 = tpu.memref_squeeze %dma_wait3A_484 : memref<1x128xi32, #tpu.memory_space<vmem>> -> memref<128xi32, #tpu.memory_space<vmem>>
    %dma_wait3A_486 = arith.constant 0 : i32
    %dma_wait3A_487 = tpu.memref_slice %arg7[%dma_wait3A_481, %dma_wait3A_486] : memref<16x128xi32, #tpu.memory_space<vmem>> -> memref<1x128xi32, #tpu.memory_space<vmem>>
    %dma_wait3A_488 = tpu.memref_squeeze %dma_wait3A_487 : memref<1x128xi32, #tpu.memory_space<vmem>> -> memref<128xi32, #tpu.memory_space<vmem>>
    %dma_wait3A_489 = arith.constant 0 : i32
    %dma_wait3A_490 = tpu.memref_slice %arg2[%dma_wait3A_489] : memref<16384xi32, #tpu.memory_space<hbm>> -> memref<16384xi32, #tpu.memory_space<hbm>>
    tpu.wait_indirect_dma semaphore(%arg19 : memref<!tpu.dma_semaphore, #tpu.memory_space<semaphore_mem>>) src(%dma_wait3A_490 : memref<16384xi32, #tpu.memory_space<hbm>>) dst(%dma_wait3A_485 : memref<128xi32, #tpu.memory_space<vmem>>)
    %dma_wait3A_491 = arith.constant 8 : i32
    %dma_wait3A_492 = arith.constant 8 : i32
    %dma_wait3A_493 = arith.constant 0 : i32
    %dma_wait3A_494 = tpu.memref_slice %arg10[%dma_wait3A_492, %dma_wait3A_493] : memref<16x128xi32, #tpu.memory_space<vmem>> -> memref<1x128xi32, #tpu.memory_space<vmem>>
    %dma_wait3A_495 = tpu.memref_squeeze %dma_wait3A_494 : memref<1x128xi32, #tpu.memory_space<vmem>> -> memref<128xi32, #tpu.memory_space<vmem>>
    %dma_wait3A_496 = arith.constant 0 : i32
    %dma_wait3A_497 = tpu.memref_slice %arg8[%dma_wait3A_491, %dma_wait3A_496] : memref<16x128xi32, #tpu.memory_space<vmem>> -> memref<1x128xi32, #tpu.memory_space<vmem>>
    %dma_wait3A_498 = tpu.memref_squeeze %dma_wait3A_497 : memref<1x128xi32, #tpu.memory_space<vmem>> -> memref<128xi32, #tpu.memory_space<vmem>>
    %dma_wait3A_499 = arith.constant 0 : i32
    %dma_wait3A_500 = tpu.memref_slice %arg2[%dma_wait3A_499] : memref<16384xi32, #tpu.memory_space<hbm>> -> memref<16384xi32, #tpu.memory_space<hbm>>
    tpu.wait_indirect_dma semaphore(%arg19 : memref<!tpu.dma_semaphore, #tpu.memory_space<semaphore_mem>>) src(%dma_wait3A_500 : memref<16384xi32, #tpu.memory_space<hbm>>) dst(%dma_wait3A_495 : memref<128xi32, #tpu.memory_space<vmem>>)
    %dma_wait3A_501 = arith.constant 9 : i32
    %dma_wait3A_502 = arith.constant 9 : i32
    %dma_wait3A_503 = arith.constant 0 : i32
    %dma_wait3A_504 = tpu.memref_slice %arg9[%dma_wait3A_502, %dma_wait3A_503] : memref<16x128xi32, #tpu.memory_space<vmem>> -> memref<1x128xi32, #tpu.memory_space<vmem>>
    %dma_wait3A_505 = tpu.memref_squeeze %dma_wait3A_504 : memref<1x128xi32, #tpu.memory_space<vmem>> -> memref<128xi32, #tpu.memory_space<vmem>>
    %dma_wait3A_506 = arith.constant 0 : i32
    %dma_wait3A_507 = tpu.memref_slice %arg7[%dma_wait3A_501, %dma_wait3A_506] : memref<16x128xi32, #tpu.memory_space<vmem>> -> memref<1x128xi32, #tpu.memory_space<vmem>>
    %dma_wait3A_508 = tpu.memref_squeeze %dma_wait3A_507 : memref<1x128xi32, #tpu.memory_space<vmem>> -> memref<128xi32, #tpu.memory_space<vmem>>
    %dma_wait3A_509 = arith.constant 0 : i32
    %dma_wait3A_510 = tpu.memref_slice %arg2[%dma_wait3A_509] : memref<16384xi32, #tpu.memory_space<hbm>> -> memref<16384xi32, #tpu.memory_space<hbm>>
    tpu.wait_indirect_dma semaphore(%arg19 : memref<!tpu.dma_semaphore, #tpu.memory_space<semaphore_mem>>) src(%dma_wait3A_510 : memref<16384xi32, #tpu.memory_space<hbm>>) dst(%dma_wait3A_505 : memref<128xi32, #tpu.memory_space<vmem>>)
    %dma_wait3A_511 = arith.constant 9 : i32
    %dma_wait3A_512 = arith.constant 9 : i32
    %dma_wait3A_513 = arith.constant 0 : i32
    %dma_wait3A_514 = tpu.memref_slice %arg10[%dma_wait3A_512, %dma_wait3A_513] : memref<16x128xi32, #tpu.memory_space<vmem>> -> memref<1x128xi32, #tpu.memory_space<vmem>>
    %dma_wait3A_515 = tpu.memref_squeeze %dma_wait3A_514 : memref<1x128xi32, #tpu.memory_space<vmem>> -> memref<128xi32, #tpu.memory_space<vmem>>
    %dma_wait3A_516 = arith.constant 0 : i32
    %dma_wait3A_517 = tpu.memref_slice %arg8[%dma_wait3A_511, %dma_wait3A_516] : memref<16x128xi32, #tpu.memory_space<vmem>> -> memref<1x128xi32, #tpu.memory_space<vmem>>
    %dma_wait3A_518 = tpu.memref_squeeze %dma_wait3A_517 : memref<1x128xi32, #tpu.memory_space<vmem>> -> memref<128xi32, #tpu.memory_space<vmem>>
    %dma_wait3A_519 = arith.constant 0 : i32
    %dma_wait3A_520 = tpu.memref_slice %arg2[%dma_wait3A_519] : memref<16384xi32, #tpu.memory_space<hbm>> -> memref<16384xi32, #tpu.memory_space<hbm>>
    tpu.wait_indirect_dma semaphore(%arg19 : memref<!tpu.dma_semaphore, #tpu.memory_space<semaphore_mem>>) src(%dma_wait3A_520 : memref<16384xi32, #tpu.memory_space<hbm>>) dst(%dma_wait3A_515 : memref<128xi32, #tpu.memory_space<vmem>>)
    %dma_wait3A_521 = arith.constant 10 : i32
    %dma_wait3A_522 = arith.constant 10 : i32
    %dma_wait3A_523 = arith.constant 0 : i32
    %dma_wait3A_524 = tpu.memref_slice %arg9[%dma_wait3A_522, %dma_wait3A_523] : memref<16x128xi32, #tpu.memory_space<vmem>> -> memref<1x128xi32, #tpu.memory_space<vmem>>
    %dma_wait3A_525 = tpu.memref_squeeze %dma_wait3A_524 : memref<1x128xi32, #tpu.memory_space<vmem>> -> memref<128xi32, #tpu.memory_space<vmem>>
    %dma_wait3A_526 = arith.constant 0 : i32
    %dma_wait3A_527 = tpu.memref_slice %arg7[%dma_wait3A_521, %dma_wait3A_526] : memref<16x128xi32, #tpu.memory_space<vmem>> -> memref<1x128xi32, #tpu.memory_space<vmem>>
    %dma_wait3A_528 = tpu.memref_squeeze %dma_wait3A_527 : memref<1x128xi32, #tpu.memory_space<vmem>> -> memref<128xi32, #tpu.memory_space<vmem>>
    %dma_wait3A_529 = arith.constant 0 : i32
    %dma_wait3A_530 = tpu.memref_slice %arg2[%dma_wait3A_529] : memref<16384xi32, #tpu.memory_space<hbm>> -> memref<16384xi32, #tpu.memory_space<hbm>>
    tpu.wait_indirect_dma semaphore(%arg19 : memref<!tpu.dma_semaphore, #tpu.memory_space<semaphore_mem>>) src(%dma_wait3A_530 : memref<16384xi32, #tpu.memory_space<hbm>>) dst(%dma_wait3A_525 : memref<128xi32, #tpu.memory_space<vmem>>)
    %dma_wait3A_531 = arith.constant 10 : i32
    %dma_wait3A_532 = arith.constant 10 : i32
    %dma_wait3A_533 = arith.constant 0 : i32
    %dma_wait3A_534 = tpu.memref_slice %arg10[%dma_wait3A_532, %dma_wait3A_533] : memref<16x128xi32, #tpu.memory_space<vmem>> -> memref<1x128xi32, #tpu.memory_space<vmem>>
    %dma_wait3A_535 = tpu.memref_squeeze %dma_wait3A_534 : memref<1x128xi32, #tpu.memory_space<vmem>> -> memref<128xi32, #tpu.memory_space<vmem>>
    %dma_wait3A_536 = arith.constant 0 : i32
    %dma_wait3A_537 = tpu.memref_slice %arg8[%dma_wait3A_531, %dma_wait3A_536] : memref<16x128xi32, #tpu.memory_space<vmem>> -> memref<1x128xi32, #tpu.memory_space<vmem>>
    %dma_wait3A_538 = tpu.memref_squeeze %dma_wait3A_537 : memref<1x128xi32, #tpu.memory_space<vmem>> -> memref<128xi32, #tpu.memory_space<vmem>>
    %dma_wait3A_539 = arith.constant 0 : i32
    %dma_wait3A_540 = tpu.memref_slice %arg2[%dma_wait3A_539] : memref<16384xi32, #tpu.memory_space<hbm>> -> memref<16384xi32, #tpu.memory_space<hbm>>
    tpu.wait_indirect_dma semaphore(%arg19 : memref<!tpu.dma_semaphore, #tpu.memory_space<semaphore_mem>>) src(%dma_wait3A_540 : memref<16384xi32, #tpu.memory_space<hbm>>) dst(%dma_wait3A_535 : memref<128xi32, #tpu.memory_space<vmem>>)
    %dma_wait3A_541 = arith.constant 11 : i32
    %dma_wait3A_542 = arith.constant 11 : i32
    %dma_wait3A_543 = arith.constant 0 : i32
    %dma_wait3A_544 = tpu.memref_slice %arg9[%dma_wait3A_542, %dma_wait3A_543] : memref<16x128xi32, #tpu.memory_space<vmem>> -> memref<1x128xi32, #tpu.memory_space<vmem>>
    %dma_wait3A_545 = tpu.memref_squeeze %dma_wait3A_544 : memref<1x128xi32, #tpu.memory_space<vmem>> -> memref<128xi32, #tpu.memory_space<vmem>>
    %dma_wait3A_546 = arith.constant 0 : i32
    %dma_wait3A_547 = tpu.memref_slice %arg7[%dma_wait3A_541, %dma_wait3A_546] : memref<16x128xi32, #tpu.memory_space<vmem>> -> memref<1x128xi32, #tpu.memory_space<vmem>>
    %dma_wait3A_548 = tpu.memref_squeeze %dma_wait3A_547 : memref<1x128xi32, #tpu.memory_space<vmem>> -> memref<128xi32, #tpu.memory_space<vmem>>
    %dma_wait3A_549 = arith.constant 0 : i32
    %dma_wait3A_550 = tpu.memref_slice %arg2[%dma_wait3A_549] : memref<16384xi32, #tpu.memory_space<hbm>> -> memref<16384xi32, #tpu.memory_space<hbm>>
    tpu.wait_indirect_dma semaphore(%arg19 : memref<!tpu.dma_semaphore, #tpu.memory_space<semaphore_mem>>) src(%dma_wait3A_550 : memref<16384xi32, #tpu.memory_space<hbm>>) dst(%dma_wait3A_545 : memref<128xi32, #tpu.memory_space<vmem>>)
    %dma_wait3A_551 = arith.constant 11 : i32
    %dma_wait3A_552 = arith.constant 11 : i32
    %dma_wait3A_553 = arith.constant 0 : i32
    %dma_wait3A_554 = tpu.memref_slice %arg10[%dma_wait3A_552, %dma_wait3A_553] : memref<16x128xi32, #tpu.memory_space<vmem>> -> memref<1x128xi32, #tpu.memory_space<vmem>>
    %dma_wait3A_555 = tpu.memref_squeeze %dma_wait3A_554 : memref<1x128xi32, #tpu.memory_space<vmem>> -> memref<128xi32, #tpu.memory_space<vmem>>
    %dma_wait3A_556 = arith.constant 0 : i32
    %dma_wait3A_557 = tpu.memref_slice %arg8[%dma_wait3A_551, %dma_wait3A_556] : memref<16x128xi32, #tpu.memory_space<vmem>> -> memref<1x128xi32, #tpu.memory_space<vmem>>
    %dma_wait3A_558 = tpu.memref_squeeze %dma_wait3A_557 : memref<1x128xi32, #tpu.memory_space<vmem>> -> memref<128xi32, #tpu.memory_space<vmem>>
    %dma_wait3A_559 = arith.constant 0 : i32
    %dma_wait3A_560 = tpu.memref_slice %arg2[%dma_wait3A_559] : memref<16384xi32, #tpu.memory_space<hbm>> -> memref<16384xi32, #tpu.memory_space<hbm>>
    tpu.wait_indirect_dma semaphore(%arg19 : memref<!tpu.dma_semaphore, #tpu.memory_space<semaphore_mem>>) src(%dma_wait3A_560 : memref<16384xi32, #tpu.memory_space<hbm>>) dst(%dma_wait3A_555 : memref<128xi32, #tpu.memory_space<vmem>>)
    %dma_wait3A_561 = arith.constant 12 : i32
    %dma_wait3A_562 = arith.constant 12 : i32
    %dma_wait3A_563 = arith.constant 0 : i32
    %dma_wait3A_564 = tpu.memref_slice %arg9[%dma_wait3A_562, %dma_wait3A_563] : memref<16x128xi32, #tpu.memory_space<vmem>> -> memref<1x128xi32, #tpu.memory_space<vmem>>
    %dma_wait3A_565 = tpu.memref_squeeze %dma_wait3A_564 : memref<1x128xi32, #tpu.memory_space<vmem>> -> memref<128xi32, #tpu.memory_space<vmem>>
    %dma_wait3A_566 = arith.constant 0 : i32
    %dma_wait3A_567 = tpu.memref_slice %arg7[%dma_wait3A_561, %dma_wait3A_566] : memref<16x128xi32, #tpu.memory_space<vmem>> -> memref<1x128xi32, #tpu.memory_space<vmem>>
    %dma_wait3A_568 = tpu.memref_squeeze %dma_wait3A_567 : memref<1x128xi32, #tpu.memory_space<vmem>> -> memref<128xi32, #tpu.memory_space<vmem>>
    %dma_wait3A_569 = arith.constant 0 : i32
    %dma_wait3A_570 = tpu.memref_slice %arg2[%dma_wait3A_569] : memref<16384xi32, #tpu.memory_space<hbm>> -> memref<16384xi32, #tpu.memory_space<hbm>>
    tpu.wait_indirect_dma semaphore(%arg19 : memref<!tpu.dma_semaphore, #tpu.memory_space<semaphore_mem>>) src(%dma_wait3A_570 : memref<16384xi32, #tpu.memory_space<hbm>>) dst(%dma_wait3A_565 : memref<128xi32, #tpu.memory_space<vmem>>)
    %dma_wait3A_571 = arith.constant 12 : i32
    %dma_wait3A_572 = arith.constant 12 : i32
    %dma_wait3A_573 = arith.constant 0 : i32
    %dma_wait3A_574 = tpu.memref_slice %arg10[%dma_wait3A_572, %dma_wait3A_573] : memref<16x128xi32, #tpu.memory_space<vmem>> -> memref<1x128xi32, #tpu.memory_space<vmem>>
    %dma_wait3A_575 = tpu.memref_squeeze %dma_wait3A_574 : memref<1x128xi32, #tpu.memory_space<vmem>> -> memref<128xi32, #tpu.memory_space<vmem>>
    %dma_wait3A_576 = arith.constant 0 : i32
    %dma_wait3A_577 = tpu.memref_slice %arg8[%dma_wait3A_571, %dma_wait3A_576] : memref<16x128xi32, #tpu.memory_space<vmem>> -> memref<1x128xi32, #tpu.memory_space<vmem>>
    %dma_wait3A_578 = tpu.memref_squeeze %dma_wait3A_577 : memref<1x128xi32, #tpu.memory_space<vmem>> -> memref<128xi32, #tpu.memory_space<vmem>>
    %dma_wait3A_579 = arith.constant 0 : i32
    %dma_wait3A_580 = tpu.memref_slice %arg2[%dma_wait3A_579] : memref<16384xi32, #tpu.memory_space<hbm>> -> memref<16384xi32, #tpu.memory_space<hbm>>
    tpu.wait_indirect_dma semaphore(%arg19 : memref<!tpu.dma_semaphore, #tpu.memory_space<semaphore_mem>>) src(%dma_wait3A_580 : memref<16384xi32, #tpu.memory_space<hbm>>) dst(%dma_wait3A_575 : memref<128xi32, #tpu.memory_space<vmem>>)
    %dma_wait3A_581 = arith.constant 13 : i32
    %dma_wait3A_582 = arith.constant 13 : i32
    %dma_wait3A_583 = arith.constant 0 : i32
    %dma_wait3A_584 = tpu.memref_slice %arg9[%dma_wait3A_582, %dma_wait3A_583] : memref<16x128xi32, #tpu.memory_space<vmem>> -> memref<1x128xi32, #tpu.memory_space<vmem>>
    %dma_wait3A_585 = tpu.memref_squeeze %dma_wait3A_584 : memref<1x128xi32, #tpu.memory_space<vmem>> -> memref<128xi32, #tpu.memory_space<vmem>>
    %dma_wait3A_586 = arith.constant 0 : i32
    %dma_wait3A_587 = tpu.memref_slice %arg7[%dma_wait3A_581, %dma_wait3A_586] : memref<16x128xi32, #tpu.memory_space<vmem>> -> memref<1x128xi32, #tpu.memory_space<vmem>>
    %dma_wait3A_588 = tpu.memref_squeeze %dma_wait3A_587 : memref<1x128xi32, #tpu.memory_space<vmem>> -> memref<128xi32, #tpu.memory_space<vmem>>
    %dma_wait3A_589 = arith.constant 0 : i32
    %dma_wait3A_590 = tpu.memref_slice %arg2[%dma_wait3A_589] : memref<16384xi32, #tpu.memory_space<hbm>> -> memref<16384xi32, #tpu.memory_space<hbm>>
    tpu.wait_indirect_dma semaphore(%arg19 : memref<!tpu.dma_semaphore, #tpu.memory_space<semaphore_mem>>) src(%dma_wait3A_590 : memref<16384xi32, #tpu.memory_space<hbm>>) dst(%dma_wait3A_585 : memref<128xi32, #tpu.memory_space<vmem>>)
    %dma_wait3A_591 = arith.constant 13 : i32
    %dma_wait3A_592 = arith.constant 13 : i32
    %dma_wait3A_593 = arith.constant 0 : i32
    %dma_wait3A_594 = tpu.memref_slice %arg10[%dma_wait3A_592, %dma_wait3A_593] : memref<16x128xi32, #tpu.memory_space<vmem>> -> memref<1x128xi32, #tpu.memory_space<vmem>>
    %dma_wait3A_595 = tpu.memref_squeeze %dma_wait3A_594 : memref<1x128xi32, #tpu.memory_space<vmem>> -> memref<128xi32, #tpu.memory_space<vmem>>
    %dma_wait3A_596 = arith.constant 0 : i32
    %dma_wait3A_597 = tpu.memref_slice %arg8[%dma_wait3A_591, %dma_wait3A_596] : memref<16x128xi32, #tpu.memory_space<vmem>> -> memref<1x128xi32, #tpu.memory_space<vmem>>
    %dma_wait3A_598 = tpu.memref_squeeze %dma_wait3A_597 : memref<1x128xi32, #tpu.memory_space<vmem>> -> memref<128xi32, #tpu.memory_space<vmem>>
    %dma_wait3A_599 = arith.constant 0 : i32
    %dma_wait3A_600 = tpu.memref_slice %arg2[%dma_wait3A_599] : memref<16384xi32, #tpu.memory_space<hbm>> -> memref<16384xi32, #tpu.memory_space<hbm>>
    tpu.wait_indirect_dma semaphore(%arg19 : memref<!tpu.dma_semaphore, #tpu.memory_space<semaphore_mem>>) src(%dma_wait3A_600 : memref<16384xi32, #tpu.memory_space<hbm>>) dst(%dma_wait3A_595 : memref<128xi32, #tpu.memory_space<vmem>>)
    %dma_wait3A_601 = arith.constant 14 : i32
    %dma_wait3A_602 = arith.constant 14 : i32
    %dma_wait3A_603 = arith.constant 0 : i32
    %dma_wait3A_604 = tpu.memref_slice %arg9[%dma_wait3A_602, %dma_wait3A_603] : memref<16x128xi32, #tpu.memory_space<vmem>> -> memref<1x128xi32, #tpu.memory_space<vmem>>
    %dma_wait3A_605 = tpu.memref_squeeze %dma_wait3A_604 : memref<1x128xi32, #tpu.memory_space<vmem>> -> memref<128xi32, #tpu.memory_space<vmem>>
    %dma_wait3A_606 = arith.constant 0 : i32
    %dma_wait3A_607 = tpu.memref_slice %arg7[%dma_wait3A_601, %dma_wait3A_606] : memref<16x128xi32, #tpu.memory_space<vmem>> -> memref<1x128xi32, #tpu.memory_space<vmem>>
    %dma_wait3A_608 = tpu.memref_squeeze %dma_wait3A_607 : memref<1x128xi32, #tpu.memory_space<vmem>> -> memref<128xi32, #tpu.memory_space<vmem>>
    %dma_wait3A_609 = arith.constant 0 : i32
    %dma_wait3A_610 = tpu.memref_slice %arg2[%dma_wait3A_609] : memref<16384xi32, #tpu.memory_space<hbm>> -> memref<16384xi32, #tpu.memory_space<hbm>>
    tpu.wait_indirect_dma semaphore(%arg19 : memref<!tpu.dma_semaphore, #tpu.memory_space<semaphore_mem>>) src(%dma_wait3A_610 : memref<16384xi32, #tpu.memory_space<hbm>>) dst(%dma_wait3A_605 : memref<128xi32, #tpu.memory_space<vmem>>)
    %dma_wait3A_611 = arith.constant 14 : i32
    %dma_wait3A_612 = arith.constant 14 : i32
    %dma_wait3A_613 = arith.constant 0 : i32
    %dma_wait3A_614 = tpu.memref_slice %arg10[%dma_wait3A_612, %dma_wait3A_613] : memref<16x128xi32, #tpu.memory_space<vmem>> -> memref<1x128xi32, #tpu.memory_space<vmem>>
    %dma_wait3A_615 = tpu.memref_squeeze %dma_wait3A_614 : memref<1x128xi32, #tpu.memory_space<vmem>> -> memref<128xi32, #tpu.memory_space<vmem>>
    %dma_wait3A_616 = arith.constant 0 : i32
    %dma_wait3A_617 = tpu.memref_slice %arg8[%dma_wait3A_611, %dma_wait3A_616] : memref<16x128xi32, #tpu.memory_space<vmem>> -> memref<1x128xi32, #tpu.memory_space<vmem>>
    %dma_wait3A_618 = tpu.memref_squeeze %dma_wait3A_617 : memref<1x128xi32, #tpu.memory_space<vmem>> -> memref<128xi32, #tpu.memory_space<vmem>>
    %dma_wait3A_619 = arith.constant 0 : i32
    %dma_wait3A_620 = tpu.memref_slice %arg2[%dma_wait3A_619] : memref<16384xi32, #tpu.memory_space<hbm>> -> memref<16384xi32, #tpu.memory_space<hbm>>
    tpu.wait_indirect_dma semaphore(%arg19 : memref<!tpu.dma_semaphore, #tpu.memory_space<semaphore_mem>>) src(%dma_wait3A_620 : memref<16384xi32, #tpu.memory_space<hbm>>) dst(%dma_wait3A_615 : memref<128xi32, #tpu.memory_space<vmem>>)
    %dma_wait3A_621 = arith.constant 15 : i32
    %dma_wait3A_622 = arith.constant 15 : i32
    %dma_wait3A_623 = arith.constant 0 : i32
    %dma_wait3A_624 = tpu.memref_slice %arg9[%dma_wait3A_622, %dma_wait3A_623] : memref<16x128xi32, #tpu.memory_space<vmem>> -> memref<1x128xi32, #tpu.memory_space<vmem>>
    %dma_wait3A_625 = tpu.memref_squeeze %dma_wait3A_624 : memref<1x128xi32, #tpu.memory_space<vmem>> -> memref<128xi32, #tpu.memory_space<vmem>>
    %dma_wait3A_626 = arith.constant 0 : i32
    %dma_wait3A_627 = tpu.memref_slice %arg7[%dma_wait3A_621, %dma_wait3A_626] : memref<16x128xi32, #tpu.memory_space<vmem>> -> memref<1x128xi32, #tpu.memory_space<vmem>>
    %dma_wait3A_628 = tpu.memref_squeeze %dma_wait3A_627 : memref<1x128xi32, #tpu.memory_space<vmem>> -> memref<128xi32, #tpu.memory_space<vmem>>
    %dma_wait3A_629 = arith.constant 0 : i32
    %dma_wait3A_630 = tpu.memref_slice %arg2[%dma_wait3A_629] : memref<16384xi32, #tpu.memory_space<hbm>> -> memref<16384xi32, #tpu.memory_space<hbm>>
    tpu.wait_indirect_dma semaphore(%arg19 : memref<!tpu.dma_semaphore, #tpu.memory_space<semaphore_mem>>) src(%dma_wait3A_630 : memref<16384xi32, #tpu.memory_space<hbm>>) dst(%dma_wait3A_625 : memref<128xi32, #tpu.memory_space<vmem>>)
    %dma_wait3A_631 = arith.constant 15 : i32
    %dma_wait3A_632 = arith.constant 15 : i32
    %dma_wait3A_633 = arith.constant 0 : i32
    %dma_wait3A_634 = tpu.memref_slice %arg10[%dma_wait3A_632, %dma_wait3A_633] : memref<16x128xi32, #tpu.memory_space<vmem>> -> memref<1x128xi32, #tpu.memory_space<vmem>>
    %dma_wait3A_635 = tpu.memref_squeeze %dma_wait3A_634 : memref<1x128xi32, #tpu.memory_space<vmem>> -> memref<128xi32, #tpu.memory_space<vmem>>
    %dma_wait3A_636 = arith.constant 0 : i32
    %dma_wait3A_637 = tpu.memref_slice %arg8[%dma_wait3A_631, %dma_wait3A_636] : memref<16x128xi32, #tpu.memory_space<vmem>> -> memref<1x128xi32, #tpu.memory_space<vmem>>
    %dma_wait3A_638 = tpu.memref_squeeze %dma_wait3A_637 : memref<1x128xi32, #tpu.memory_space<vmem>> -> memref<128xi32, #tpu.memory_space<vmem>>
    %dma_wait3A_639 = arith.constant 0 : i32
    %dma_wait3A_640 = tpu.memref_slice %arg2[%dma_wait3A_639] : memref<16384xi32, #tpu.memory_space<hbm>> -> memref<16384xi32, #tpu.memory_space<hbm>>
    tpu.wait_indirect_dma semaphore(%arg19 : memref<!tpu.dma_semaphore, #tpu.memory_space<semaphore_mem>>) src(%dma_wait3A_640 : memref<16384xi32, #tpu.memory_space<hbm>>) dst(%dma_wait3A_635 : memref<128xi32, #tpu.memory_space<vmem>>)
    %dma_start3A_641 = arith.constant 0 : i32
    %dma_start3A_642 = arith.constant 0 : i32
    %dma_start3A_643 = arith.constant 0 : i32
    %dma_start3A_644 = arith.constant 0 : i32
    %dma_start3A_645 = tpu.memref_slice %arg11[%dma_start3A_642, %dma_start3A_643, %dma_start3A_644] : memref<3x128x128xf32, #tpu.memory_space<vmem>> -> memref<1x128x128xf32, #tpu.memory_space<vmem>>
    %dma_start3A_646 = tpu.memref_squeeze %dma_start3A_645 : memref<1x128x128xf32, #tpu.memory_space<vmem>> -> memref<128x128xf32, #tpu.memory_space<vmem>>
    %dma_start3A_647 = arith.constant 0 : i32
    %dma_start3A_648 = tpu.memref_slice %arg9[%dma_start3A_641, %dma_start3A_647] : memref<16x128xi32, #tpu.memory_space<vmem>> -> memref<1x128xi32, #tpu.memory_space<vmem>>
    %dma_start3A_649 = tpu.memref_squeeze %dma_start3A_648 : memref<1x128xi32, #tpu.memory_space<vmem>> -> memref<128xi32, #tpu.memory_space<vmem>>
    %dma_start3A_650 = arith.constant 0 : i32
    %dma_start3A_651 = arith.constant 0 : i32
    %dma_start3A_652 = tpu.memref_slice %arg5[%dma_start3A_650, %dma_start3A_651] : memref<100000x128xf32, #tpu.memory_space<hbm>> -> memref<100000x128xf32, #tpu.memory_space<hbm>>
    tpu.enqueue_indirect_dma source(%dma_start3A_652 : memref<100000x128xf32, #tpu.memory_space<hbm>>) target(%dma_start3A_646 : memref<128x128xf32, #tpu.memory_space<vmem>>) offsets(%dma_start3A_649 : memref<128xi32, #tpu.memory_space<vmem>>) semaphore(%arg13 : memref<!tpu.dma_semaphore, #tpu.memory_space<semaphore_mem>>)
    %dma_start3A_653 = arith.constant 0 : i32
    %dma_start3A_654 = arith.constant 0 : i32
    %dma_start3A_655 = arith.constant 0 : i32
    %dma_start3A_656 = arith.constant 0 : i32
    %dma_start3A_657 = tpu.memref_slice %arg12[%dma_start3A_654, %dma_start3A_655, %dma_start3A_656] : memref<3x128x128xf32, #tpu.memory_space<vmem>> -> memref<1x128x128xf32, #tpu.memory_space<vmem>>
    %dma_start3A_658 = tpu.memref_squeeze %dma_start3A_657 : memref<1x128x128xf32, #tpu.memory_space<vmem>> -> memref<128x128xf32, #tpu.memory_space<vmem>>
    %dma_start3A_659 = arith.constant 0 : i32
    %dma_start3A_660 = tpu.memref_slice %arg10[%dma_start3A_653, %dma_start3A_659] : memref<16x128xi32, #tpu.memory_space<vmem>> -> memref<1x128xi32, #tpu.memory_space<vmem>>
    %dma_start3A_661 = tpu.memref_squeeze %dma_start3A_660 : memref<1x128xi32, #tpu.memory_space<vmem>> -> memref<128xi32, #tpu.memory_space<vmem>>
    %dma_start3A_662 = arith.constant 0 : i32
    %dma_start3A_663 = arith.constant 0 : i32
    %dma_start3A_664 = tpu.memref_slice %arg5[%dma_start3A_662, %dma_start3A_663] : memref<100000x128xf32, #tpu.memory_space<hbm>> -> memref<100000x128xf32, #tpu.memory_space<hbm>>
    tpu.enqueue_indirect_dma source(%dma_start3A_664 : memref<100000x128xf32, #tpu.memory_space<hbm>>) target(%dma_start3A_658 : memref<128x128xf32, #tpu.memory_space<vmem>>) offsets(%dma_start3A_661 : memref<128xi32, #tpu.memory_space<vmem>>) semaphore(%arg13 : memref<!tpu.dma_semaphore, #tpu.memory_space<semaphore_mem>>)
    %dma_start3A_665 = arith.constant 1 : i32
    %dma_start3A_666 = arith.constant 1 : i32
    %dma_start3A_667 = arith.constant 0 : i32
    %dma_start3A_668 = arith.constant 0 : i32
    %dma_start3A_669 = tpu.memref_slice %arg11[%dma_start3A_666, %dma_start3A_667, %dma_start3A_668] : memref<3x128x128xf32, #tpu.memory_space<vmem>> -> memref<1x128x128xf32, #tpu.memory_space<vmem>>
    %dma_start3A_670 = tpu.memref_squeeze %dma_start3A_669 : memref<1x128x128xf32, #tpu.memory_space<vmem>> -> memref<128x128xf32, #tpu.memory_space<vmem>>
    %dma_start3A_671 = arith.constant 0 : i32
    %dma_start3A_672 = tpu.memref_slice %arg9[%dma_start3A_665, %dma_start3A_671] : memref<16x128xi32, #tpu.memory_space<vmem>> -> memref<1x128xi32, #tpu.memory_space<vmem>>
    %dma_start3A_673 = tpu.memref_squeeze %dma_start3A_672 : memref<1x128xi32, #tpu.memory_space<vmem>> -> memref<128xi32, #tpu.memory_space<vmem>>
    %dma_start3A_674 = arith.constant 0 : i32
    %dma_start3A_675 = arith.constant 0 : i32
    %dma_start3A_676 = tpu.memref_slice %arg5[%dma_start3A_674, %dma_start3A_675] : memref<100000x128xf32, #tpu.memory_space<hbm>> -> memref<100000x128xf32, #tpu.memory_space<hbm>>
    tpu.enqueue_indirect_dma source(%dma_start3A_676 : memref<100000x128xf32, #tpu.memory_space<hbm>>) target(%dma_start3A_670 : memref<128x128xf32, #tpu.memory_space<vmem>>) offsets(%dma_start3A_673 : memref<128xi32, #tpu.memory_space<vmem>>) semaphore(%arg14 : memref<!tpu.dma_semaphore, #tpu.memory_space<semaphore_mem>>)
    %dma_start3A_677 = arith.constant 1 : i32
    %dma_start3A_678 = arith.constant 1 : i32
    %dma_start3A_679 = arith.constant 0 : i32
    %dma_start3A_680 = arith.constant 0 : i32
    %dma_start3A_681 = tpu.memref_slice %arg12[%dma_start3A_678, %dma_start3A_679, %dma_start3A_680] : memref<3x128x128xf32, #tpu.memory_space<vmem>> -> memref<1x128x128xf32, #tpu.memory_space<vmem>>
    %dma_start3A_682 = tpu.memref_squeeze %dma_start3A_681 : memref<1x128x128xf32, #tpu.memory_space<vmem>> -> memref<128x128xf32, #tpu.memory_space<vmem>>
    %dma_start3A_683 = arith.constant 0 : i32
    %dma_start3A_684 = tpu.memref_slice %arg10[%dma_start3A_677, %dma_start3A_683] : memref<16x128xi32, #tpu.memory_space<vmem>> -> memref<1x128xi32, #tpu.memory_space<vmem>>
    %dma_start3A_685 = tpu.memref_squeeze %dma_start3A_684 : memref<1x128xi32, #tpu.memory_space<vmem>> -> memref<128xi32, #tpu.memory_space<vmem>>
    %dma_start3A_686 = arith.constant 0 : i32
    %dma_start3A_687 = arith.constant 0 : i32
    %dma_start3A_688 = tpu.memref_slice %arg5[%dma_start3A_686, %dma_start3A_687] : memref<100000x128xf32, #tpu.memory_space<hbm>> -> memref<100000x128xf32, #tpu.memory_space<hbm>>
    tpu.enqueue_indirect_dma source(%dma_start3A_688 : memref<100000x128xf32, #tpu.memory_space<hbm>>) target(%dma_start3A_682 : memref<128x128xf32, #tpu.memory_space<vmem>>) offsets(%dma_start3A_685 : memref<128xi32, #tpu.memory_space<vmem>>) semaphore(%arg14 : memref<!tpu.dma_semaphore, #tpu.memory_space<semaphore_mem>>)
    %scan3A = arith.constant 0 : i32
    %scan3A_689 = arith.constant 0 : i32
    %scan3A_690 = arith.constant 5 : i32
    %scan3A_691 = arith.addi %scan3A_689, %scan3A_690 : i32
    %scan3A_692 = arith.constant 1 : i32
    scf.for %scan3A_770 = %scan3A_689 to %scan3A_691 step %scan3A_692  : i32 {
      %mul3A_771 = arith.constant 3 : i32
      %mul3A_772 = arith.muli %mul3A_771, %scan3A_770 : i32
      %add3A_773 = arith.constant 0 : i32
      %add3A_774 = arith.addi %mul3A_772, %add3A_773 : i32
      %dma_wait3A_775 = arith.constant 0 : i32
      %dma_wait3A_776 = arith.constant 0 : i32
      %dma_wait3A_777 = arith.constant 0 : i32
      %dma_wait3A_778 = arith.constant 0 : i32
      %dma_wait3A_779 = tpu.memref_slice %arg11[%dma_wait3A_776, %dma_wait3A_777, %dma_wait3A_778] : memref<3x128x128xf32, #tpu.memory_space<vmem>> -> memref<1x128x128xf32, #tpu.memory_space<vmem>>
      %dma_wait3A_780 = tpu.memref_squeeze %dma_wait3A_779 : memref<1x128x128xf32, #tpu.memory_space<vmem>> -> memref<128x128xf32, #tpu.memory_space<vmem>>
      %dma_wait3A_781 = arith.constant 0 : i32
      %dma_wait3A_782 = tpu.memref_slice %arg9[%dma_wait3A_775, %dma_wait3A_781] : memref<16x128xi32, #tpu.memory_space<vmem>> -> memref<1x128xi32, #tpu.memory_space<vmem>>
      %dma_wait3A_783 = tpu.memref_squeeze %dma_wait3A_782 : memref<1x128xi32, #tpu.memory_space<vmem>> -> memref<128xi32, #tpu.memory_space<vmem>>
      %dma_wait3A_784 = arith.constant 0 : i32
      %dma_wait3A_785 = arith.constant 0 : i32
      %dma_wait3A_786 = tpu.memref_slice %arg5[%dma_wait3A_784, %dma_wait3A_785] : memref<100000x128xf32, #tpu.memory_space<hbm>> -> memref<100000x128xf32, #tpu.memory_space<hbm>>
      tpu.wait_indirect_dma semaphore(%arg13 : memref<!tpu.dma_semaphore, #tpu.memory_space<semaphore_mem>>) src(%dma_wait3A_786 : memref<100000x128xf32, #tpu.memory_space<hbm>>) dst(%dma_wait3A_780 : memref<128x128xf32, #tpu.memory_space<vmem>>)
      %dma_wait3A_787 = arith.constant 0 : i32
      %dma_wait3A_788 = arith.constant 0 : i32
      %dma_wait3A_789 = arith.constant 0 : i32
      %dma_wait3A_790 = arith.constant 0 : i32
      %dma_wait3A_791 = tpu.memref_slice %arg12[%dma_wait3A_788, %dma_wait3A_789, %dma_wait3A_790] : memref<3x128x128xf32, #tpu.memory_space<vmem>> -> memref<1x128x128xf32, #tpu.memory_space<vmem>>
      %dma_wait3A_792 = tpu.memref_squeeze %dma_wait3A_791 : memref<1x128x128xf32, #tpu.memory_space<vmem>> -> memref<128x128xf32, #tpu.memory_space<vmem>>
      %dma_wait3A_793 = arith.constant 0 : i32
      %dma_wait3A_794 = tpu.memref_slice %arg10[%dma_wait3A_787, %dma_wait3A_793] : memref<16x128xi32, #tpu.memory_space<vmem>> -> memref<1x128xi32, #tpu.memory_space<vmem>>
      %dma_wait3A_795 = tpu.memref_squeeze %dma_wait3A_794 : memref<1x128xi32, #tpu.memory_space<vmem>> -> memref<128xi32, #tpu.memory_space<vmem>>
      %dma_wait3A_796 = arith.constant 0 : i32
      %dma_wait3A_797 = arith.constant 0 : i32
      %dma_wait3A_798 = tpu.memref_slice %arg5[%dma_wait3A_796, %dma_wait3A_797] : memref<100000x128xf32, #tpu.memory_space<hbm>> -> memref<100000x128xf32, #tpu.memory_space<hbm>>
      tpu.wait_indirect_dma semaphore(%arg13 : memref<!tpu.dma_semaphore, #tpu.memory_space<semaphore_mem>>) src(%dma_wait3A_798 : memref<100000x128xf32, #tpu.memory_space<hbm>>) dst(%dma_wait3A_792 : memref<128x128xf32, #tpu.memory_space<vmem>>)
      %scan3A_799 = arith.constant 0 : i32
      %scan3A_800 = arith.constant 0 : i32
      %scan3A_801 = arith.constant 128 : i32
      %scan3A_802 = arith.addi %scan3A_800, %scan3A_801 : i32
      %scan3A_803 = arith.constant 1 : i32
      scf.for %scan3A_956 = %scan3A_800 to %scan3A_802 step %scan3A_803  : i32 {
        %get3A = arith.constant 0 : i32
        %get3A_957 = arith.index_cast %get3A : i32 to index
        %get3A_958 = arith.index_cast %scan3A_956 : i32 to index
        %get3A_959 = arith.constant 0 : index
        %get3A_960 = tpu.vector_load %arg11[%get3A_957, %get3A_958, %get3A_959] {strides = array<i32>} : memref<3x128x128xf32, #tpu.memory_space<vmem>>, vector<1x1x16xf32>,
        %get3A_961 = vector.shape_cast %get3A_960 : vector<1x1x16xf32> to vector<16xf32>
        %get3A_962 = arith.constant 0 : i32
        %get3A_963 = arith.index_cast %get3A_962 : i32 to index
        %get3A_964 = arith.index_cast %scan3A_956 : i32 to index
        %get3A_965 = arith.constant 0 : index
        %get3A_966 = tpu.vector_load %arg12[%get3A_963, %get3A_964, %get3A_965] {strides = array<i32>} : memref<3x128x128xf32, #tpu.memory_space<vmem>>, vector<1x1x16xf32>,
        %get3A_967 = vector.shape_cast %get3A_966 : vector<1x1x16xf32> to vector<16xf32>
        %mul3A_968 = arith.mulf %get3A_961, %get3A_967 : vector<16xf32>
        %swap3A = arith.constant 0 : i32
        %swap3A_969 = arith.index_cast %swap3A : i32 to index
        %swap3A_970 = arith.index_cast %scan3A_956 : i32 to index
        %swap3A_971 = arith.constant 0 : index
        %swap3A_972 = tpu.vector_load %arg11[%swap3A_969, %swap3A_970, %swap3A_971] {strides = array<i32>} : memref<3x128x128xf32, #tpu.memory_space<vmem>>, vector<1x1x16xf32>,
        %swap3A_973 = vector.shape_cast %swap3A_972 : vector<1x1x16xf32> to vector<16xf32>
        %swap3A_974 = vector.shape_cast %mul3A_968 : vector<16xf32> to vector<1x1x16xf32>
        tpu.vector_store %arg11[%swap3A_969, %swap3A_970, %swap3A_971], %swap3A_974 {strides = array<i32>} : memref<3x128x128xf32, #tpu.memory_space<vmem>>, vector<1x1x16xf32>,
        %get3A_975 = arith.constant 0 : i32
        %get3A_976 = arith.index_cast %get3A_975 : i32 to index
        %get3A_977 = arith.index_cast %scan3A_956 : i32 to index
        %get3A_978 = arith.constant 16 : index
        %get3A_979 = tpu.vector_load %arg11[%get3A_976, %get3A_977, %get3A_978] {strides = array<i32>} : memref<3x128x128xf32, #tpu.memory_space<vmem>>, vector<1x1x16xf32>,
        %get3A_980 = vector.shape_cast %get3A_979 : vector<1x1x16xf32> to vector<16xf32>
        %get3A_981 = arith.constant 0 : i32
        %get3A_982 = arith.index_cast %get3A_981 : i32 to index
        %get3A_983 = arith.index_cast %scan3A_956 : i32 to index
        %get3A_984 = arith.constant 16 : index
        %get3A_985 = tpu.vector_load %arg12[%get3A_982, %get3A_983, %get3A_984] {strides = array<i32>} : memref<3x128x128xf32, #tpu.memory_space<vmem>>, vector<1x1x16xf32>,
        %get3A_986 = vector.shape_cast %get3A_985 : vector<1x1x16xf32> to vector<16xf32>
        %mul3A_987 = arith.mulf %get3A_980, %get3A_986 : vector<16xf32>
        %swap3A_988 = arith.constant 0 : i32
        %swap3A_989 = arith.index_cast %swap3A_988 : i32 to index
        %swap3A_990 = arith.index_cast %scan3A_956 : i32 to index
        %swap3A_991 = arith.constant 16 : index
        %swap3A_992 = tpu.vector_load %arg11[%swap3A_989, %swap3A_990, %swap3A_991] {strides = array<i32>} : memref<3x128x128xf32, #tpu.memory_space<vmem>>, vector<1x1x16xf32>,
        %swap3A_993 = vector.shape_cast %swap3A_992 : vector<1x1x16xf32> to vector<16xf32>
        %swap3A_994 = vector.shape_cast %mul3A_987 : vector<16xf32> to vector<1x1x16xf32>
        tpu.vector_store %arg11[%swap3A_989, %swap3A_990, %swap3A_991], %swap3A_994 {strides = array<i32>} : memref<3x128x128xf32, #tpu.memory_space<vmem>>, vector<1x1x16xf32>,
        %get3A_995 = arith.constant 0 : i32
        %get3A_996 = arith.index_cast %get3A_995 : i32 to index
        %get3A_997 = arith.index_cast %scan3A_956 : i32 to index
        %get3A_998 = arith.constant 32 : index
        %get3A_999 = tpu.vector_load %arg11[%get3A_996, %get3A_997, %get3A_998] {strides = array<i32>} : memref<3x128x128xf32, #tpu.memory_space<vmem>>, vector<1x1x16xf32>,
        %get3A_1000 = vector.shape_cast %get3A_999 : vector<1x1x16xf32> to vector<16xf32>
        %get3A_1001 = arith.constant 0 : i32
        %get3A_1002 = arith.index_cast %get3A_1001 : i32 to index
        %get3A_1003 = arith.index_cast %scan3A_956 : i32 to index
        %get3A_1004 = arith.constant 32 : index
        %get3A_1005 = tpu.vector_load %arg12[%get3A_1002, %get3A_1003, %get3A_1004] {strides = array<i32>} : memref<3x128x128xf32, #tpu.memory_space<vmem>>, vector<1x1x16xf32>,
        %get3A_1006 = vector.shape_cast %get3A_1005 : vector<1x1x16xf32> to vector<16xf32>
        %mul3A_1007 = arith.mulf %get3A_1000, %get3A_1006 : vector<16xf32>
        %swap3A_1008 = arith.constant 0 : i32
        %swap3A_1009 = arith.index_cast %swap3A_1008 : i32 to index
        %swap3A_1010 = arith.index_cast %scan3A_956 : i32 to index
        %swap3A_1011 = arith.constant 32 : index
        %swap3A_1012 = tpu.vector_load %arg11[%swap3A_1009, %swap3A_1010, %swap3A_1011] {strides = array<i32>} : memref<3x128x128xf32, #tpu.memory_space<vmem>>, vector<1x1x16xf32>,
        %swap3A_1013 = vector.shape_cast %swap3A_1012 : vector<1x1x16xf32> to vector<16xf32>
        %swap3A_1014 = vector.shape_cast %mul3A_1007 : vector<16xf32> to vector<1x1x16xf32>
        tpu.vector_store %arg11[%swap3A_1009, %swap3A_1010, %swap3A_1011], %swap3A_1014 {strides = array<i32>} : memref<3x128x128xf32, #tpu.memory_space<vmem>>, vector<1x1x16xf32>,
        %get3A_1015 = arith.constant 0 : i32
        %get3A_1016 = arith.index_cast %get3A_1015 : i32 to index
        %get3A_1017 = arith.index_cast %scan3A_956 : i32 to index
        %get3A_1018 = arith.constant 48 : index
        %get3A_1019 = tpu.vector_load %arg11[%get3A_1016, %get3A_1017, %get3A_1018] {strides = array<i32>} : memref<3x128x128xf32, #tpu.memory_space<vmem>>, vector<1x1x16xf32>,
        %get3A_1020 = vector.shape_cast %get3A_1019 : vector<1x1x16xf32> to vector<16xf32>
        %get3A_1021 = arith.constant 0 : i32
        %get3A_1022 = arith.index_cast %get3A_1021 : i32 to index
        %get3A_1023 = arith.index_cast %scan3A_956 : i32 to index
        %get3A_1024 = arith.constant 48 : index
        %get3A_1025 = tpu.vector_load %arg12[%get3A_1022, %get3A_1023, %get3A_1024] {strides = array<i32>} : memref<3x128x128xf32, #tpu.memory_space<vmem>>, vector<1x1x16xf32>,
        %get3A_1026 = vector.shape_cast %get3A_1025 : vector<1x1x16xf32> to vector<16xf32>
        %mul3A_1027 = arith.mulf %get3A_1020, %get3A_1026 : vector<16xf32>
        %swap3A_1028 = arith.constant 0 : i32
        %swap3A_1029 = arith.index_cast %swap3A_1028 : i32 to index
        %swap3A_1030 = arith.index_cast %scan3A_956 : i32 to index
        %swap3A_1031 = arith.constant 48 : index
        %swap3A_1032 = tpu.vector_load %arg11[%swap3A_1029, %swap3A_1030, %swap3A_1031] {strides = array<i32>} : memref<3x128x128xf32, #tpu.memory_space<vmem>>, vector<1x1x16xf32>,
        %swap3A_1033 = vector.shape_cast %swap3A_1032 : vector<1x1x16xf32> to vector<16xf32>
        %swap3A_1034 = vector.shape_cast %mul3A_1027 : vector<16xf32> to vector<1x1x16xf32>
        tpu.vector_store %arg11[%swap3A_1029, %swap3A_1030, %swap3A_1031], %swap3A_1034 {strides = array<i32>} : memref<3x128x128xf32, #tpu.memory_space<vmem>>, vector<1x1x16xf32>,
        %get3A_1035 = arith.constant 0 : i32
        %get3A_1036 = arith.index_cast %get3A_1035 : i32 to index
        %get3A_1037 = arith.index_cast %scan3A_956 : i32 to index
        %get3A_1038 = arith.constant 64 : index
        %get3A_1039 = tpu.vector_load %arg11[%get3A_1036, %get3A_1037, %get3A_1038] {strides = array<i32>} : memref<3x128x128xf32, #tpu.memory_space<vmem>>, vector<1x1x16xf32>,
        %get3A_1040 = vector.shape_cast %get3A_1039 : vector<1x1x16xf32> to vector<16xf32>
        %get3A_1041 = arith.constant 0 : i32
        %get3A_1042 = arith.index_cast %get3A_1041 : i32 to index
        %get3A_1043 = arith.index_cast %scan3A_956 : i32 to index
        %get3A_1044 = arith.constant 64 : index
        %get3A_1045 = tpu.vector_load %arg12[%get3A_1042, %get3A_1043, %get3A_1044] {strides = array<i32>} : memref<3x128x128xf32, #tpu.memory_space<vmem>>, vector<1x1x16xf32>,
        %get3A_1046 = vector.shape_cast %get3A_1045 : vector<1x1x16xf32> to vector<16xf32>
        %mul3A_1047 = arith.mulf %get3A_1040, %get3A_1046 : vector<16xf32>
        %swap3A_1048 = arith.constant 0 : i32
        %swap3A_1049 = arith.index_cast %swap3A_1048 : i32 to index
        %swap3A_1050 = arith.index_cast %scan3A_956 : i32 to index
        %swap3A_1051 = arith.constant 64 : index
        %swap3A_1052 = tpu.vector_load %arg11[%swap3A_1049, %swap3A_1050, %swap3A_1051] {strides = array<i32>} : memref<3x128x128xf32, #tpu.memory_space<vmem>>, vector<1x1x16xf32>,
        %swap3A_1053 = vector.shape_cast %swap3A_1052 : vector<1x1x16xf32> to vector<16xf32>
        %swap3A_1054 = vector.shape_cast %mul3A_1047 : vector<16xf32> to vector<1x1x16xf32>
        tpu.vector_store %arg11[%swap3A_1049, %swap3A_1050, %swap3A_1051], %swap3A_1054 {strides = array<i32>} : memref<3x128x128xf32, #tpu.memory_space<vmem>>, vector<1x1x16xf32>,
        %get3A_1055 = arith.constant 0 : i32
        %get3A_1056 = arith.index_cast %get3A_1055 : i32 to index
        %get3A_1057 = arith.index_cast %scan3A_956 : i32 to index
        %get3A_1058 = arith.constant 80 : index
        %get3A_1059 = tpu.vector_load %arg11[%get3A_1056, %get3A_1057, %get3A_1058] {strides = array<i32>} : memref<3x128x128xf32, #tpu.memory_space<vmem>>, vector<1x1x16xf32>,
        %get3A_1060 = vector.shape_cast %get3A_1059 : vector<1x1x16xf32> to vector<16xf32>
        %get3A_1061 = arith.constant 0 : i32
        %get3A_1062 = arith.index_cast %get3A_1061 : i32 to index
        %get3A_1063 = arith.index_cast %scan3A_956 : i32 to index
        %get3A_1064 = arith.constant 80 : index
        %get3A_1065 = tpu.vector_load %arg12[%get3A_1062, %get3A_1063, %get3A_1064] {strides = array<i32>} : memref<3x128x128xf32, #tpu.memory_space<vmem>>, vector<1x1x16xf32>,
        %get3A_1066 = vector.shape_cast %get3A_1065 : vector<1x1x16xf32> to vector<16xf32>
        %mul3A_1067 = arith.mulf %get3A_1060, %get3A_1066 : vector<16xf32>
        %swap3A_1068 = arith.constant 0 : i32
        %swap3A_1069 = arith.index_cast %swap3A_1068 : i32 to index
        %swap3A_1070 = arith.index_cast %scan3A_956 : i32 to index
        %swap3A_1071 = arith.constant 80 : index
        %swap3A_1072 = tpu.vector_load %arg11[%swap3A_1069, %swap3A_1070, %swap3A_1071] {strides = array<i32>} : memref<3x128x128xf32, #tpu.memory_space<vmem>>, vector<1x1x16xf32>,
        %swap3A_1073 = vector.shape_cast %swap3A_1072 : vector<1x1x16xf32> to vector<16xf32>
        %swap3A_1074 = vector.shape_cast %mul3A_1067 : vector<16xf32> to vector<1x1x16xf32>
        tpu.vector_store %arg11[%swap3A_1069, %swap3A_1070, %swap3A_1071], %swap3A_1074 {strides = array<i32>} : memref<3x128x128xf32, #tpu.memory_space<vmem>>, vector<1x1x16xf32>,
        %get3A_1075 = arith.constant 0 : i32
        %get3A_1076 = arith.index_cast %get3A_1075 : i32 to index
        %get3A_1077 = arith.index_cast %scan3A_956 : i32 to index
        %get3A_1078 = arith.constant 96 : index
        %get3A_1079 = tpu.vector_load %arg11[%get3A_1076, %get3A_1077, %get3A_1078] {strides = array<i32>} : memref<3x128x128xf32, #tpu.memory_space<vmem>>, vector<1x1x16xf32>,
        %get3A_1080 = vector.shape_cast %get3A_1079 : vector<1x1x16xf32> to vector<16xf32>
        %get3A_1081 = arith.constant 0 : i32
        %get3A_1082 = arith.index_cast %get3A_1081 : i32 to index
        %get3A_1083 = arith.index_cast %scan3A_956 : i32 to index
        %get3A_1084 = arith.constant 96 : index
        %get3A_1085 = tpu.vector_load %arg12[%get3A_1082, %get3A_1083, %get3A_1084] {strides = array<i32>} : memref<3x128x128xf32, #tpu.memory_space<vmem>>, vector<1x1x16xf32>,
        %get3A_1086 = vector.shape_cast %get3A_1085 : vector<1x1x16xf32> to vector<16xf32>
        %mul3A_1087 = arith.mulf %get3A_1080, %get3A_1086 : vector<16xf32>
        %swap3A_1088 = arith.constant 0 : i32
        %swap3A_1089 = arith.index_cast %swap3A_1088 : i32 to index
        %swap3A_1090 = arith.index_cast %scan3A_956 : i32 to index
        %swap3A_1091 = arith.constant 96 : index
        %swap3A_1092 = tpu.vector_load %arg11[%swap3A_1089, %swap3A_1090, %swap3A_1091] {strides = array<i32>} : memref<3x128x128xf32, #tpu.memory_space<vmem>>, vector<1x1x16xf32>,
        %swap3A_1093 = vector.shape_cast %swap3A_1092 : vector<1x1x16xf32> to vector<16xf32>
        %swap3A_1094 = vector.shape_cast %mul3A_1087 : vector<16xf32> to vector<1x1x16xf32>
        tpu.vector_store %arg11[%swap3A_1089, %swap3A_1090, %swap3A_1091], %swap3A_1094 {strides = array<i32>} : memref<3x128x128xf32, #tpu.memory_space<vmem>>, vector<1x1x16xf32>,
        %get3A_1095 = arith.constant 0 : i32
        %get3A_1096 = arith.index_cast %get3A_1095 : i32 to index
        %get3A_1097 = arith.index_cast %scan3A_956 : i32 to index
        %get3A_1098 = arith.constant 112 : index
        %get3A_1099 = tpu.vector_load %arg11[%get3A_1096, %get3A_1097, %get3A_1098] {strides = array<i32>} : memref<3x128x128xf32, #tpu.memory_space<vmem>>, vector<1x1x16xf32>,
        %get3A_1100 = vector.shape_cast %get3A_1099 : vector<1x1x16xf32> to vector<16xf32>
        %get3A_1101 = arith.constant 0 : i32
        %get3A_1102 = arith.index_cast %get3A_1101 : i32 to index
        %get3A_1103 = arith.index_cast %scan3A_956 : i32 to index
        %get3A_1104 = arith.constant 112 : index
        %get3A_1105 = tpu.vector_load %arg12[%get3A_1102, %get3A_1103, %get3A_1104] {strides = array<i32>} : memref<3x128x128xf32, #tpu.memory_space<vmem>>, vector<1x1x16xf32>,
        %get3A_1106 = vector.shape_cast %get3A_1105 : vector<1x1x16xf32> to vector<16xf32>
        %mul3A_1107 = arith.mulf %get3A_1100, %get3A_1106 : vector<16xf32>
        %swap3A_1108 = arith.constant 0 : i32
        %swap3A_1109 = arith.index_cast %swap3A_1108 : i32 to index
        %swap3A_1110 = arith.index_cast %scan3A_956 : i32 to index
        %swap3A_1111 = arith.constant 112 : index
        %swap3A_1112 = tpu.vector_load %arg11[%swap3A_1109, %swap3A_1110, %swap3A_1111] {strides = array<i32>} : memref<3x128x128xf32, #tpu.memory_space<vmem>>, vector<1x1x16xf32>,
        %swap3A_1113 = vector.shape_cast %swap3A_1112 : vector<1x1x16xf32> to vector<16xf32>
        %swap3A_1114 = vector.shape_cast %mul3A_1107 : vector<16xf32> to vector<1x1x16xf32>
        tpu.vector_store %arg11[%swap3A_1109, %swap3A_1110, %swap3A_1111], %swap3A_1114 {strides = array<i32>} : memref<3x128x128xf32, #tpu.memory_space<vmem>>, vector<1x1x16xf32>,
      }
      %scan3A_804 = arith.constant 128 : i32
      %ge3A = arith.constant 1 : i32
      %ge3A_805 = arith.cmpi sge, %add3A_774, %ge3A : i32
      %convert_element_type3A = arith.extui %ge3A_805 : i1 to i32
      %cond3A = arith.constant 0 : i32
      %cond3A_806 = arith.cmpi ne, %convert_element_type3A, %cond3A : i32
      scf.if %cond3A_806 {
        %dma_wait3A_956 = arith.constant 2 : i32
        %dma_wait3A_957 = arith.constant 0 : i32
        %dma_wait3A_958 = arith.constant 0 : i32
        %dma_wait3A_959 = tpu.memref_slice %arg11[%dma_wait3A_956, %dma_wait3A_957, %dma_wait3A_958] : memref<3x128x128xf32, #tpu.memory_space<vmem>> -> memref<1x128x128xf32, #tpu.memory_space<vmem>>
        %dma_wait3A_960 = tpu.memref_squeeze %dma_wait3A_959 : memref<1x128x128xf32, #tpu.memory_space<vmem>> -> memref<128x128xf32, #tpu.memory_space<vmem>>
        %dma_wait3A_961 = arith.constant 0 : i32
        %dma_wait3A_962 = arith.constant 0 : i32
        %dma_wait3A_963 = tpu.memref_slice %arg6[%dma_wait3A_961, %dma_wait3A_962] : memref<65536x128xf32, #tpu.memory_space<hbm>> -> memref<128x128xf32, #tpu.memory_space<hbm>>
        %dma_wait3A_964 = arith.constant 0 : i32
        %dma_wait3A_965 = arith.constant 0 : i32
        %dma_wait3A_966 = tpu.memref_slice %arg6[%dma_wait3A_964, %dma_wait3A_965] : memref<65536x128xf32, #tpu.memory_space<hbm>> -> memref<128x128xf32, #tpu.memory_space<hbm>>
        %dma_wait3A_967 = arith.constant 0 : i32
        %dma_wait3A_968 = arith.constant 0 : i32
        %dma_wait3A_969 = tpu.memref_slice %arg11[%dma_wait3A_956, %dma_wait3A_967, %dma_wait3A_968] : memref<3x128x128xf32, #tpu.memory_space<vmem>> -> memref<1x128x128xf32, #tpu.memory_space<vmem>>
        %dma_wait3A_970 = tpu.memref_squeeze %dma_wait3A_969 : memref<1x128x128xf32, #tpu.memory_space<vmem>> -> memref<128x128xf32, #tpu.memory_space<vmem>>
        tpu.wait_dma2 semaphore(%arg18 : memref<!tpu.dma_semaphore, #tpu.memory_space<semaphore_mem>>) src(%dma_wait3A_970 : memref<128x128xf32, #tpu.memory_space<vmem>>) dst(%dma_wait3A_966 : memref<128x128xf32, #tpu.memory_space<hbm>>)
      } else {
      }
      %add3A_807 = arith.constant 2 : i32
      %add3A_808 = arith.addi %add3A_774, %add3A_807 : i32
      %le3A = arith.constant 15 : i32
      %le3A_809 = arith.cmpi sle, %add3A_808, %le3A : i32
      %convert_element_type3A_810 = arith.extui %le3A_809 : i1 to i32
      %cond3A_811 = arith.constant 0 : i32
      %cond3A_812 = arith.cmpi ne, %convert_element_type3A_810, %cond3A_811 : i32
      scf.if %cond3A_812 {
        %add3A_956 = arith.constant 2 : i32
        %add3A_957 = arith.addi %add3A_774, %add3A_956 : i32
        %dma_start3A_958 = arith.constant 2 : i32
        %dma_start3A_959 = arith.constant 0 : i32
        %dma_start3A_960 = arith.constant 0 : i32
        %dma_start3A_961 = tpu.memref_slice %arg11[%dma_start3A_958, %dma_start3A_959, %dma_start3A_960] : memref<3x128x128xf32, #tpu.memory_space<vmem>> -> memref<1x128x128xf32, #tpu.memory_space<vmem>>
        %dma_start3A_962 = tpu.memref_squeeze %dma_start3A_961 : memref<1x128x128xf32, #tpu.memory_space<vmem>> -> memref<128x128xf32, #tpu.memory_space<vmem>>
        %dma_start3A_963 = arith.constant 0 : i32
        %dma_start3A_964 = tpu.memref_slice %arg9[%add3A_957, %dma_start3A_963] : memref<16x128xi32, #tpu.memory_space<vmem>> -> memref<1x128xi32, #tpu.memory_space<vmem>>
        %dma_start3A_965 = tpu.memref_squeeze %dma_start3A_964 : memref<1x128xi32, #tpu.memory_space<vmem>> -> memref<128xi32, #tpu.memory_space<vmem>>
        %dma_start3A_966 = arith.constant 0 : i32
        %dma_start3A_967 = arith.constant 0 : i32
        %dma_start3A_968 = tpu.memref_slice %arg5[%dma_start3A_966, %dma_start3A_967] : memref<100000x128xf32, #tpu.memory_space<hbm>> -> memref<100000x128xf32, #tpu.memory_space<hbm>>
        tpu.enqueue_indirect_dma source(%dma_start3A_968 : memref<100000x128xf32, #tpu.memory_space<hbm>>) target(%dma_start3A_962 : memref<128x128xf32, #tpu.memory_space<vmem>>) offsets(%dma_start3A_965 : memref<128xi32, #tpu.memory_space<vmem>>) semaphore(%arg15 : memref<!tpu.dma_semaphore, #tpu.memory_space<semaphore_mem>>)
        %dma_start3A_969 = arith.constant 2 : i32
        %dma_start3A_970 = arith.constant 0 : i32
        %dma_start3A_971 = arith.constant 0 : i32
        %dma_start3A_972 = tpu.memref_slice %arg12[%dma_start3A_969, %dma_start3A_970, %dma_start3A_971] : memref<3x128x128xf32, #tpu.memory_space<vmem>> -> memref<1x128x128xf32, #tpu.memory_space<vmem>>
        %dma_start3A_973 = tpu.memref_squeeze %dma_start3A_972 : memref<1x128x128xf32, #tpu.memory_space<vmem>> -> memref<128x128xf32, #tpu.memory_space<vmem>>
        %dma_start3A_974 = arith.constant 0 : i32
        %dma_start3A_975 = tpu.memref_slice %arg10[%add3A_957, %dma_start3A_974] : memref<16x128xi32, #tpu.memory_space<vmem>> -> memref<1x128xi32, #tpu.memory_space<vmem>>
        %dma_start3A_976 = tpu.memref_squeeze %dma_start3A_975 : memref<1x128xi32, #tpu.memory_space<vmem>> -> memref<128xi32, #tpu.memory_space<vmem>>
        %dma_start3A_977 = arith.constant 0 : i32
        %dma_start3A_978 = arith.constant 0 : i32
        %dma_start3A_979 = tpu.memref_slice %arg5[%dma_start3A_977, %dma_start3A_978] : memref<100000x128xf32, #tpu.memory_space<hbm>> -> memref<100000x128xf32, #tpu.memory_space<hbm>>
        tpu.enqueue_indirect_dma source(%dma_start3A_979 : memref<100000x128xf32, #tpu.memory_space<hbm>>) target(%dma_start3A_973 : memref<128x128xf32, #tpu.memory_space<vmem>>) offsets(%dma_start3A_976 : memref<128xi32, #tpu.memory_space<vmem>>) semaphore(%arg15 : memref<!tpu.dma_semaphore, #tpu.memory_space<semaphore_mem>>)
      } else {
      }
      %mul3A_813 = arith.constant 128 : i32
      %mul3A_814 = arith.muli %add3A_774, %mul3A_813 : i32
      %add3A_815 = arith.addi %multiple_of3A, %mul3A_814 : i32
      %multiple_of3A_816 = tpu.assume_multiple %add3A_815, 128 : i32
      %dma_start3A_817 = arith.constant 0 : i32
      %dma_start3A_818 = arith.constant 0 : i32
      %dma_start3A_819 = arith.constant 0 : i32
      %dma_start3A_820 = tpu.memref_slice %arg11[%dma_start3A_817, %dma_start3A_818, %dma_start3A_819] : memref<3x128x128xf32, #tpu.memory_space<vmem>> -> memref<1x128x128xf32, #tpu.memory_space<vmem>>
      %dma_start3A_821 = tpu.memref_squeeze %dma_start3A_820 : memref<1x128x128xf32, #tpu.memory_space<vmem>> -> memref<128x128xf32, #tpu.memory_space<vmem>>
      %dma_start3A_822 = arith.constant 0 : i32
      %dma_start3A_823 = tpu.memref_slice %arg6[%multiple_of3A_816, %dma_start3A_822] : memref<65536x128xf32, #tpu.memory_space<hbm>> -> memref<128x128xf32, #tpu.memory_space<hbm>>
      %dma_start3A_824 = arith.constant 0 : i32
      %dma_start3A_825 = tpu.memref_slice %arg6[%multiple_of3A_816, %dma_start3A_824] : memref<65536x128xf32, #tpu.memory_space<hbm>> -> memref<128x128xf32, #tpu.memory_space<hbm>>
      %dma_start3A_826 = arith.constant 0 : i32
      %dma_start3A_827 = arith.constant 0 : i32
      %dma_start3A_828 = tpu.memref_slice %arg11[%dma_start3A_817, %dma_start3A_826, %dma_start3A_827] : memref<3x128x128xf32, #tpu.memory_space<vmem>> -> memref<1x128x128xf32, #tpu.memory_space<vmem>>
      %dma_start3A_829 = tpu.memref_squeeze %dma_start3A_828 : memref<1x128x128xf32, #tpu.memory_space<vmem>> -> memref<128x128xf32, #tpu.memory_space<vmem>>
      tpu.enqueue_dma source(%dma_start3A_829 : memref<128x128xf32, #tpu.memory_space<vmem>>) target(%dma_start3A_825 : memref<128x128xf32, #tpu.memory_space<hbm>>) target_semaphore(%arg16 : memref<!tpu.dma_semaphore, #tpu.memory_space<semaphore_mem>>)
      %mul3A_830 = arith.constant 3 : i32
      %mul3A_831 = arith.muli %mul3A_830, %scan3A_770 : i32
      %add3A_832 = arith.constant 1 : i32
      %add3A_833 = arith.addi %mul3A_831, %add3A_832 : i32
      %dma_wait3A_834 = arith.constant 0 : i32
      %dma_wait3A_835 = arith.constant 1 : i32
      %dma_wait3A_836 = arith.constant 0 : i32
      %dma_wait3A_837 = arith.constant 0 : i32
      %dma_wait3A_838 = tpu.memref_slice %arg11[%dma_wait3A_835, %dma_wait3A_836, %dma_wait3A_837] : memref<3x128x128xf32, #tpu.memory_space<vmem>> -> memref<1x128x128xf32, #tpu.memory_space<vmem>>
      %dma_wait3A_839 = tpu.memref_squeeze %dma_wait3A_838 : memref<1x128x128xf32, #tpu.memory_space<vmem>> -> memref<128x128xf32, #tpu.memory_space<vmem>>
      %dma_wait3A_840 = arith.constant 0 : i32
      %dma_wait3A_841 = tpu.memref_slice %arg9[%dma_wait3A_834, %dma_wait3A_840] : memref<16x128xi32, #tpu.memory_space<vmem>> -> memref<1x128xi32, #tpu.memory_space<vmem>>
      %dma_wait3A_842 = tpu.memref_squeeze %dma_wait3A_841 : memref<1x128xi32, #tpu.memory_space<vmem>> -> memref<128xi32, #tpu.memory_space<vmem>>
      %dma_wait3A_843 = arith.constant 0 : i32
      %dma_wait3A_844 = arith.constant 0 : i32
      %dma_wait3A_845 = tpu.memref_slice %arg5[%dma_wait3A_843, %dma_wait3A_844] : memref<100000x128xf32, #tpu.memory_space<hbm>> -> memref<100000x128xf32, #tpu.memory_space<hbm>>
      tpu.wait_indirect_dma semaphore(%arg14 : memref<!tpu.dma_semaphore, #tpu.memory_space<semaphore_mem>>) src(%dma_wait3A_845 : memref<100000x128xf32, #tpu.memory_space<hbm>>) dst(%dma_wait3A_839 : memref<128x128xf32, #tpu.memory_space<vmem>>)
      %dma_wait3A_846 = arith.constant 0 : i32
      %dma_wait3A_847 = arith.constant 1 : i32
      %dma_wait3A_848 = arith.constant 0 : i32
      %dma_wait3A_849 = arith.constant 0 : i32
      %dma_wait3A_850 = tpu.memref_slice %arg12[%dma_wait3A_847, %dma_wait3A_848, %dma_wait3A_849] : memref<3x128x128xf32, #tpu.memory_space<vmem>> -> memref<1x128x128xf32, #tpu.memory_space<vmem>>
      %dma_wait3A_851 = tpu.memref_squeeze %dma_wait3A_850 : memref<1x128x128xf32, #tpu.memory_space<vmem>> -> memref<128x128xf32, #tpu.memory_space<vmem>>
      %dma_wait3A_852 = arith.constant 0 : i32
      %dma_wait3A_853 = tpu.memref_slice %arg10[%dma_wait3A_846, %dma_wait3A_852] : memref<16x128xi32, #tpu.memory_space<vmem>> -> memref<1x128xi32, #tpu.memory_space<vmem>>
      %dma_wait3A_854 = tpu.memref_squeeze %dma_wait3A_853 : memref<1x128xi32, #tpu.memory_space<vmem>> -> memref<128xi32, #tpu.memory_space<vmem>>
      %dma_wait3A_855 = arith.constant 0 : i32
      %dma_wait3A_856 = arith.constant 0 : i32
      %dma_wait3A_857 = tpu.memref_slice %arg5[%dma_wait3A_855, %dma_wait3A_856] : memref<100000x128xf32, #tpu.memory_space<hbm>> -> memref<100000x128xf32, #tpu.memory_space<hbm>>
      tpu.wait_indirect_dma semaphore(%arg14 : memref<!tpu.dma_semaphore, #tpu.memory_space<semaphore_mem>>) src(%dma_wait3A_857 : memref<100000x128xf32, #tpu.memory_space<hbm>>) dst(%dma_wait3A_851 : memref<128x128xf32, #tpu.memory_space<vmem>>)
      %scan3A_858 = arith.constant 0 : i32
      %scan3A_859 = arith.constant 0 : i32
      %scan3A_860 = arith.constant 128 : i32
      %scan3A_861 = arith.addi %scan3A_859, %scan3A_860 : i32
      %scan3A_862 = arith.constant 1 : i32
      scf.for %scan3A_956 = %scan3A_859 to %scan3A_861 step %scan3A_862  : i32 {
        %get3A = arith.constant 1 : i32
        %get3A_957 = arith.index_cast %get3A : i32 to index
        %get3A_958 = arith.index_cast %scan3A_956 : i32 to index
        %get3A_959 = arith.constant 0 : index
        %get3A_960 = tpu.vector_load %arg11[%get3A_957, %get3A_958, %get3A_959] {strides = array<i32>} : memref<3x128x128xf32, #tpu.memory_space<vmem>>, vector<1x1x16xf32>,
        %get3A_961 = vector.shape_cast %get3A_960 : vector<1x1x16xf32> to vector<16xf32>
        %get3A_962 = arith.constant 1 : i32
        %get3A_963 = arith.index_cast %get3A_962 : i32 to index
        %get3A_964 = arith.index_cast %scan3A_956 : i32 to index
        %get3A_965 = arith.constant 0 : index
        %get3A_966 = tpu.vector_load %arg12[%get3A_963, %get3A_964, %get3A_965] {strides = array<i32>} : memref<3x128x128xf32, #tpu.memory_space<vmem>>, vector<1x1x16xf32>,
        %get3A_967 = vector.shape_cast %get3A_966 : vector<1x1x16xf32> to vector<16xf32>
        %mul3A_968 = arith.mulf %get3A_961, %get3A_967 : vector<16xf32>
        %swap3A = arith.constant 1 : i32
        %swap3A_969 = arith.index_cast %swap3A : i32 to index
        %swap3A_970 = arith.index_cast %scan3A_956 : i32 to index
        %swap3A_971 = arith.constant 0 : index
        %swap3A_972 = tpu.vector_load %arg11[%swap3A_969, %swap3A_970, %swap3A_971] {strides = array<i32>} : memref<3x128x128xf32, #tpu.memory_space<vmem>>, vector<1x1x16xf32>,
        %swap3A_973 = vector.shape_cast %swap3A_972 : vector<1x1x16xf32> to vector<16xf32>
        %swap3A_974 = vector.shape_cast %mul3A_968 : vector<16xf32> to vector<1x1x16xf32>
        tpu.vector_store %arg11[%swap3A_969, %swap3A_970, %swap3A_971], %swap3A_974 {strides = array<i32>} : memref<3x128x128xf32, #tpu.memory_space<vmem>>, vector<1x1x16xf32>,
        %get3A_975 = arith.constant 1 : i32
        %get3A_976 = arith.index_cast %get3A_975 : i32 to index
        %get3A_977 = arith.index_cast %scan3A_956 : i32 to index
        %get3A_978 = arith.constant 16 : index
        %get3A_979 = tpu.vector_load %arg11[%get3A_976, %get3A_977, %get3A_978] {strides = array<i32>} : memref<3x128x128xf32, #tpu.memory_space<vmem>>, vector<1x1x16xf32>,
        %get3A_980 = vector.shape_cast %get3A_979 : vector<1x1x16xf32> to vector<16xf32>
        %get3A_981 = arith.constant 1 : i32
        %get3A_982 = arith.index_cast %get3A_981 : i32 to index
        %get3A_983 = arith.index_cast %scan3A_956 : i32 to index
        %get3A_984 = arith.constant 16 : index
        %get3A_985 = tpu.vector_load %arg12[%get3A_982, %get3A_983, %get3A_984] {strides = array<i32>} : memref<3x128x128xf32, #tpu.memory_space<vmem>>, vector<1x1x16xf32>,
        %get3A_986 = vector.shape_cast %get3A_985 : vector<1x1x16xf32> to vector<16xf32>
        %mul3A_987 = arith.mulf %get3A_980, %get3A_986 : vector<16xf32>
        %swap3A_988 = arith.constant 1 : i32
        %swap3A_989 = arith.index_cast %swap3A_988 : i32 to index
        %swap3A_990 = arith.index_cast %scan3A_956 : i32 to index
        %swap3A_991 = arith.constant 16 : index
        %swap3A_992 = tpu.vector_load %arg11[%swap3A_989, %swap3A_990, %swap3A_991] {strides = array<i32>} : memref<3x128x128xf32, #tpu.memory_space<vmem>>, vector<1x1x16xf32>,
        %swap3A_993 = vector.shape_cast %swap3A_992 : vector<1x1x16xf32> to vector<16xf32>
        %swap3A_994 = vector.shape_cast %mul3A_987 : vector<16xf32> to vector<1x1x16xf32>
        tpu.vector_store %arg11[%swap3A_989, %swap3A_990, %swap3A_991], %swap3A_994 {strides = array<i32>} : memref<3x128x128xf32, #tpu.memory_space<vmem>>, vector<1x1x16xf32>,
        %get3A_995 = arith.constant 1 : i32
        %get3A_996 = arith.index_cast %get3A_995 : i32 to index
        %get3A_997 = arith.index_cast %scan3A_956 : i32 to index
        %get3A_998 = arith.constant 32 : index
        %get3A_999 = tpu.vector_load %arg11[%get3A_996, %get3A_997, %get3A_998] {strides = array<i32>} : memref<3x128x128xf32, #tpu.memory_space<vmem>>, vector<1x1x16xf32>,
        %get3A_1000 = vector.shape_cast %get3A_999 : vector<1x1x16xf32> to vector<16xf32>
        %get3A_1001 = arith.constant 1 : i32
        %get3A_1002 = arith.index_cast %get3A_1001 : i32 to index
        %get3A_1003 = arith.index_cast %scan3A_956 : i32 to index
        %get3A_1004 = arith.constant 32 : index
        %get3A_1005 = tpu.vector_load %arg12[%get3A_1002, %get3A_1003, %get3A_1004] {strides = array<i32>} : memref<3x128x128xf32, #tpu.memory_space<vmem>>, vector<1x1x16xf32>,
        %get3A_1006 = vector.shape_cast %get3A_1005 : vector<1x1x16xf32> to vector<16xf32>
        %mul3A_1007 = arith.mulf %get3A_1000, %get3A_1006 : vector<16xf32>
        %swap3A_1008 = arith.constant 1 : i32
        %swap3A_1009 = arith.index_cast %swap3A_1008 : i32 to index
        %swap3A_1010 = arith.index_cast %scan3A_956 : i32 to index
        %swap3A_1011 = arith.constant 32 : index
        %swap3A_1012 = tpu.vector_load %arg11[%swap3A_1009, %swap3A_1010, %swap3A_1011] {strides = array<i32>} : memref<3x128x128xf32, #tpu.memory_space<vmem>>, vector<1x1x16xf32>,
        %swap3A_1013 = vector.shape_cast %swap3A_1012 : vector<1x1x16xf32> to vector<16xf32>
        %swap3A_1014 = vector.shape_cast %mul3A_1007 : vector<16xf32> to vector<1x1x16xf32>
        tpu.vector_store %arg11[%swap3A_1009, %swap3A_1010, %swap3A_1011], %swap3A_1014 {strides = array<i32>} : memref<3x128x128xf32, #tpu.memory_space<vmem>>, vector<1x1x16xf32>,
        %get3A_1015 = arith.constant 1 : i32
        %get3A_1016 = arith.index_cast %get3A_1015 : i32 to index
        %get3A_1017 = arith.index_cast %scan3A_956 : i32 to index
        %get3A_1018 = arith.constant 48 : index
        %get3A_1019 = tpu.vector_load %arg11[%get3A_1016, %get3A_1017, %get3A_1018] {strides = array<i32>} : memref<3x128x128xf32, #tpu.memory_space<vmem>>, vector<1x1x16xf32>,
        %get3A_1020 = vector.shape_cast %get3A_1019 : vector<1x1x16xf32> to vector<16xf32>
        %get3A_1021 = arith.constant 1 : i32
        %get3A_1022 = arith.index_cast %get3A_1021 : i32 to index
        %get3A_1023 = arith.index_cast %scan3A_956 : i32 to index
        %get3A_1024 = arith.constant 48 : index
        %get3A_1025 = tpu.vector_load %arg12[%get3A_1022, %get3A_1023, %get3A_1024] {strides = array<i32>} : memref<3x128x128xf32, #tpu.memory_space<vmem>>, vector<1x1x16xf32>,
        %get3A_1026 = vector.shape_cast %get3A_1025 : vector<1x1x16xf32> to vector<16xf32>
        %mul3A_1027 = arith.mulf %get3A_1020, %get3A_1026 : vector<16xf32>
        %swap3A_1028 = arith.constant 1 : i32
        %swap3A_1029 = arith.index_cast %swap3A_1028 : i32 to index
        %swap3A_1030 = arith.index_cast %scan3A_956 : i32 to index
        %swap3A_1031 = arith.constant 48 : index
        %swap3A_1032 = tpu.vector_load %arg11[%swap3A_1029, %swap3A_1030, %swap3A_1031] {strides = array<i32>} : memref<3x128x128xf32, #tpu.memory_space<vmem>>, vector<1x1x16xf32>,
        %swap3A_1033 = vector.shape_cast %swap3A_1032 : vector<1x1x16xf32> to vector<16xf32>
        %swap3A_1034 = vector.shape_cast %mul3A_1027 : vector<16xf32> to vector<1x1x16xf32>
        tpu.vector_store %arg11[%swap3A_1029, %swap3A_1030, %swap3A_1031], %swap3A_1034 {strides = array<i32>} : memref<3x128x128xf32, #tpu.memory_space<vmem>>, vector<1x1x16xf32>,
        %get3A_1035 = arith.constant 1 : i32
        %get3A_1036 = arith.index_cast %get3A_1035 : i32 to index
        %get3A_1037 = arith.index_cast %scan3A_956 : i32 to index
        %get3A_1038 = arith.constant 64 : index
        %get3A_1039 = tpu.vector_load %arg11[%get3A_1036, %get3A_1037, %get3A_1038] {strides = array<i32>} : memref<3x128x128xf32, #tpu.memory_space<vmem>>, vector<1x1x16xf32>,
        %get3A_1040 = vector.shape_cast %get3A_1039 : vector<1x1x16xf32> to vector<16xf32>
        %get3A_1041 = arith.constant 1 : i32
        %get3A_1042 = arith.index_cast %get3A_1041 : i32 to index
        %get3A_1043 = arith.index_cast %scan3A_956 : i32 to index
        %get3A_1044 = arith.constant 64 : index
        %get3A_1045 = tpu.vector_load %arg12[%get3A_1042, %get3A_1043, %get3A_1044] {strides = array<i32>} : memref<3x128x128xf32, #tpu.memory_space<vmem>>, vector<1x1x16xf32>,
        %get3A_1046 = vector.shape_cast %get3A_1045 : vector<1x1x16xf32> to vector<16xf32>
        %mul3A_1047 = arith.mulf %get3A_1040, %get3A_1046 : vector<16xf32>
        %swap3A_1048 = arith.constant 1 : i32
        %swap3A_1049 = arith.index_cast %swap3A_1048 : i32 to index
        %swap3A_1050 = arith.index_cast %scan3A_956 : i32 to index
        %swap3A_1051 = arith.constant 64 : index
        %swap3A_1052 = tpu.vector_load %arg11[%swap3A_1049, %swap3A_1050, %swap3A_1051] {strides = array<i32>} : memref<3x128x128xf32, #tpu.memory_space<vmem>>, vector<1x1x16xf32>,
        %swap3A_1053 = vector.shape_cast %swap3A_1052 : vector<1x1x16xf32> to vector<16xf32>
        %swap3A_1054 = vector.shape_cast %mul3A_1047 : vector<16xf32> to vector<1x1x16xf32>
        tpu.vector_store %arg11[%swap3A_1049, %swap3A_1050, %swap3A_1051], %swap3A_1054 {strides = array<i32>} : memref<3x128x128xf32, #tpu.memory_space<vmem>>, vector<1x1x16xf32>,
        %get3A_1055 = arith.constant 1 : i32
        %get3A_1056 = arith.index_cast %get3A_1055 : i32 to index
        %get3A_1057 = arith.index_cast %scan3A_956 : i32 to index
        %get3A_1058 = arith.constant 80 : index
        %get3A_1059 = tpu.vector_load %arg11[%get3A_1056, %get3A_1057, %get3A_1058] {strides = array<i32>} : memref<3x128x128xf32, #tpu.memory_space<vmem>>, vector<1x1x16xf32>,
        %get3A_1060 = vector.shape_cast %get3A_1059 : vector<1x1x16xf32> to vector<16xf32>
        %get3A_1061 = arith.constant 1 : i32
        %get3A_1062 = arith.index_cast %get3A_1061 : i32 to index
        %get3A_1063 = arith.index_cast %scan3A_956 : i32 to index
        %get3A_1064 = arith.constant 80 : index
        %get3A_1065 = tpu.vector_load %arg12[%get3A_1062, %get3A_1063, %get3A_1064] {strides = array<i32>} : memref<3x128x128xf32, #tpu.memory_space<vmem>>, vector<1x1x16xf32>,
        %get3A_1066 = vector.shape_cast %get3A_1065 : vector<1x1x16xf32> to vector<16xf32>
        %mul3A_1067 = arith.mulf %get3A_1060, %get3A_1066 : vector<16xf32>
        %swap3A_1068 = arith.constant 1 : i32
        %swap3A_1069 = arith.index_cast %swap3A_1068 : i32 to index
        %swap3A_1070 = arith.index_cast %scan3A_956 : i32 to index
        %swap3A_1071 = arith.constant 80 : index
        %swap3A_1072 = tpu.vector_load %arg11[%swap3A_1069, %swap3A_1070, %swap3A_1071] {strides = array<i32>} : memref<3x128x128xf32, #tpu.memory_space<vmem>>, vector<1x1x16xf32>,
        %swap3A_1073 = vector.shape_cast %swap3A_1072 : vector<1x1x16xf32> to vector<16xf32>
        %swap3A_1074 = vector.shape_cast %mul3A_1067 : vector<16xf32> to vector<1x1x16xf32>
        tpu.vector_store %arg11[%swap3A_1069, %swap3A_1070, %swap3A_1071], %swap3A_1074 {strides = array<i32>} : memref<3x128x128xf32, #tpu.memory_space<vmem>>, vector<1x1x16xf32>,
        %get3A_1075 = arith.constant 1 : i32
        %get3A_1076 = arith.index_cast %get3A_1075 : i32 to index
        %get3A_1077 = arith.index_cast %scan3A_956 : i32 to index
        %get3A_1078 = arith.constant 96 : index
        %get3A_1079 = tpu.vector_load %arg11[%get3A_1076, %get3A_1077, %get3A_1078] {strides = array<i32>} : memref<3x128x128xf32, #tpu.memory_space<vmem>>, vector<1x1x16xf32>,
        %get3A_1080 = vector.shape_cast %get3A_1079 : vector<1x1x16xf32> to vector<16xf32>
        %get3A_1081 = arith.constant 1 : i32
        %get3A_1082 = arith.index_cast %get3A_1081 : i32 to index
        %get3A_1083 = arith.index_cast %scan3A_956 : i32 to index
        %get3A_1084 = arith.constant 96 : index
        %get3A_1085 = tpu.vector_load %arg12[%get3A_1082, %get3A_1083, %get3A_1084] {strides = array<i32>} : memref<3x128x128xf32, #tpu.memory_space<vmem>>, vector<1x1x16xf32>,
        %get3A_1086 = vector.shape_cast %get3A_1085 : vector<1x1x16xf32> to vector<16xf32>
        %mul3A_1087 = arith.mulf %get3A_1080, %get3A_1086 : vector<16xf32>
        %swap3A_1088 = arith.constant 1 : i32
        %swap3A_1089 = arith.index_cast %swap3A_1088 : i32 to index
        %swap3A_1090 = arith.index_cast %scan3A_956 : i32 to index
        %swap3A_1091 = arith.constant 96 : index
        %swap3A_1092 = tpu.vector_load %arg11[%swap3A_1089, %swap3A_1090, %swap3A_1091] {strides = array<i32>} : memref<3x128x128xf32, #tpu.memory_space<vmem>>, vector<1x1x16xf32>,
        %swap3A_1093 = vector.shape_cast %swap3A_1092 : vector<1x1x16xf32> to vector<16xf32>
        %swap3A_1094 = vector.shape_cast %mul3A_1087 : vector<16xf32> to vector<1x1x16xf32>
        tpu.vector_store %arg11[%swap3A_1089, %swap3A_1090, %swap3A_1091], %swap3A_1094 {strides = array<i32>} : memref<3x128x128xf32, #tpu.memory_space<vmem>>, vector<1x1x16xf32>,
        %get3A_1095 = arith.constant 1 : i32
        %get3A_1096 = arith.index_cast %get3A_1095 : i32 to index
        %get3A_1097 = arith.index_cast %scan3A_956 : i32 to index
        %get3A_1098 = arith.constant 112 : index
        %get3A_1099 = tpu.vector_load %arg11[%get3A_1096, %get3A_1097, %get3A_1098] {strides = array<i32>} : memref<3x128x128xf32, #tpu.memory_space<vmem>>, vector<1x1x16xf32>,
        %get3A_1100 = vector.shape_cast %get3A_1099 : vector<1x1x16xf32> to vector<16xf32>
        %get3A_1101 = arith.constant 1 : i32
        %get3A_1102 = arith.index_cast %get3A_1101 : i32 to index
        %get3A_1103 = arith.index_cast %scan3A_956 : i32 to index
        %get3A_1104 = arith.constant 112 : index
        %get3A_1105 = tpu.vector_load %arg12[%get3A_1102, %get3A_1103, %get3A_1104] {strides = array<i32>} : memref<3x128x128xf32, #tpu.memory_space<vmem>>, vector<1x1x16xf32>,
        %get3A_1106 = vector.shape_cast %get3A_1105 : vector<1x1x16xf32> to vector<16xf32>
        %mul3A_1107 = arith.mulf %get3A_1100, %get3A_1106 : vector<16xf32>
        %swap3A_1108 = arith.constant 1 : i32
        %swap3A_1109 = arith.index_cast %swap3A_1108 : i32 to index
        %swap3A_1110 = arith.index_cast %scan3A_956 : i32 to index
        %swap3A_1111 = arith.constant 112 : index
        %swap3A_1112 = tpu.vector_load %arg11[%swap3A_1109, %swap3A_1110, %swap3A_1111] {strides = array<i32>} : memref<3x128x128xf32, #tpu.memory_space<vmem>>, vector<1x1x16xf32>,
        %swap3A_1113 = vector.shape_cast %swap3A_1112 : vector<1x1x16xf32> to vector<16xf32>
        %swap3A_1114 = vector.shape_cast %mul3A_1107 : vector<16xf32> to vector<1x1x16xf32>
        tpu.vector_store %arg11[%swap3A_1109, %swap3A_1110, %swap3A_1111], %swap3A_1114 {strides = array<i32>} : memref<3x128x128xf32, #tpu.memory_space<vmem>>, vector<1x1x16xf32>,
      }
      %scan3A_863 = arith.constant 128 : i32
      %ge3A_864 = arith.constant 1 : i32
      %ge3A_865 = arith.cmpi sge, %add3A_833, %ge3A_864 : i32
      %convert_element_type3A_866 = arith.extui %ge3A_865 : i1 to i32
      %cond3A_867 = arith.constant 0 : i32
      %cond3A_868 = arith.cmpi ne, %convert_element_type3A_866, %cond3A_867 : i32
      scf.if %cond3A_868 {
        %dma_wait3A_956 = arith.constant 0 : i32
        %dma_wait3A_957 = arith.constant 0 : i32
        %dma_wait3A_958 = arith.constant 0 : i32
        %dma_wait3A_959 = tpu.memref_slice %arg11[%dma_wait3A_956, %dma_wait3A_957, %dma_wait3A_958] : memref<3x128x128xf32, #tpu.memory_space<vmem>> -> memref<1x128x128xf32, #tpu.memory_space<vmem>>
        %dma_wait3A_960 = tpu.memref_squeeze %dma_wait3A_959 : memref<1x128x128xf32, #tpu.memory_space<vmem>> -> memref<128x128xf32, #tpu.memory_space<vmem>>
        %dma_wait3A_961 = arith.constant 0 : i32
        %dma_wait3A_962 = arith.constant 0 : i32
        %dma_wait3A_963 = tpu.memref_slice %arg6[%dma_wait3A_961, %dma_wait3A_962] : memref<65536x128xf32, #tpu.memory_space<hbm>> -> memref<128x128xf32, #tpu.memory_space<hbm>>
        %dma_wait3A_964 = arith.constant 0 : i32
        %dma_wait3A_965 = arith.constant 0 : i32
        %dma_wait3A_966 = tpu.memref_slice %arg6[%dma_wait3A_964, %dma_wait3A_965] : memref<65536x128xf32, #tpu.memory_space<hbm>> -> memref<128x128xf32, #tpu.memory_space<hbm>>
        %dma_wait3A_967 = arith.constant 0 : i32
        %dma_wait3A_968 = arith.constant 0 : i32
        %dma_wait3A_969 = tpu.memref_slice %arg11[%dma_wait3A_956, %dma_wait3A_967, %dma_wait3A_968] : memref<3x128x128xf32, #tpu.memory_space<vmem>> -> memref<1x128x128xf32, #tpu.memory_space<vmem>>
        %dma_wait3A_970 = tpu.memref_squeeze %dma_wait3A_969 : memref<1x128x128xf32, #tpu.memory_space<vmem>> -> memref<128x128xf32, #tpu.memory_space<vmem>>
        tpu.wait_dma2 semaphore(%arg16 : memref<!tpu.dma_semaphore, #tpu.memory_space<semaphore_mem>>) src(%dma_wait3A_970 : memref<128x128xf32, #tpu.memory_space<vmem>>) dst(%dma_wait3A_966 : memref<128x128xf32, #tpu.memory_space<hbm>>)
      } else {
      }
      %add3A_869 = arith.constant 2 : i32
      %add3A_870 = arith.addi %add3A_833, %add3A_869 : i32
      %le3A_871 = arith.constant 15 : i32
      %le3A_872 = arith.cmpi sle, %add3A_870, %le3A_871 : i32
      %convert_element_type3A_873 = arith.extui %le3A_872 : i1 to i32
      %cond3A_874 = arith.constant 0 : i32
      %cond3A_875 = arith.cmpi ne, %convert_element_type3A_873, %cond3A_874 : i32
      scf.if %cond3A_875 {
        %add3A_956 = arith.constant 2 : i32
        %add3A_957 = arith.addi %add3A_833, %add3A_956 : i32
        %dma_start3A_958 = arith.constant 0 : i32
        %dma_start3A_959 = arith.constant 0 : i32
        %dma_start3A_960 = arith.constant 0 : i32
        %dma_start3A_961 = tpu.memref_slice %arg11[%dma_start3A_958, %dma_start3A_959, %dma_start3A_960] : memref<3x128x128xf32, #tpu.memory_space<vmem>> -> memref<1x128x128xf32, #tpu.memory_space<vmem>>
        %dma_start3A_962 = tpu.memref_squeeze %dma_start3A_961 : memref<1x128x128xf32, #tpu.memory_space<vmem>> -> memref<128x128xf32, #tpu.memory_space<vmem>>
        %dma_start3A_963 = arith.constant 0 : i32
        %dma_start3A_964 = tpu.memref_slice %arg9[%add3A_957, %dma_start3A_963] : memref<16x128xi32, #tpu.memory_space<vmem>> -> memref<1x128xi32, #tpu.memory_space<vmem>>
        %dma_start3A_965 = tpu.memref_squeeze %dma_start3A_964 : memref<1x128xi32, #tpu.memory_space<vmem>> -> memref<128xi32, #tpu.memory_space<vmem>>
        %dma_start3A_966 = arith.constant 0 : i32
        %dma_start3A_967 = arith.constant 0 : i32
        %dma_start3A_968 = tpu.memref_slice %arg5[%dma_start3A_966, %dma_start3A_967] : memref<100000x128xf32, #tpu.memory_space<hbm>> -> memref<100000x128xf32, #tpu.memory_space<hbm>>
        tpu.enqueue_indirect_dma source(%dma_start3A_968 : memref<100000x128xf32, #tpu.memory_space<hbm>>) target(%dma_start3A_962 : memref<128x128xf32, #tpu.memory_space<vmem>>) offsets(%dma_start3A_965 : memref<128xi32, #tpu.memory_space<vmem>>) semaphore(%arg13 : memref<!tpu.dma_semaphore, #tpu.memory_space<semaphore_mem>>)
        %dma_start3A_969 = arith.constant 0 : i32
        %dma_start3A_970 = arith.constant 0 : i32
        %dma_start3A_971 = arith.constant 0 : i32
        %dma_start3A_972 = tpu.memref_slice %arg12[%dma_start3A_969, %dma_start3A_970, %dma_start3A_971] : memref<3x128x128xf32, #tpu.memory_space<vmem>> -> memref<1x128x128xf32, #tpu.memory_space<vmem>>
        %dma_start3A_973 = tpu.memref_squeeze %dma_start3A_972 : memref<1x128x128xf32, #tpu.memory_space<vmem>> -> memref<128x128xf32, #tpu.memory_space<vmem>>
        %dma_start3A_974 = arith.constant 0 : i32
        %dma_start3A_975 = tpu.memref_slice %arg10[%add3A_957, %dma_start3A_974] : memref<16x128xi32, #tpu.memory_space<vmem>> -> memref<1x128xi32, #tpu.memory_space<vmem>>
        %dma_start3A_976 = tpu.memref_squeeze %dma_start3A_975 : memref<1x128xi32, #tpu.memory_space<vmem>> -> memref<128xi32, #tpu.memory_space<vmem>>
        %dma_start3A_977 = arith.constant 0 : i32
        %dma_start3A_978 = arith.constant 0 : i32
        %dma_start3A_979 = tpu.memref_slice %arg5[%dma_start3A_977, %dma_start3A_978] : memref<100000x128xf32, #tpu.memory_space<hbm>> -> memref<100000x128xf32, #tpu.memory_space<hbm>>
        tpu.enqueue_indirect_dma source(%dma_start3A_979 : memref<100000x128xf32, #tpu.memory_space<hbm>>) target(%dma_start3A_973 : memref<128x128xf32, #tpu.memory_space<vmem>>) offsets(%dma_start3A_976 : memref<128xi32, #tpu.memory_space<vmem>>) semaphore(%arg13 : memref<!tpu.dma_semaphore, #tpu.memory_space<semaphore_mem>>)
      } else {
      }
      %mul3A_876 = arith.constant 128 : i32
      %mul3A_877 = arith.muli %add3A_833, %mul3A_876 : i32
      %add3A_878 = arith.addi %multiple_of3A, %mul3A_877 : i32
      %multiple_of3A_879 = tpu.assume_multiple %add3A_878, 128 : i32
      %dma_start3A_880 = arith.constant 1 : i32
      %dma_start3A_881 = arith.constant 0 : i32
      %dma_start3A_882 = arith.constant 0 : i32
      %dma_start3A_883 = tpu.memref_slice %arg11[%dma_start3A_880, %dma_start3A_881, %dma_start3A_882] : memref<3x128x128xf32, #tpu.memory_space<vmem>> -> memref<1x128x128xf32, #tpu.memory_space<vmem>>
      %dma_start3A_884 = tpu.memref_squeeze %dma_start3A_883 : memref<1x128x128xf32, #tpu.memory_space<vmem>> -> memref<128x128xf32, #tpu.memory_space<vmem>>
      %dma_start3A_885 = arith.constant 0 : i32
      %dma_start3A_886 = tpu.memref_slice %arg6[%multiple_of3A_879, %dma_start3A_885] : memref<65536x128xf32, #tpu.memory_space<hbm>> -> memref<128x128xf32, #tpu.memory_space<hbm>>
      %dma_start3A_887 = arith.constant 0 : i32
      %dma_start3A_888 = tpu.memref_slice %arg6[%multiple_of3A_879, %dma_start3A_887] : memref<65536x128xf32, #tpu.memory_space<hbm>> -> memref<128x128xf32, #tpu.memory_space<hbm>>
      %dma_start3A_889 = arith.constant 0 : i32
      %dma_start3A_890 = arith.constant 0 : i32
      %dma_start3A_891 = tpu.memref_slice %arg11[%dma_start3A_880, %dma_start3A_889, %dma_start3A_890] : memref<3x128x128xf32, #tpu.memory_space<vmem>> -> memref<1x128x128xf32, #tpu.memory_space<vmem>>
      %dma_start3A_892 = tpu.memref_squeeze %dma_start3A_891 : memref<1x128x128xf32, #tpu.memory_space<vmem>> -> memref<128x128xf32, #tpu.memory_space<vmem>>
      tpu.enqueue_dma source(%dma_start3A_892 : memref<128x128xf32, #tpu.memory_space<vmem>>) target(%dma_start3A_888 : memref<128x128xf32, #tpu.memory_space<hbm>>) target_semaphore(%arg17 : memref<!tpu.dma_semaphore, #tpu.memory_space<semaphore_mem>>)
      %mul3A_893 = arith.constant 3 : i32
      %mul3A_894 = arith.muli %mul3A_893, %scan3A_770 : i32
      %add3A_895 = arith.constant 2 : i32
      %add3A_896 = arith.addi %mul3A_894, %add3A_895 : i32
      %dma_wait3A_897 = arith.constant 0 : i32
      %dma_wait3A_898 = arith.constant 2 : i32
      %dma_wait3A_899 = arith.constant 0 : i32
      %dma_wait3A_900 = arith.constant 0 : i32
      %dma_wait3A_901 = tpu.memref_slice %arg11[%dma_wait3A_898, %dma_wait3A_899, %dma_wait3A_900] : memref<3x128x128xf32, #tpu.memory_space<vmem>> -> memref<1x128x128xf32, #tpu.memory_space<vmem>>
      %dma_wait3A_902 = tpu.memref_squeeze %dma_wait3A_901 : memref<1x128x128xf32, #tpu.memory_space<vmem>> -> memref<128x128xf32, #tpu.memory_space<vmem>>
      %dma_wait3A_903 = arith.constant 0 : i32
      %dma_wait3A_904 = tpu.memref_slice %arg9[%dma_wait3A_897, %dma_wait3A_903] : memref<16x128xi32, #tpu.memory_space<vmem>> -> memref<1x128xi32, #tpu.memory_space<vmem>>
      %dma_wait3A_905 = tpu.memref_squeeze %dma_wait3A_904 : memref<1x128xi32, #tpu.memory_space<vmem>> -> memref<128xi32, #tpu.memory_space<vmem>>
      %dma_wait3A_906 = arith.constant 0 : i32
      %dma_wait3A_907 = arith.constant 0 : i32
      %dma_wait3A_908 = tpu.memref_slice %arg5[%dma_wait3A_906, %dma_wait3A_907] : memref<100000x128xf32, #tpu.memory_space<hbm>> -> memref<100000x128xf32, #tpu.memory_space<hbm>>
      tpu.wait_indirect_dma semaphore(%arg15 : memref<!tpu.dma_semaphore, #tpu.memory_space<semaphore_mem>>) src(%dma_wait3A_908 : memref<100000x128xf32, #tpu.memory_space<hbm>>) dst(%dma_wait3A_902 : memref<128x128xf32, #tpu.memory_space<vmem>>)
      %dma_wait3A_909 = arith.constant 0 : i32
      %dma_wait3A_910 = arith.constant 2 : i32
      %dma_wait3A_911 = arith.constant 0 : i32
      %dma_wait3A_912 = arith.constant 0 : i32
      %dma_wait3A_913 = tpu.memref_slice %arg12[%dma_wait3A_910, %dma_wait3A_911, %dma_wait3A_912] : memref<3x128x128xf32, #tpu.memory_space<vmem>> -> memref<1x128x128xf32, #tpu.memory_space<vmem>>
      %dma_wait3A_914 = tpu.memref_squeeze %dma_wait3A_913 : memref<1x128x128xf32, #tpu.memory_space<vmem>> -> memref<128x128xf32, #tpu.memory_space<vmem>>
      %dma_wait3A_915 = arith.constant 0 : i32
      %dma_wait3A_916 = tpu.memref_slice %arg10[%dma_wait3A_909, %dma_wait3A_915] : memref<16x128xi32, #tpu.memory_space<vmem>> -> memref<1x128xi32, #tpu.memory_space<vmem>>
      %dma_wait3A_917 = tpu.memref_squeeze %dma_wait3A_916 : memref<1x128xi32, #tpu.memory_space<vmem>> -> memref<128xi32, #tpu.memory_space<vmem>>
      %dma_wait3A_918 = arith.constant 0 : i32
      %dma_wait3A_919 = arith.constant 0 : i32
      %dma_wait3A_920 = tpu.memref_slice %arg5[%dma_wait3A_918, %dma_wait3A_919] : memref<100000x128xf32, #tpu.memory_space<hbm>> -> memref<100000x128xf32, #tpu.memory_space<hbm>>
      tpu.wait_indirect_dma semaphore(%arg15 : memref<!tpu.dma_semaphore, #tpu.memory_space<semaphore_mem>>) src(%dma_wait3A_920 : memref<100000x128xf32, #tpu.memory_space<hbm>>) dst(%dma_wait3A_914 : memref<128x128xf32, #tpu.memory_space<vmem>>)
      %scan3A_921 = arith.constant 0 : i32
      %scan3A_922 = arith.constant 0 : i32
      %scan3A_923 = arith.constant 128 : i32
      %scan3A_924 = arith.addi %scan3A_922, %scan3A_923 : i32
      %scan3A_925 = arith.constant 1 : i32
      scf.for %scan3A_956 = %scan3A_922 to %scan3A_924 step %scan3A_925  : i32 {
        %get3A = arith.constant 2 : i32
        %get3A_957 = arith.index_cast %get3A : i32 to index
        %get3A_958 = arith.index_cast %scan3A_956 : i32 to index
        %get3A_959 = arith.constant 0 : index
        %get3A_960 = tpu.vector_load %arg11[%get3A_957, %get3A_958, %get3A_959] {strides = array<i32>} : memref<3x128x128xf32, #tpu.memory_space<vmem>>, vector<1x1x16xf32>,
        %get3A_961 = vector.shape_cast %get3A_960 : vector<1x1x16xf32> to vector<16xf32>
        %get3A_962 = arith.constant 2 : i32
        %get3A_963 = arith.index_cast %get3A_962 : i32 to index
        %get3A_964 = arith.index_cast %scan3A_956 : i32 to index
        %get3A_965 = arith.constant 0 : index
        %get3A_966 = tpu.vector_load %arg12[%get3A_963, %get3A_964, %get3A_965] {strides = array<i32>} : memref<3x128x128xf32, #tpu.memory_space<vmem>>, vector<1x1x16xf32>,
        %get3A_967 = vector.shape_cast %get3A_966 : vector<1x1x16xf32> to vector<16xf32>
        %mul3A_968 = arith.mulf %get3A_961, %get3A_967 : vector<16xf32>
        %swap3A = arith.constant 2 : i32
        %swap3A_969 = arith.index_cast %swap3A : i32 to index
        %swap3A_970 = arith.index_cast %scan3A_956 : i32 to index
        %swap3A_971 = arith.constant 0 : index
        %swap3A_972 = tpu.vector_load %arg11[%swap3A_969, %swap3A_970, %swap3A_971] {strides = array<i32>} : memref<3x128x128xf32, #tpu.memory_space<vmem>>, vector<1x1x16xf32>,
        %swap3A_973 = vector.shape_cast %swap3A_972 : vector<1x1x16xf32> to vector<16xf32>
        %swap3A_974 = vector.shape_cast %mul3A_968 : vector<16xf32> to vector<1x1x16xf32>
        tpu.vector_store %arg11[%swap3A_969, %swap3A_970, %swap3A_971], %swap3A_974 {strides = array<i32>} : memref<3x128x128xf32, #tpu.memory_space<vmem>>, vector<1x1x16xf32>,
        %get3A_975 = arith.constant 2 : i32
        %get3A_976 = arith.index_cast %get3A_975 : i32 to index
        %get3A_977 = arith.index_cast %scan3A_956 : i32 to index
        %get3A_978 = arith.constant 16 : index
        %get3A_979 = tpu.vector_load %arg11[%get3A_976, %get3A_977, %get3A_978] {strides = array<i32>} : memref<3x128x128xf32, #tpu.memory_space<vmem>>, vector<1x1x16xf32>,
        %get3A_980 = vector.shape_cast %get3A_979 : vector<1x1x16xf32> to vector<16xf32>
        %get3A_981 = arith.constant 2 : i32
        %get3A_982 = arith.index_cast %get3A_981 : i32 to index
        %get3A_983 = arith.index_cast %scan3A_956 : i32 to index
        %get3A_984 = arith.constant 16 : index
        %get3A_985 = tpu.vector_load %arg12[%get3A_982, %get3A_983, %get3A_984] {strides = array<i32>} : memref<3x128x128xf32, #tpu.memory_space<vmem>>, vector<1x1x16xf32>,
        %get3A_986 = vector.shape_cast %get3A_985 : vector<1x1x16xf32> to vector<16xf32>
        %mul3A_987 = arith.mulf %get3A_980, %get3A_986 : vector<16xf32>
        %swap3A_988 = arith.constant 2 : i32
        %swap3A_989 = arith.index_cast %swap3A_988 : i32 to index
        %swap3A_990 = arith.index_cast %scan3A_956 : i32 to index
        %swap3A_991 = arith.constant 16 : index
        %swap3A_992 = tpu.vector_load %arg11[%swap3A_989, %swap3A_990, %swap3A_991] {strides = array<i32>} : memref<3x128x128xf32, #tpu.memory_space<vmem>>, vector<1x1x16xf32>,
        %swap3A_993 = vector.shape_cast %swap3A_992 : vector<1x1x16xf32> to vector<16xf32>
        %swap3A_994 = vector.shape_cast %mul3A_987 : vector<16xf32> to vector<1x1x16xf32>
        tpu.vector_store %arg11[%swap3A_989, %swap3A_990, %swap3A_991], %swap3A_994 {strides = array<i32>} : memref<3x128x128xf32, #tpu.memory_space<vmem>>, vector<1x1x16xf32>,
        %get3A_995 = arith.constant 2 : i32
        %get3A_996 = arith.index_cast %get3A_995 : i32 to index
        %get3A_997 = arith.index_cast %scan3A_956 : i32 to index
        %get3A_998 = arith.constant 32 : index
        %get3A_999 = tpu.vector_load %arg11[%get3A_996, %get3A_997, %get3A_998] {strides = array<i32>} : memref<3x128x128xf32, #tpu.memory_space<vmem>>, vector<1x1x16xf32>,
        %get3A_1000 = vector.shape_cast %get3A_999 : vector<1x1x16xf32> to vector<16xf32>
        %get3A_1001 = arith.constant 2 : i32
        %get3A_1002 = arith.index_cast %get3A_1001 : i32 to index
        %get3A_1003 = arith.index_cast %scan3A_956 : i32 to index
        %get3A_1004 = arith.constant 32 : index
        %get3A_1005 = tpu.vector_load %arg12[%get3A_1002, %get3A_1003, %get3A_1004] {strides = array<i32>} : memref<3x128x128xf32, #tpu.memory_space<vmem>>, vector<1x1x16xf32>,
        %get3A_1006 = vector.shape_cast %get3A_1005 : vector<1x1x16xf32> to vector<16xf32>
        %mul3A_1007 = arith.mulf %get3A_1000, %get3A_1006 : vector<16xf32>
        %swap3A_1008 = arith.constant 2 : i32
        %swap3A_1009 = arith.index_cast %swap3A_1008 : i32 to index
        %swap3A_1010 = arith.index_cast %scan3A_956 : i32 to index
        %swap3A_1011 = arith.constant 32 : index
        %swap3A_1012 = tpu.vector_load %arg11[%swap3A_1009, %swap3A_1010, %swap3A_1011] {strides = array<i32>} : memref<3x128x128xf32, #tpu.memory_space<vmem>>, vector<1x1x16xf32>,
        %swap3A_1013 = vector.shape_cast %swap3A_1012 : vector<1x1x16xf32> to vector<16xf32>
        %swap3A_1014 = vector.shape_cast %mul3A_1007 : vector<16xf32> to vector<1x1x16xf32>
        tpu.vector_store %arg11[%swap3A_1009, %swap3A_1010, %swap3A_1011], %swap3A_1014 {strides = array<i32>} : memref<3x128x128xf32, #tpu.memory_space<vmem>>, vector<1x1x16xf32>,
        %get3A_1015 = arith.constant 2 : i32
        %get3A_1016 = arith.index_cast %get3A_1015 : i32 to index
        %get3A_1017 = arith.index_cast %scan3A_956 : i32 to index
        %get3A_1018 = arith.constant 48 : index
        %get3A_1019 = tpu.vector_load %arg11[%get3A_1016, %get3A_1017, %get3A_1018] {strides = array<i32>} : memref<3x128x128xf32, #tpu.memory_space<vmem>>, vector<1x1x16xf32>,
        %get3A_1020 = vector.shape_cast %get3A_1019 : vector<1x1x16xf32> to vector<16xf32>
        %get3A_1021 = arith.constant 2 : i32
        %get3A_1022 = arith.index_cast %get3A_1021 : i32 to index
        %get3A_1023 = arith.index_cast %scan3A_956 : i32 to index
        %get3A_1024 = arith.constant 48 : index
        %get3A_1025 = tpu.vector_load %arg12[%get3A_1022, %get3A_1023, %get3A_1024] {strides = array<i32>} : memref<3x128x128xf32, #tpu.memory_space<vmem>>, vector<1x1x16xf32>,
        %get3A_1026 = vector.shape_cast %get3A_1025 : vector<1x1x16xf32> to vector<16xf32>
        %mul3A_1027 = arith.mulf %get3A_1020, %get3A_1026 : vector<16xf32>
        %swap3A_1028 = arith.constant 2 : i32
        %swap3A_1029 = arith.index_cast %swap3A_1028 : i32 to index
        %swap3A_1030 = arith.index_cast %scan3A_956 : i32 to index
        %swap3A_1031 = arith.constant 48 : index
        %swap3A_1032 = tpu.vector_load %arg11[%swap3A_1029, %swap3A_1030, %swap3A_1031] {strides = array<i32>} : memref<3x128x128xf32, #tpu.memory_space<vmem>>, vector<1x1x16xf32>,
        %swap3A_1033 = vector.shape_cast %swap3A_1032 : vector<1x1x16xf32> to vector<16xf32>
        %swap3A_1034 = vector.shape_cast %mul3A_1027 : vector<16xf32> to vector<1x1x16xf32>
        tpu.vector_store %arg11[%swap3A_1029, %swap3A_1030, %swap3A_1031], %swap3A_1034 {strides = array<i32>} : memref<3x128x128xf32, #tpu.memory_space<vmem>>, vector<1x1x16xf32>,
        %get3A_1035 = arith.constant 2 : i32
        %get3A_1036 = arith.index_cast %get3A_1035 : i32 to index
        %get3A_1037 = arith.index_cast %scan3A_956 : i32 to index
        %get3A_1038 = arith.constant 64 : index
        %get3A_1039 = tpu.vector_load %arg11[%get3A_1036, %get3A_1037, %get3A_1038] {strides = array<i32>} : memref<3x128x128xf32, #tpu.memory_space<vmem>>, vector<1x1x16xf32>,
        %get3A_1040 = vector.shape_cast %get3A_1039 : vector<1x1x16xf32> to vector<16xf32>
        %get3A_1041 = arith.constant 2 : i32
        %get3A_1042 = arith.index_cast %get3A_1041 : i32 to index
        %get3A_1043 = arith.index_cast %scan3A_956 : i32 to index
        %get3A_1044 = arith.constant 64 : index
        %get3A_1045 = tpu.vector_load %arg12[%get3A_1042, %get3A_1043, %get3A_1044] {strides = array<i32>} : memref<3x128x128xf32, #tpu.memory_space<vmem>>, vector<1x1x16xf32>,
        %get3A_1046 = vector.shape_cast %get3A_1045 : vector<1x1x16xf32> to vector<16xf32>
        %mul3A_1047 = arith.mulf %get3A_1040, %get3A_1046 : vector<16xf32>
        %swap3A_1048 = arith.constant 2 : i32
        %swap3A_1049 = arith.index_cast %swap3A_1048 : i32 to index
        %swap3A_1050 = arith.index_cast %scan3A_956 : i32 to index
        %swap3A_1051 = arith.constant 64 : index
        %swap3A_1052 = tpu.vector_load %arg11[%swap3A_1049, %swap3A_1050, %swap3A_1051] {strides = array<i32>} : memref<3x128x128xf32, #tpu.memory_space<vmem>>, vector<1x1x16xf32>,
        %swap3A_1053 = vector.shape_cast %swap3A_1052 : vector<1x1x16xf32> to vector<16xf32>
        %swap3A_1054 = vector.shape_cast %mul3A_1047 : vector<16xf32> to vector<1x1x16xf32>
        tpu.vector_store %arg11[%swap3A_1049, %swap3A_1050, %swap3A_1051], %swap3A_1054 {strides = array<i32>} : memref<3x128x128xf32, #tpu.memory_space<vmem>>, vector<1x1x16xf32>,
        %get3A_1055 = arith.constant 2 : i32
        %get3A_1056 = arith.index_cast %get3A_1055 : i32 to index
        %get3A_1057 = arith.index_cast %scan3A_956 : i32 to index
        %get3A_1058 = arith.constant 80 : index
        %get3A_1059 = tpu.vector_load %arg11[%get3A_1056, %get3A_1057, %get3A_1058] {strides = array<i32>} : memref<3x128x128xf32, #tpu.memory_space<vmem>>, vector<1x1x16xf32>,
        %get3A_1060 = vector.shape_cast %get3A_1059 : vector<1x1x16xf32> to vector<16xf32>
        %get3A_1061 = arith.constant 2 : i32
        %get3A_1062 = arith.index_cast %get3A_1061 : i32 to index
        %get3A_1063 = arith.index_cast %scan3A_956 : i32 to index
        %get3A_1064 = arith.constant 80 : index
        %get3A_1065 = tpu.vector_load %arg12[%get3A_1062, %get3A_1063, %get3A_1064] {strides = array<i32>} : memref<3x128x128xf32, #tpu.memory_space<vmem>>, vector<1x1x16xf32>,
        %get3A_1066 = vector.shape_cast %get3A_1065 : vector<1x1x16xf32> to vector<16xf32>
        %mul3A_1067 = arith.mulf %get3A_1060, %get3A_1066 : vector<16xf32>
        %swap3A_1068 = arith.constant 2 : i32
        %swap3A_1069 = arith.index_cast %swap3A_1068 : i32 to index
        %swap3A_1070 = arith.index_cast %scan3A_956 : i32 to index
        %swap3A_1071 = arith.constant 80 : index
        %swap3A_1072 = tpu.vector_load %arg11[%swap3A_1069, %swap3A_1070, %swap3A_1071] {strides = array<i32>} : memref<3x128x128xf32, #tpu.memory_space<vmem>>, vector<1x1x16xf32>,
        %swap3A_1073 = vector.shape_cast %swap3A_1072 : vector<1x1x16xf32> to vector<16xf32>
        %swap3A_1074 = vector.shape_cast %mul3A_1067 : vector<16xf32> to vector<1x1x16xf32>
        tpu.vector_store %arg11[%swap3A_1069, %swap3A_1070, %swap3A_1071], %swap3A_1074 {strides = array<i32>} : memref<3x128x128xf32, #tpu.memory_space<vmem>>, vector<1x1x16xf32>,
        %get3A_1075 = arith.constant 2 : i32
        %get3A_1076 = arith.index_cast %get3A_1075 : i32 to index
        %get3A_1077 = arith.index_cast %scan3A_956 : i32 to index
        %get3A_1078 = arith.constant 96 : index
        %get3A_1079 = tpu.vector_load %arg11[%get3A_1076, %get3A_1077, %get3A_1078] {strides = array<i32>} : memref<3x128x128xf32, #tpu.memory_space<vmem>>, vector<1x1x16xf32>,
        %get3A_1080 = vector.shape_cast %get3A_1079 : vector<1x1x16xf32> to vector<16xf32>
        %get3A_1081 = arith.constant 2 : i32
        %get3A_1082 = arith.index_cast %get3A_1081 : i32 to index
        %get3A_1083 = arith.index_cast %scan3A_956 : i32 to index
        %get3A_1084 = arith.constant 96 : index
        %get3A_1085 = tpu.vector_load %arg12[%get3A_1082, %get3A_1083, %get3A_1084] {strides = array<i32>} : memref<3x128x128xf32, #tpu.memory_space<vmem>>, vector<1x1x16xf32>,
        %get3A_1086 = vector.shape_cast %get3A_1085 : vector<1x1x16xf32> to vector<16xf32>
        %mul3A_1087 = arith.mulf %get3A_1080, %get3A_1086 : vector<16xf32>
        %swap3A_1088 = arith.constant 2 : i32
        %swap3A_1089 = arith.index_cast %swap3A_1088 : i32 to index
        %swap3A_1090 = arith.index_cast %scan3A_956 : i32 to index
        %swap3A_1091 = arith.constant 96 : index
        %swap3A_1092 = tpu.vector_load %arg11[%swap3A_1089, %swap3A_1090, %swap3A_1091] {strides = array<i32>} : memref<3x128x128xf32, #tpu.memory_space<vmem>>, vector<1x1x16xf32>,
        %swap3A_1093 = vector.shape_cast %swap3A_1092 : vector<1x1x16xf32> to vector<16xf32>
        %swap3A_1094 = vector.shape_cast %mul3A_1087 : vector<16xf32> to vector<1x1x16xf32>
        tpu.vector_store %arg11[%swap3A_1089, %swap3A_1090, %swap3A_1091], %swap3A_1094 {strides = array<i32>} : memref<3x128x128xf32, #tpu.memory_space<vmem>>, vector<1x1x16xf32>,
        %get3A_1095 = arith.constant 2 : i32
        %get3A_1096 = arith.index_cast %get3A_1095 : i32 to index
        %get3A_1097 = arith.index_cast %scan3A_956 : i32 to index
        %get3A_1098 = arith.constant 112 : index
        %get3A_1099 = tpu.vector_load %arg11[%get3A_1096, %get3A_1097, %get3A_1098] {strides = array<i32>} : memref<3x128x128xf32, #tpu.memory_space<vmem>>, vector<1x1x16xf32>,
        %get3A_1100 = vector.shape_cast %get3A_1099 : vector<1x1x16xf32> to vector<16xf32>
        %get3A_1101 = arith.constant 2 : i32
        %get3A_1102 = arith.index_cast %get3A_1101 : i32 to index
        %get3A_1103 = arith.index_cast %scan3A_956 : i32 to index
        %get3A_1104 = arith.constant 112 : index
        %get3A_1105 = tpu.vector_load %arg12[%get3A_1102, %get3A_1103, %get3A_1104] {strides = array<i32>} : memref<3x128x128xf32, #tpu.memory_space<vmem>>, vector<1x1x16xf32>,
        %get3A_1106 = vector.shape_cast %get3A_1105 : vector<1x1x16xf32> to vector<16xf32>
        %mul3A_1107 = arith.mulf %get3A_1100, %get3A_1106 : vector<16xf32>
        %swap3A_1108 = arith.constant 2 : i32
        %swap3A_1109 = arith.index_cast %swap3A_1108 : i32 to index
        %swap3A_1110 = arith.index_cast %scan3A_956 : i32 to index
        %swap3A_1111 = arith.constant 112 : index
        %swap3A_1112 = tpu.vector_load %arg11[%swap3A_1109, %swap3A_1110, %swap3A_1111] {strides = array<i32>} : memref<3x128x128xf32, #tpu.memory_space<vmem>>, vector<1x1x16xf32>,
        %swap3A_1113 = vector.shape_cast %swap3A_1112 : vector<1x1x16xf32> to vector<16xf32>
        %swap3A_1114 = vector.shape_cast %mul3A_1107 : vector<16xf32> to vector<1x1x16xf32>
        tpu.vector_store %arg11[%swap3A_1109, %swap3A_1110, %swap3A_1111], %swap3A_1114 {strides = array<i32>} : memref<3x128x128xf32, #tpu.memory_space<vmem>>, vector<1x1x16xf32>,
      }
      %scan3A_926 = arith.constant 128 : i32
      %ge3A_927 = arith.constant 1 : i32
      %ge3A_928 = arith.cmpi sge, %add3A_896, %ge3A_927 : i32
      %convert_element_type3A_929 = arith.extui %ge3A_928 : i1 to i32
      %cond3A_930 = arith.constant 0 : i32
      %cond3A_931 = arith.cmpi ne, %convert_element_type3A_929, %cond3A_930 : i32
      scf.if %cond3A_931 {
        %dma_wait3A_956 = arith.constant 1 : i32
        %dma_wait3A_957 = arith.constant 0 : i32
        %dma_wait3A_958 = arith.constant 0 : i32
        %dma_wait3A_959 = tpu.memref_slice %arg11[%dma_wait3A_956, %dma_wait3A_957, %dma_wait3A_958] : memref<3x128x128xf32, #tpu.memory_space<vmem>> -> memref<1x128x128xf32, #tpu.memory_space<vmem>>
        %dma_wait3A_960 = tpu.memref_squeeze %dma_wait3A_959 : memref<1x128x128xf32, #tpu.memory_space<vmem>> -> memref<128x128xf32, #tpu.memory_space<vmem>>
        %dma_wait3A_961 = arith.constant 0 : i32
        %dma_wait3A_962 = arith.constant 0 : i32
        %dma_wait3A_963 = tpu.memref_slice %arg6[%dma_wait3A_961, %dma_wait3A_962] : memref<65536x128xf32, #tpu.memory_space<hbm>> -> memref<128x128xf32, #tpu.memory_space<hbm>>
        %dma_wait3A_964 = arith.constant 0 : i32
        %dma_wait3A_965 = arith.constant 0 : i32
        %dma_wait3A_966 = tpu.memref_slice %arg6[%dma_wait3A_964, %dma_wait3A_965] : memref<65536x128xf32, #tpu.memory_space<hbm>> -> memref<128x128xf32, #tpu.memory_space<hbm>>
        %dma_wait3A_967 = arith.constant 0 : i32
        %dma_wait3A_968 = arith.constant 0 : i32
        %dma_wait3A_969 = tpu.memref_slice %arg11[%dma_wait3A_956, %dma_wait3A_967, %dma_wait3A_968] : memref<3x128x128xf32, #tpu.memory_space<vmem>> -> memref<1x128x128xf32, #tpu.memory_space<vmem>>
        %dma_wait3A_970 = tpu.memref_squeeze %dma_wait3A_969 : memref<1x128x128xf32, #tpu.memory_space<vmem>> -> memref<128x128xf32, #tpu.memory_space<vmem>>
        tpu.wait_dma2 semaphore(%arg17 : memref<!tpu.dma_semaphore, #tpu.memory_space<semaphore_mem>>) src(%dma_wait3A_970 : memref<128x128xf32, #tpu.memory_space<vmem>>) dst(%dma_wait3A_966 : memref<128x128xf32, #tpu.memory_space<hbm>>)
      } else {
      }
      %add3A_932 = arith.constant 2 : i32
      %add3A_933 = arith.addi %add3A_896, %add3A_932 : i32
      %le3A_934 = arith.constant 15 : i32
      %le3A_935 = arith.cmpi sle, %add3A_933, %le3A_934 : i32
      %convert_element_type3A_936 = arith.extui %le3A_935 : i1 to i32
      %cond3A_937 = arith.constant 0 : i32
      %cond3A_938 = arith.cmpi ne, %convert_element_type3A_936, %cond3A_937 : i32
      scf.if %cond3A_938 {
        %add3A_956 = arith.constant 2 : i32
        %add3A_957 = arith.addi %add3A_896, %add3A_956 : i32
        %dma_start3A_958 = arith.constant 1 : i32
        %dma_start3A_959 = arith.constant 0 : i32
        %dma_start3A_960 = arith.constant 0 : i32
        %dma_start3A_961 = tpu.memref_slice %arg11[%dma_start3A_958, %dma_start3A_959, %dma_start3A_960] : memref<3x128x128xf32, #tpu.memory_space<vmem>> -> memref<1x128x128xf32, #tpu.memory_space<vmem>>
        %dma_start3A_962 = tpu.memref_squeeze %dma_start3A_961 : memref<1x128x128xf32, #tpu.memory_space<vmem>> -> memref<128x128xf32, #tpu.memory_space<vmem>>
        %dma_start3A_963 = arith.constant 0 : i32
        %dma_start3A_964 = tpu.memref_slice %arg9[%add3A_957, %dma_start3A_963] : memref<16x128xi32, #tpu.memory_space<vmem>> -> memref<1x128xi32, #tpu.memory_space<vmem>>
        %dma_start3A_965 = tpu.memref_squeeze %dma_start3A_964 : memref<1x128xi32, #tpu.memory_space<vmem>> -> memref<128xi32, #tpu.memory_space<vmem>>
        %dma_start3A_966 = arith.constant 0 : i32
        %dma_start3A_967 = arith.constant 0 : i32
        %dma_start3A_968 = tpu.memref_slice %arg5[%dma_start3A_966, %dma_start3A_967] : memref<100000x128xf32, #tpu.memory_space<hbm>> -> memref<100000x128xf32, #tpu.memory_space<hbm>>
        tpu.enqueue_indirect_dma source(%dma_start3A_968 : memref<100000x128xf32, #tpu.memory_space<hbm>>) target(%dma_start3A_962 : memref<128x128xf32, #tpu.memory_space<vmem>>) offsets(%dma_start3A_965 : memref<128xi32, #tpu.memory_space<vmem>>) semaphore(%arg14 : memref<!tpu.dma_semaphore, #tpu.memory_space<semaphore_mem>>)
        %dma_start3A_969 = arith.constant 1 : i32
        %dma_start3A_970 = arith.constant 0 : i32
        %dma_start3A_971 = arith.constant 0 : i32
        %dma_start3A_972 = tpu.memref_slice %arg12[%dma_start3A_969, %dma_start3A_970, %dma_start3A_971] : memref<3x128x128xf32, #tpu.memory_space<vmem>> -> memref<1x128x128xf32, #tpu.memory_space<vmem>>
        %dma_start3A_973 = tpu.memref_squeeze %dma_start3A_972 : memref<1x128x128xf32, #tpu.memory_space<vmem>> -> memref<128x128xf32, #tpu.memory_space<vmem>>
        %dma_start3A_974 = arith.constant 0 : i32
        %dma_start3A_975 = tpu.memref_slice %arg10[%add3A_957, %dma_start3A_974] : memref<16x128xi32, #tpu.memory_space<vmem>> -> memref<1x128xi32, #tpu.memory_space<vmem>>
        %dma_start3A_976 = tpu.memref_squeeze %dma_start3A_975 : memref<1x128xi32, #tpu.memory_space<vmem>> -> memref<128xi32, #tpu.memory_space<vmem>>
        %dma_start3A_977 = arith.constant 0 : i32
        %dma_start3A_978 = arith.constant 0 : i32
        %dma_start3A_979 = tpu.memref_slice %arg5[%dma_start3A_977, %dma_start3A_978] : memref<100000x128xf32, #tpu.memory_space<hbm>> -> memref<100000x128xf32, #tpu.memory_space<hbm>>
        tpu.enqueue_indirect_dma source(%dma_start3A_979 : memref<100000x128xf32, #tpu.memory_space<hbm>>) target(%dma_start3A_973 : memref<128x128xf32, #tpu.memory_space<vmem>>) offsets(%dma_start3A_976 : memref<128xi32, #tpu.memory_space<vmem>>) semaphore(%arg14 : memref<!tpu.dma_semaphore, #tpu.memory_space<semaphore_mem>>)
      } else {
      }
      %mul3A_939 = arith.constant 128 : i32
      %mul3A_940 = arith.muli %add3A_896, %mul3A_939 : i32
      %add3A_941 = arith.addi %multiple_of3A, %mul3A_940 : i32
      %multiple_of3A_942 = tpu.assume_multiple %add3A_941, 128 : i32
      %dma_start3A_943 = arith.constant 2 : i32
      %dma_start3A_944 = arith.constant 0 : i32
      %dma_start3A_945 = arith.constant 0 : i32
      %dma_start3A_946 = tpu.memref_slice %arg11[%dma_start3A_943, %dma_start3A_944, %dma_start3A_945] : memref<3x128x128xf32, #tpu.memory_space<vmem>> -> memref<1x128x128xf32, #tpu.memory_space<vmem>>
      %dma_start3A_947 = tpu.memref_squeeze %dma_start3A_946 : memref<1x128x128xf32, #tpu.memory_space<vmem>> -> memref<128x128xf32, #tpu.memory_space<vmem>>
      %dma_start3A_948 = arith.constant 0 : i32
      %dma_start3A_949 = tpu.memref_slice %arg6[%multiple_of3A_942, %dma_start3A_948] : memref<65536x128xf32, #tpu.memory_space<hbm>> -> memref<128x128xf32, #tpu.memory_space<hbm>>
      %dma_start3A_950 = arith.constant 0 : i32
      %dma_start3A_951 = tpu.memref_slice %arg6[%multiple_of3A_942, %dma_start3A_950] : memref<65536x128xf32, #tpu.memory_space<hbm>> -> memref<128x128xf32, #tpu.memory_space<hbm>>
      %dma_start3A_952 = arith.constant 0 : i32
      %dma_start3A_953 = arith.constant 0 : i32
      %dma_start3A_954 = tpu.memref_slice %arg11[%dma_start3A_943, %dma_start3A_952, %dma_start3A_953] : memref<3x128x128xf32, #tpu.memory_space<vmem>> -> memref<1x128x128xf32, #tpu.memory_space<vmem>>
      %dma_start3A_955 = tpu.memref_squeeze %dma_start3A_954 : memref<1x128x128xf32, #tpu.memory_space<vmem>> -> memref<128x128xf32, #tpu.memory_space<vmem>>
      tpu.enqueue_dma source(%dma_start3A_955 : memref<128x128xf32, #tpu.memory_space<vmem>>) target(%dma_start3A_951 : memref<128x128xf32, #tpu.memory_space<hbm>>) target_semaphore(%arg18 : memref<!tpu.dma_semaphore, #tpu.memory_space<semaphore_mem>>)
    }
    %scan3A_693 = arith.constant 5 : i32
    %dma_wait3A_694 = arith.constant 0 : i32
    %dma_wait3A_695 = arith.constant 0 : i32
    %dma_wait3A_696 = arith.constant 0 : i32
    %dma_wait3A_697 = arith.constant 0 : i32
    %dma_wait3A_698 = tpu.memref_slice %arg11[%dma_wait3A_695, %dma_wait3A_696, %dma_wait3A_697] : memref<3x128x128xf32, #tpu.memory_space<vmem>> -> memref<1x128x128xf32, #tpu.memory_space<vmem>>
    %dma_wait3A_699 = tpu.memref_squeeze %dma_wait3A_698 : memref<1x128x128xf32, #tpu.memory_space<vmem>> -> memref<128x128xf32, #tpu.memory_space<vmem>>
    %dma_wait3A_700 = arith.constant 0 : i32
    %dma_wait3A_701 = tpu.memref_slice %arg9[%dma_wait3A_694, %dma_wait3A_700] : memref<16x128xi32, #tpu.memory_space<vmem>> -> memref<1x128xi32, #tpu.memory_space<vmem>>
    %dma_wait3A_702 = tpu.memref_squeeze %dma_wait3A_701 : memref<1x128xi32, #tpu.memory_space<vmem>> -> memref<128xi32, #tpu.memory_space<vmem>>
    %dma_wait3A_703 = arith.constant 0 : i32
    %dma_wait3A_704 = arith.constant 0 : i32
    %dma_wait3A_705 = tpu.memref_slice %arg5[%dma_wait3A_703, %dma_wait3A_704] : memref<100000x128xf32, #tpu.memory_space<hbm>> -> memref<100000x128xf32, #tpu.memory_space<hbm>>
    tpu.wait_indirect_dma semaphore(%arg13 : memref<!tpu.dma_semaphore, #tpu.memory_space<semaphore_mem>>) src(%dma_wait3A_705 : memref<100000x128xf32, #tpu.memory_space<hbm>>) dst(%dma_wait3A_699 : memref<128x128xf32, #tpu.memory_space<vmem>>)
    %dma_wait3A_706 = arith.constant 0 : i32
    %dma_wait3A_707 = arith.constant 0 : i32
    %dma_wait3A_708 = arith.constant 0 : i32
    %dma_wait3A_709 = arith.constant 0 : i32
    %dma_wait3A_710 = tpu.memref_slice %arg12[%dma_wait3A_707, %dma_wait3A_708, %dma_wait3A_709] : memref<3x128x128xf32, #tpu.memory_space<vmem>> -> memref<1x128x128xf32, #tpu.memory_space<vmem>>
    %dma_wait3A_711 = tpu.memref_squeeze %dma_wait3A_710 : memref<1x128x128xf32, #tpu.memory_space<vmem>> -> memref<128x128xf32, #tpu.memory_space<vmem>>
    %dma_wait3A_712 = arith.constant 0 : i32
    %dma_wait3A_713 = tpu.memref_slice %arg10[%dma_wait3A_706, %dma_wait3A_712] : memref<16x128xi32, #tpu.memory_space<vmem>> -> memref<1x128xi32, #tpu.memory_space<vmem>>
    %dma_wait3A_714 = tpu.memref_squeeze %dma_wait3A_713 : memref<1x128xi32, #tpu.memory_space<vmem>> -> memref<128xi32, #tpu.memory_space<vmem>>
    %dma_wait3A_715 = arith.constant 0 : i32
    %dma_wait3A_716 = arith.constant 0 : i32
    %dma_wait3A_717 = tpu.memref_slice %arg5[%dma_wait3A_715, %dma_wait3A_716] : memref<100000x128xf32, #tpu.memory_space<hbm>> -> memref<100000x128xf32, #tpu.memory_space<hbm>>
    tpu.wait_indirect_dma semaphore(%arg13 : memref<!tpu.dma_semaphore, #tpu.memory_space<semaphore_mem>>) src(%dma_wait3A_717 : memref<100000x128xf32, #tpu.memory_space<hbm>>) dst(%dma_wait3A_711 : memref<128x128xf32, #tpu.memory_space<vmem>>)
    %scan3A_718 = arith.constant 0 : i32
    %scan3A_719 = arith.constant 0 : i32
    %scan3A_720 = arith.constant 128 : i32
    %scan3A_721 = arith.addi %scan3A_719, %scan3A_720 : i32
    %scan3A_722 = arith.constant 1 : i32
    scf.for %scan3A_770 = %scan3A_719 to %scan3A_721 step %scan3A_722  : i32 {
      %get3A = arith.constant 0 : i32
      %get3A_771 = arith.index_cast %get3A : i32 to index
      %get3A_772 = arith.index_cast %scan3A_770 : i32 to index
      %get3A_773 = arith.constant 0 : index
      %get3A_774 = tpu.vector_load %arg11[%get3A_771, %get3A_772, %get3A_773] {strides = array<i32>} : memref<3x128x128xf32, #tpu.memory_space<vmem>>, vector<1x1x16xf32>,
      %get3A_775 = vector.shape_cast %get3A_774 : vector<1x1x16xf32> to vector<16xf32>
      %get3A_776 = arith.constant 0 : i32
      %get3A_777 = arith.index_cast %get3A_776 : i32 to index
      %get3A_778 = arith.index_cast %scan3A_770 : i32 to index
      %get3A_779 = arith.constant 0 : index
      %get3A_780 = tpu.vector_load %arg12[%get3A_777, %get3A_778, %get3A_779] {strides = array<i32>} : memref<3x128x128xf32, #tpu.memory_space<vmem>>, vector<1x1x16xf32>,
      %get3A_781 = vector.shape_cast %get3A_780 : vector<1x1x16xf32> to vector<16xf32>
      %mul3A_782 = arith.mulf %get3A_775, %get3A_781 : vector<16xf32>
      %swap3A = arith.constant 0 : i32
      %swap3A_783 = arith.index_cast %swap3A : i32 to index
      %swap3A_784 = arith.index_cast %scan3A_770 : i32 to index
      %swap3A_785 = arith.constant 0 : index
      %swap3A_786 = tpu.vector_load %arg11[%swap3A_783, %swap3A_784, %swap3A_785] {strides = array<i32>} : memref<3x128x128xf32, #tpu.memory_space<vmem>>, vector<1x1x16xf32>,
      %swap3A_787 = vector.shape_cast %swap3A_786 : vector<1x1x16xf32> to vector<16xf32>
      %swap3A_788 = vector.shape_cast %mul3A_782 : vector<16xf32> to vector<1x1x16xf32>
      tpu.vector_store %arg11[%swap3A_783, %swap3A_784, %swap3A_785], %swap3A_788 {strides = array<i32>} : memref<3x128x128xf32, #tpu.memory_space<vmem>>, vector<1x1x16xf32>,
      %get3A_789 = arith.constant 0 : i32
      %get3A_790 = arith.index_cast %get3A_789 : i32 to index
      %get3A_791 = arith.index_cast %scan3A_770 : i32 to index
      %get3A_792 = arith.constant 16 : index
      %get3A_793 = tpu.vector_load %arg11[%get3A_790, %get3A_791, %get3A_792] {strides = array<i32>} : memref<3x128x128xf32, #tpu.memory_space<vmem>>, vector<1x1x16xf32>,
      %get3A_794 = vector.shape_cast %get3A_793 : vector<1x1x16xf32> to vector<16xf32>
      %get3A_795 = arith.constant 0 : i32
      %get3A_796 = arith.index_cast %get3A_795 : i32 to index
      %get3A_797 = arith.index_cast %scan3A_770 : i32 to index
      %get3A_798 = arith.constant 16 : index
      %get3A_799 = tpu.vector_load %arg12[%get3A_796, %get3A_797, %get3A_798] {strides = array<i32>} : memref<3x128x128xf32, #tpu.memory_space<vmem>>, vector<1x1x16xf32>,
      %get3A_800 = vector.shape_cast %get3A_799 : vector<1x1x16xf32> to vector<16xf32>
      %mul3A_801 = arith.mulf %get3A_794, %get3A_800 : vector<16xf32>
      %swap3A_802 = arith.constant 0 : i32
      %swap3A_803 = arith.index_cast %swap3A_802 : i32 to index
      %swap3A_804 = arith.index_cast %scan3A_770 : i32 to index
      %swap3A_805 = arith.constant 16 : index
      %swap3A_806 = tpu.vector_load %arg11[%swap3A_803, %swap3A_804, %swap3A_805] {strides = array<i32>} : memref<3x128x128xf32, #tpu.memory_space<vmem>>, vector<1x1x16xf32>,
      %swap3A_807 = vector.shape_cast %swap3A_806 : vector<1x1x16xf32> to vector<16xf32>
      %swap3A_808 = vector.shape_cast %mul3A_801 : vector<16xf32> to vector<1x1x16xf32>
      tpu.vector_store %arg11[%swap3A_803, %swap3A_804, %swap3A_805], %swap3A_808 {strides = array<i32>} : memref<3x128x128xf32, #tpu.memory_space<vmem>>, vector<1x1x16xf32>,
      %get3A_809 = arith.constant 0 : i32
      %get3A_810 = arith.index_cast %get3A_809 : i32 to index
      %get3A_811 = arith.index_cast %scan3A_770 : i32 to index
      %get3A_812 = arith.constant 32 : index
      %get3A_813 = tpu.vector_load %arg11[%get3A_810, %get3A_811, %get3A_812] {strides = array<i32>} : memref<3x128x128xf32, #tpu.memory_space<vmem>>, vector<1x1x16xf32>,
      %get3A_814 = vector.shape_cast %get3A_813 : vector<1x1x16xf32> to vector<16xf32>
      %get3A_815 = arith.constant 0 : i32
      %get3A_816 = arith.index_cast %get3A_815 : i32 to index
      %get3A_817 = arith.index_cast %scan3A_770 : i32 to index
      %get3A_818 = arith.constant 32 : index
      %get3A_819 = tpu.vector_load %arg12[%get3A_816, %get3A_817, %get3A_818] {strides = array<i32>} : memref<3x128x128xf32, #tpu.memory_space<vmem>>, vector<1x1x16xf32>,
      %get3A_820 = vector.shape_cast %get3A_819 : vector<1x1x16xf32> to vector<16xf32>
      %mul3A_821 = arith.mulf %get3A_814, %get3A_820 : vector<16xf32>
      %swap3A_822 = arith.constant 0 : i32
      %swap3A_823 = arith.index_cast %swap3A_822 : i32 to index
      %swap3A_824 = arith.index_cast %scan3A_770 : i32 to index
      %swap3A_825 = arith.constant 32 : index
      %swap3A_826 = tpu.vector_load %arg11[%swap3A_823, %swap3A_824, %swap3A_825] {strides = array<i32>} : memref<3x128x128xf32, #tpu.memory_space<vmem>>, vector<1x1x16xf32>,
      %swap3A_827 = vector.shape_cast %swap3A_826 : vector<1x1x16xf32> to vector<16xf32>
      %swap3A_828 = vector.shape_cast %mul3A_821 : vector<16xf32> to vector<1x1x16xf32>
      tpu.vector_store %arg11[%swap3A_823, %swap3A_824, %swap3A_825], %swap3A_828 {strides = array<i32>} : memref<3x128x128xf32, #tpu.memory_space<vmem>>, vector<1x1x16xf32>,
      %get3A_829 = arith.constant 0 : i32
      %get3A_830 = arith.index_cast %get3A_829 : i32 to index
      %get3A_831 = arith.index_cast %scan3A_770 : i32 to index
      %get3A_832 = arith.constant 48 : index
      %get3A_833 = tpu.vector_load %arg11[%get3A_830, %get3A_831, %get3A_832] {strides = array<i32>} : memref<3x128x128xf32, #tpu.memory_space<vmem>>, vector<1x1x16xf32>,
      %get3A_834 = vector.shape_cast %get3A_833 : vector<1x1x16xf32> to vector<16xf32>
      %get3A_835 = arith.constant 0 : i32
      %get3A_836 = arith.index_cast %get3A_835 : i32 to index
      %get3A_837 = arith.index_cast %scan3A_770 : i32 to index
      %get3A_838 = arith.constant 48 : index
      %get3A_839 = tpu.vector_load %arg12[%get3A_836, %get3A_837, %get3A_838] {strides = array<i32>} : memref<3x128x128xf32, #tpu.memory_space<vmem>>, vector<1x1x16xf32>,
      %get3A_840 = vector.shape_cast %get3A_839 : vector<1x1x16xf32> to vector<16xf32>
      %mul3A_841 = arith.mulf %get3A_834, %get3A_840 : vector<16xf32>
      %swap3A_842 = arith.constant 0 : i32
      %swap3A_843 = arith.index_cast %swap3A_842 : i32 to index
      %swap3A_844 = arith.index_cast %scan3A_770 : i32 to index
      %swap3A_845 = arith.constant 48 : index
      %swap3A_846 = tpu.vector_load %arg11[%swap3A_843, %swap3A_844, %swap3A_845] {strides = array<i32>} : memref<3x128x128xf32, #tpu.memory_space<vmem>>, vector<1x1x16xf32>,
      %swap3A_847 = vector.shape_cast %swap3A_846 : vector<1x1x16xf32> to vector<16xf32>
      %swap3A_848 = vector.shape_cast %mul3A_841 : vector<16xf32> to vector<1x1x16xf32>
      tpu.vector_store %arg11[%swap3A_843, %swap3A_844, %swap3A_845], %swap3A_848 {strides = array<i32>} : memref<3x128x128xf32, #tpu.memory_space<vmem>>, vector<1x1x16xf32>,
      %get3A_849 = arith.constant 0 : i32
      %get3A_850 = arith.index_cast %get3A_849 : i32 to index
      %get3A_851 = arith.index_cast %scan3A_770 : i32 to index
      %get3A_852 = arith.constant 64 : index
      %get3A_853 = tpu.vector_load %arg11[%get3A_850, %get3A_851, %get3A_852] {strides = array<i32>} : memref<3x128x128xf32, #tpu.memory_space<vmem>>, vector<1x1x16xf32>,
      %get3A_854 = vector.shape_cast %get3A_853 : vector<1x1x16xf32> to vector<16xf32>
      %get3A_855 = arith.constant 0 : i32
      %get3A_856 = arith.index_cast %get3A_855 : i32 to index
      %get3A_857 = arith.index_cast %scan3A_770 : i32 to index
      %get3A_858 = arith.constant 64 : index
      %get3A_859 = tpu.vector_load %arg12[%get3A_856, %get3A_857, %get3A_858] {strides = array<i32>} : memref<3x128x128xf32, #tpu.memory_space<vmem>>, vector<1x1x16xf32>,
      %get3A_860 = vector.shape_cast %get3A_859 : vector<1x1x16xf32> to vector<16xf32>
      %mul3A_861 = arith.mulf %get3A_854, %get3A_860 : vector<16xf32>
      %swap3A_862 = arith.constant 0 : i32
      %swap3A_863 = arith.index_cast %swap3A_862 : i32 to index
      %swap3A_864 = arith.index_cast %scan3A_770 : i32 to index
      %swap3A_865 = arith.constant 64 : index
      %swap3A_866 = tpu.vector_load %arg11[%swap3A_863, %swap3A_864, %swap3A_865] {strides = array<i32>} : memref<3x128x128xf32, #tpu.memory_space<vmem>>, vector<1x1x16xf32>,
      %swap3A_867 = vector.shape_cast %swap3A_866 : vector<1x1x16xf32> to vector<16xf32>
      %swap3A_868 = vector.shape_cast %mul3A_861 : vector<16xf32> to vector<1x1x16xf32>
      tpu.vector_store %arg11[%swap3A_863, %swap3A_864, %swap3A_865], %swap3A_868 {strides = array<i32>} : memref<3x128x128xf32, #tpu.memory_space<vmem>>, vector<1x1x16xf32>,
      %get3A_869 = arith.constant 0 : i32
      %get3A_870 = arith.index_cast %get3A_869 : i32 to index
      %get3A_871 = arith.index_cast %scan3A_770 : i32 to index
      %get3A_872 = arith.constant 80 : index
      %get3A_873 = tpu.vector_load %arg11[%get3A_870, %get3A_871, %get3A_872] {strides = array<i32>} : memref<3x128x128xf32, #tpu.memory_space<vmem>>, vector<1x1x16xf32>,
      %get3A_874 = vector.shape_cast %get3A_873 : vector<1x1x16xf32> to vector<16xf32>
      %get3A_875 = arith.constant 0 : i32
      %get3A_876 = arith.index_cast %get3A_875 : i32 to index
      %get3A_877 = arith.index_cast %scan3A_770 : i32 to index
      %get3A_878 = arith.constant 80 : index
      %get3A_879 = tpu.vector_load %arg12[%get3A_876, %get3A_877, %get3A_878] {strides = array<i32>} : memref<3x128x128xf32, #tpu.memory_space<vmem>>, vector<1x1x16xf32>,
      %get3A_880 = vector.shape_cast %get3A_879 : vector<1x1x16xf32> to vector<16xf32>
      %mul3A_881 = arith.mulf %get3A_874, %get3A_880 : vector<16xf32>
      %swap3A_882 = arith.constant 0 : i32
      %swap3A_883 = arith.index_cast %swap3A_882 : i32 to index
      %swap3A_884 = arith.index_cast %scan3A_770 : i32 to index
      %swap3A_885 = arith.constant 80 : index
      %swap3A_886 = tpu.vector_load %arg11[%swap3A_883, %swap3A_884, %swap3A_885] {strides = array<i32>} : memref<3x128x128xf32, #tpu.memory_space<vmem>>, vector<1x1x16xf32>,
      %swap3A_887 = vector.shape_cast %swap3A_886 : vector<1x1x16xf32> to vector<16xf32>
      %swap3A_888 = vector.shape_cast %mul3A_881 : vector<16xf32> to vector<1x1x16xf32>
      tpu.vector_store %arg11[%swap3A_883, %swap3A_884, %swap3A_885], %swap3A_888 {strides = array<i32>} : memref<3x128x128xf32, #tpu.memory_space<vmem>>, vector<1x1x16xf32>,
      %get3A_889 = arith.constant 0 : i32
      %get3A_890 = arith.index_cast %get3A_889 : i32 to index
      %get3A_891 = arith.index_cast %scan3A_770 : i32 to index
      %get3A_892 = arith.constant 96 : index
      %get3A_893 = tpu.vector_load %arg11[%get3A_890, %get3A_891, %get3A_892] {strides = array<i32>} : memref<3x128x128xf32, #tpu.memory_space<vmem>>, vector<1x1x16xf32>,
      %get3A_894 = vector.shape_cast %get3A_893 : vector<1x1x16xf32> to vector<16xf32>
      %get3A_895 = arith.constant 0 : i32
      %get3A_896 = arith.index_cast %get3A_895 : i32 to index
      %get3A_897 = arith.index_cast %scan3A_770 : i32 to index
      %get3A_898 = arith.constant 96 : index
      %get3A_899 = tpu.vector_load %arg12[%get3A_896, %get3A_897, %get3A_898] {strides = array<i32>} : memref<3x128x128xf32, #tpu.memory_space<vmem>>, vector<1x1x16xf32>,
      %get3A_900 = vector.shape_cast %get3A_899 : vector<1x1x16xf32> to vector<16xf32>
      %mul3A_901 = arith.mulf %get3A_894, %get3A_900 : vector<16xf32>
      %swap3A_902 = arith.constant 0 : i32
      %swap3A_903 = arith.index_cast %swap3A_902 : i32 to index
      %swap3A_904 = arith.index_cast %scan3A_770 : i32 to index
      %swap3A_905 = arith.constant 96 : index
      %swap3A_906 = tpu.vector_load %arg11[%swap3A_903, %swap3A_904, %swap3A_905] {strides = array<i32>} : memref<3x128x128xf32, #tpu.memory_space<vmem>>, vector<1x1x16xf32>,
      %swap3A_907 = vector.shape_cast %swap3A_906 : vector<1x1x16xf32> to vector<16xf32>
      %swap3A_908 = vector.shape_cast %mul3A_901 : vector<16xf32> to vector<1x1x16xf32>
      tpu.vector_store %arg11[%swap3A_903, %swap3A_904, %swap3A_905], %swap3A_908 {strides = array<i32>} : memref<3x128x128xf32, #tpu.memory_space<vmem>>, vector<1x1x16xf32>,
      %get3A_909 = arith.constant 0 : i32
      %get3A_910 = arith.index_cast %get3A_909 : i32 to index
      %get3A_911 = arith.index_cast %scan3A_770 : i32 to index
      %get3A_912 = arith.constant 112 : index
      %get3A_913 = tpu.vector_load %arg11[%get3A_910, %get3A_911, %get3A_912] {strides = array<i32>} : memref<3x128x128xf32, #tpu.memory_space<vmem>>, vector<1x1x16xf32>,
      %get3A_914 = vector.shape_cast %get3A_913 : vector<1x1x16xf32> to vector<16xf32>
      %get3A_915 = arith.constant 0 : i32
      %get3A_916 = arith.index_cast %get3A_915 : i32 to index
      %get3A_917 = arith.index_cast %scan3A_770 : i32 to index
      %get3A_918 = arith.constant 112 : index
      %get3A_919 = tpu.vector_load %arg12[%get3A_916, %get3A_917, %get3A_918] {strides = array<i32>} : memref<3x128x128xf32, #tpu.memory_space<vmem>>, vector<1x1x16xf32>,
      %get3A_920 = vector.shape_cast %get3A_919 : vector<1x1x16xf32> to vector<16xf32>
      %mul3A_921 = arith.mulf %get3A_914, %get3A_920 : vector<16xf32>
      %swap3A_922 = arith.constant 0 : i32
      %swap3A_923 = arith.index_cast %swap3A_922 : i32 to index
      %swap3A_924 = arith.index_cast %scan3A_770 : i32 to index
      %swap3A_925 = arith.constant 112 : index
      %swap3A_926 = tpu.vector_load %arg11[%swap3A_923, %swap3A_924, %swap3A_925] {strides = array<i32>} : memref<3x128x128xf32, #tpu.memory_space<vmem>>, vector<1x1x16xf32>,
      %swap3A_927 = vector.shape_cast %swap3A_926 : vector<1x1x16xf32> to vector<16xf32>
      %swap3A_928 = vector.shape_cast %mul3A_921 : vector<16xf32> to vector<1x1x16xf32>
      tpu.vector_store %arg11[%swap3A_923, %swap3A_924, %swap3A_925], %swap3A_928 {strides = array<i32>} : memref<3x128x128xf32, #tpu.memory_space<vmem>>, vector<1x1x16xf32>,
    }
    %scan3A_723 = arith.constant 128 : i32
    %dma_wait3A_724 = arith.constant 2 : i32
    %dma_wait3A_725 = arith.constant 0 : i32
    %dma_wait3A_726 = arith.constant 0 : i32
    %dma_wait3A_727 = tpu.memref_slice %arg11[%dma_wait3A_724, %dma_wait3A_725, %dma_wait3A_726] : memref<3x128x128xf32, #tpu.memory_space<vmem>> -> memref<1x128x128xf32, #tpu.memory_space<vmem>>
    %dma_wait3A_728 = tpu.memref_squeeze %dma_wait3A_727 : memref<1x128x128xf32, #tpu.memory_space<vmem>> -> memref<128x128xf32, #tpu.memory_space<vmem>>
    %dma_wait3A_729 = arith.constant 0 : i32
    %dma_wait3A_730 = arith.constant 0 : i32
    %dma_wait3A_731 = tpu.memref_slice %arg6[%dma_wait3A_729, %dma_wait3A_730] : memref<65536x128xf32, #tpu.memory_space<hbm>> -> memref<128x128xf32, #tpu.memory_space<hbm>>
    %dma_wait3A_732 = arith.constant 0 : i32
    %dma_wait3A_733 = arith.constant 0 : i32
    %dma_wait3A_734 = tpu.memref_slice %arg6[%dma_wait3A_732, %dma_wait3A_733] : memref<65536x128xf32, #tpu.memory_space<hbm>> -> memref<128x128xf32, #tpu.memory_space<hbm>>
    %dma_wait3A_735 = arith.constant 0 : i32
    %dma_wait3A_736 = arith.constant 0 : i32
    %dma_wait3A_737 = tpu.memref_slice %arg11[%dma_wait3A_724, %dma_wait3A_735, %dma_wait3A_736] : memref<3x128x128xf32, #tpu.memory_space<vmem>> -> memref<1x128x128xf32, #tpu.memory_space<vmem>>
    %dma_wait3A_738 = tpu.memref_squeeze %dma_wait3A_737 : memref<1x128x128xf32, #tpu.memory_space<vmem>> -> memref<128x128xf32, #tpu.memory_space<vmem>>
    tpu.wait_dma2 semaphore(%arg18 : memref<!tpu.dma_semaphore, #tpu.memory_space<semaphore_mem>>) src(%dma_wait3A_738 : memref<128x128xf32, #tpu.memory_space<vmem>>) dst(%dma_wait3A_734 : memref<128x128xf32, #tpu.memory_space<hbm>>)
    %add3A_739 = arith.constant 1920 : i32
    %add3A_740 = arith.addi %multiple_of3A, %add3A_739 : i32
    %multiple_of3A_741 = tpu.assume_multiple %add3A_740, 128 : i32
    %dma_start3A_742 = arith.constant 0 : i32
    %dma_start3A_743 = arith.constant 0 : i32
    %dma_start3A_744 = arith.constant 0 : i32
    %dma_start3A_745 = tpu.memref_slice %arg11[%dma_start3A_742, %dma_start3A_743, %dma_start3A_744] : memref<3x128x128xf32, #tpu.memory_space<vmem>> -> memref<1x128x128xf32, #tpu.memory_space<vmem>>
    %dma_start3A_746 = tpu.memref_squeeze %dma_start3A_745 : memref<1x128x128xf32, #tpu.memory_space<vmem>> -> memref<128x128xf32, #tpu.memory_space<vmem>>
    %dma_start3A_747 = arith.constant 0 : i32
    %dma_start3A_748 = tpu.memref_slice %arg6[%multiple_of3A_741, %dma_start3A_747] : memref<65536x128xf32, #tpu.memory_space<hbm>> -> memref<128x128xf32, #tpu.memory_space<hbm>>
    %dma_start3A_749 = arith.constant 0 : i32
    %dma_start3A_750 = tpu.memref_slice %arg6[%multiple_of3A_741, %dma_start3A_749] : memref<65536x128xf32, #tpu.memory_space<hbm>> -> memref<128x128xf32, #tpu.memory_space<hbm>>
    %dma_start3A_751 = arith.constant 0 : i32
    %dma_start3A_752 = arith.constant 0 : i32
    %dma_start3A_753 = tpu.memref_slice %arg11[%dma_start3A_742, %dma_start3A_751, %dma_start3A_752] : memref<3x128x128xf32, #tpu.memory_space<vmem>> -> memref<1x128x128xf32, #tpu.memory_space<vmem>>
    %dma_start3A_754 = tpu.memref_squeeze %dma_start3A_753 : memref<1x128x128xf32, #tpu.memory_space<vmem>> -> memref<128x128xf32, #tpu.memory_space<vmem>>
    tpu.enqueue_dma source(%dma_start3A_754 : memref<128x128xf32, #tpu.memory_space<vmem>>) target(%dma_start3A_750 : memref<128x128xf32, #tpu.memory_space<hbm>>) target_semaphore(%arg16 : memref<!tpu.dma_semaphore, #tpu.memory_space<semaphore_mem>>)
    %dma_wait3A_755 = arith.constant 0 : i32
    %dma_wait3A_756 = arith.constant 0 : i32
    %dma_wait3A_757 = arith.constant 0 : i32
    %dma_wait3A_758 = tpu.memref_slice %arg11[%dma_wait3A_755, %dma_wait3A_756, %dma_wait3A_757] : memref<3x128x128xf32, #tpu.memory_space<vmem>> -> memref<1x128x128xf32, #tpu.memory_space<vmem>>
    %dma_wait3A_759 = tpu.memref_squeeze %dma_wait3A_758 : memref<1x128x128xf32, #tpu.memory_space<vmem>> -> memref<128x128xf32, #tpu.memory_space<vmem>>
    %dma_wait3A_760 = arith.constant 0 : i32
    %dma_wait3A_761 = arith.constant 0 : i32
    %dma_wait3A_762 = tpu.memref_slice %arg6[%dma_wait3A_760, %dma_wait3A_761] : memref<65536x128xf32, #tpu.memory_space<hbm>> -> memref<128x128xf32, #tpu.memory_space<hbm>>
    %dma_wait3A_763 = arith.constant 0 : i32
    %dma_wait3A_764 = arith.constant 0 : i32
    %dma_wait3A_765 = tpu.memref_slice %arg6[%dma_wait3A_763, %dma_wait3A_764] : memref<65536x128xf32, #tpu.memory_space<hbm>> -> memref<128x128xf32, #tpu.memory_space<hbm>>
    %dma_wait3A_766 = arith.constant 0 : i32
    %dma_wait3A_767 = arith.constant 0 : i32
    %dma_wait3A_768 = tpu.memref_slice %arg11[%dma_wait3A_755, %dma_wait3A_766, %dma_wait3A_767] : memref<3x128x128xf32, #tpu.memory_space<vmem>> -> memref<1x128x128xf32, #tpu.memory_space<vmem>>
    %dma_wait3A_769 = tpu.memref_squeeze %dma_wait3A_768 : memref<1x128x128xf32, #tpu.memory_space<vmem>> -> memref<128x128xf32, #tpu.memory_space<vmem>>
    tpu.wait_dma2 semaphore(%arg16 : memref<!tpu.dma_semaphore, #tpu.memory_space<semaphore_mem>>) src(%dma_wait3A_769 : memref<128x128xf32, #tpu.memory_space<vmem>>) dst(%dma_wait3A_765 : memref<128x128xf32, #tpu.memory_space<hbm>>)
    return
  }
}

module attributes {stable_mosaic.version = 14 : i64} {
  func.func @body(%arg0: i32, %arg1: memref<1x1x16384xi32, #tpu.memory_space<vmem>>, %arg2: memref<16384x128xf32, #tpu.memory_space<vmem>>, %arg3: memref<64x128xf32, #tpu.memory_space<vmem>>, %arg4: memref<128x64xf32, #tpu.memory_space<vmem>>, %arg5: memref<64x1xf32, #tpu.memory_space<vmem>>, %arg6: memref<64x16384xf32, #tpu.memory_space<vmem>>) attributes {dimension_semantics = [#tpu.dimension_semantics<arbitrary>], iteration_bounds = array<i64: 4>, scalar_prefetch = 0 : i64, scratch_operands = 0 : i64, tpu.core_type = #tpu.core_type<tc>, window_params = [{transform_indices = @transform_0, window_bounds = array<i64: 1, 1, 16384>}, {transform_indices = @transform_1, window_bounds = array<i64: 16384, 128>}, {pipeline_mode = #tpu.pipeline_mode<synchronous>, transform_indices = @transform_2, window_bounds = array<i64: 64, 128>}, {pipeline_mode = #tpu.pipeline_mode<synchronous>, transform_indices = @transform_3, window_bounds = array<i64: 128, 64>}, {pipeline_mode = #tpu.pipeline_mode<synchronous>, transform_indices = @transform_4, window_bounds = array<i64: 64, 1>}, {transform_indices = @transform_5, window_bounds = array<i64: 64, 16384>}]} {
    %get3A = arith.constant 0 : index
    %get3A_0 = arith.constant 0 : index
    %get3A_1 = arith.constant 0 : index
    %get3A_2 = vector.load %arg1[%get3A, %get3A_0, %get3A_1] : memref<1x1x16384xi32, #tpu.memory_space<vmem>>, vector<1x1x16384xi32>
    %get3A_3 = vector.shape_cast %get3A_2 : vector<1x1x16384xi32> to vector<16384xi32>
    %broadcast_in_dim3A = vector.shape_cast %get3A_3 : vector<16384xi32> to vector<16384x1xi32>
    %iota3A = tpu.iota {dimensions = array<i32: 1>} : vector<16384x64xi32>
    %eq3A = vector.broadcast %broadcast_in_dim3A : vector<16384x1xi32> to vector<16384x64xi32>
    %eq3A_4 = arith.cmpi eq, %eq3A, %iota3A : vector<16384x64xi32>
    %convert_element_type3A = arith.extui %eq3A_4 : vector<16384x64xi1> to vector<16384x64xi32>
    %convert_element_type3A_5 = arith.sitofp %convert_element_type3A : vector<16384x64xi32> to vector<16384x64xf32>
    %get3A_6 = arith.constant 0 : index
    %get3A_7 = arith.constant 0 : index
    %get3A_8 = vector.load %arg3[%get3A_6, %get3A_7] : memref<64x128xf32, #tpu.memory_space<vmem>>, vector<64x128xf32>
    %dot_general3A = arith.constant dense<0.000000e+00> : vector<16384x128xf32>
    %dot_general3A_9 = tpu.matmul %convert_element_type3A_5, %get3A_8, %dot_general3A {dimension_numbers = #tpu.dot_dimension_numbers<[1], [0], [0], [1], [0, 0, 1, 1], [], []>, transpose_lhs_hint = false} : vector<16384x64xf32>, vector<64x128xf32>, vector<16384x128xf32> -> vector<16384x128xf32>
    %get3A_10 = arith.constant 0 : index
    %get3A_11 = arith.constant 0 : index
    %get3A_12 = vector.load %arg2[%get3A_10, %get3A_11] : memref<16384x128xf32, #tpu.memory_space<vmem>>, vector<16384x128xf32>
    %mul3A = arith.mulf %get3A_12, %dot_general3A_9 : vector<16384x128xf32>
    %get3A_13 = arith.constant 0 : index
    %get3A_14 = arith.constant 0 : index
    %get3A_15 = vector.load %arg4[%get3A_13, %get3A_14] : memref<128x64xf32, #tpu.memory_space<vmem>>, vector<128x64xf32>
    %dot_general3A_16 = arith.constant dense<0.000000e+00> : vector<64x16384xf32>
    %dot_general3A_17 = tpu.matmul %get3A_15, %mul3A, %dot_general3A_16 {dimension_numbers = #tpu.dot_dimension_numbers<[0], [1], [1], [0], [0, 1, 1, 0], [], []>, transpose_lhs_hint = false} : vector<128x64xf32>, vector<16384x128xf32>, vector<64x16384xf32> -> vector<64x16384xf32>
    %get3A_18 = arith.constant 0 : index
    %get3A_19 = arith.constant 0 : index
    %get3A_20 = vector.load %arg5[%get3A_18, %get3A_19] : memref<64x1xf32, #tpu.memory_space<vmem>>, vector<64x1xf32>
    %add3A = vector.broadcast %get3A_20 : vector<64x1xf32> to vector<64x16384xf32>
    %add3A_21 = arith.addf %dot_general3A_17, %add3A : vector<64x16384xf32>
    %tanh3A = math.tanh %add3A_21 : vector<64x16384xf32>
    %swap3A = arith.constant 0 : index
    %swap3A_22 = arith.constant 0 : index
    %swap3A_23 = vector.load %arg6[%swap3A, %swap3A_22] : memref<64x16384xf32, #tpu.memory_space<vmem>>, vector<64x16384xf32>
    tpu.vector_store %arg6[%swap3A, %swap3A_22], %tanh3A {strides = array<i32>} : memref<64x16384xf32, #tpu.memory_space<vmem>>, vector<64x16384xf32>,
    return
  }
  func.func @transform_0(%arg0: i32) -> (i32, i32, i32) {
    %c0_i32 = arith.constant 0 : i32
    %c0_i32_0 = arith.constant 0 : i32
    %c0_i32_1 = arith.constant 0 : i32
    return %arg0, %c0_i32, %c0_i32_0 : i32, i32, i32
  }
  func.func @transform_1(%arg0: i32) -> (i32, i32) {
    %c0_i32 = arith.constant 0 : i32
    %c0_i32_0 = arith.constant 0 : i32
    return %arg0, %c0_i32 : i32, i32
  }
  func.func @transform_2(%arg0: i32) -> (i32, i32) {
    %c0_i32 = arith.constant 0 : i32
    %c0_i32_0 = arith.constant 0 : i32
    %c0_i32_1 = arith.constant 0 : i32
    return %c0_i32, %c0_i32_0 : i32, i32
  }
  func.func @transform_3(%arg0: i32) -> (i32, i32) {
    %c0_i32 = arith.constant 0 : i32
    %c0_i32_0 = arith.constant 0 : i32
    %c0_i32_1 = arith.constant 0 : i32
    return %c0_i32, %c0_i32_0 : i32, i32
  }
  func.func @transform_4(%arg0: i32) -> (i32, i32) {
    %c0_i32 = arith.constant 0 : i32
    %c0_i32_0 = arith.constant 0 : i32
    %c0_i32_1 = arith.constant 0 : i32
    return %c0_i32, %c0_i32_0 : i32, i32
  }
  func.func @transform_5(%arg0: i32) -> (i32, i32) {
    %c0_i32 = arith.constant 0 : i32
    %c0_i32_0 = arith.constant 0 : i32
    return %c0_i32, %arg0 : i32, i32
  }
}

</mosaic_0001>

<sc_bundles>
// kernel: kernel.4.cloned.1.call-start
scs
__scs_entry_jumppad:
0x0: {  	(pc) =	sbr.rel $0x88, $3  }
0x1: {  	(tag) =	ssettag $0x0;
	lr =	simm.s32 $0x1  }
0x2: {  	[smem:$0x3F99] =	sst lr;
	_ =	strace $0xD0000000  }
0x3: {  	_ = 	snop  }
0x4: {  	_ = 	snop  }
0x5: {  	_ = 	snop  }
0x6: {  	_ = 	snop  }
0x7: {  	_ = 	snop  }
__scs_overlays_trampoline_lowered:
0x8: {  	[smem:$0x3FA8] =	sst s0  }
0x9: {  	[smem:$0x3FA9] =	sst s1  }
0xa: {  	[smem:$0x3FAA] =	sst s2  }
0xb: {  	[smem:$0x3FAB] =	sst s3  }
0xc: {  	[smem:$0x3FAC] =	sst s4  }
0xd: {  	[smem:$0x3FAD] =	sst s5  }
0xe: {  	[smem:$0x3FAE] =	sst s6  }
0xf: {  	[smem:$0x3FAF] =	sst s7  }
0x10: {  	[smem:$0x3FB0] =	sst s8  }
0x11: {  	[smem:$0x3FB1] =	sst s9;
	s0 =	simm.s32 @!p0 $0x0  }
0x12: {  	s1 =	sld [smem:$0x3F97];
	s0 =	simm.s32 @p0 $0x1  }
0x13: {  	[smem:$0x3FB2] =	sst s0;
	s0 =	simm.s32 @!p1 $0x0  }
0x14: {  	s2 =	sld [smem:$0x3F96];
	s0 =	simm.s32 @p1 $0x1  }
0x15: {  	[smem:$0x3FB3] =	sst s0;
	s0 =	simm.s32 @!p2 $0x0  }
0x16: {  	s3 =	sld [smem:$0x3FDB];
	s0 =	simm.s32 @p2 $0x1  }
0x17: {  	s4 =	simm.s32 $0x1BF5;
	[smem:$0x3FB5] =	sst s0  }
0x18: {  	s0 =	sld [smem:$0x3F98];
	_ =	swait.ge [sflag:s4], $0x0  }
0x19: {  	s7 =	sld [smem:$0x3F99]  }
0x1a: {  	s8 =	sadd.s32 $0xFFFFE003, lr  }
0x1b: {  	s9 =	sadd.s32 $0xFFFFFEF7, lr;
	s5 =	simm.s32 $0xFFFFFFFF;
	p2 =	slt.u32 s8, $0xFFFFF086  }
0x1c: {  	p1 =	slt.u32 s9, $0xF7A;
	s5 =	simm.s32 @!p2 $0x0  }
0x1d: {  	s5 =	simm.s32 @p1 $0x1;
	p0 =	seq.s32 s7, s2  }
0x1e: {  	s7 =	smul.u32 @!p0 $0xF7A, s2;
	p2 =	seq.s32 @!p0 s5, $0x0  }
0x1f: {  	s9 =	smul.u32 $0xF7A, s1;
	s8 =	simm.s32 @!p0 $0x1BF5;
	p2 =	por !p2, p0  }
0x20: {  	[sflag:s8] =	ssyncset.s32 @!p0 $0xFFFFF086;
	s6 =	sadd.s32 @!p0 s3, s7;
	s7 =	simm.s32 @!p0 $0x108  }
0x21: {  	s3 =	sadd.s32 s3, s9;
	s6 =	sadd.s32 @!p0 $0x88, s6;
	s7 =	simm.s32 @p2 $0x1082  }
0x22: {  	[simem:s7], [sflag:s8] =	dma.local @!p0 [hbm:s6], $0xF7A  }
0x23: {  	s9 =	sor.u32 $0xD0000000, s2;
	s6 =	simm.s32 $0x108;
	_ =	swait.ge @!p0 [sflag:s8], $0x0  }
0x24: {  	s3 =	sadd.s32 $0x88, s3;
	s6 =	simm.s32 @!p1 $0x1082;
	[sflag:s4] =	ssyncset.s32 $0xFFFFF086  }
0x25: {  	[simem:s6], [sflag:s4] =	dma.local [hbm:s3], $0xF7A  }
0x26: {  	[smem:$0x3F99] =	sst s1;
	(tag) =	ssettag s2;
	_ =	strace s9  }
0x27: {  	s1 =	sld [smem:$0x3FA9]  }
0x28: {  	s2 =	sld [smem:$0x3FAA]  }
0x29: {  	s4 =	sld [smem:$0x3FAC]  }
0x2a: {  	p0 =	seq.s32 s5, $0x0;
	s5 =	sld [smem:$0x3FAD]  }
0x2b: {  	s6 =	sld [smem:$0x3FAE]  }
0x2c: {  	s7 =	sld [smem:$0x3FAF]  }
0x2d: {  	s3 =	simm.s32 $0x108;
	s8 =	sld [smem:$0x3FB0]  }
0x2e: {  	s3 =	simm.s32 @!p0 $0x1082;
	s9 =	sld [smem:$0x3FB1]  }
0x2f: {  	lr =	sadd.s32 s0, s3;
	s0 =	sld [smem:$0x3FA8]  }
0x30: {  	s3 =	sld [smem:$0x3FAB]  }
0x31: {  	[smem:$0x3FB4] =	sst s10  }
0x32: {  	s10 =	sld [smem:$0x3FB2];
	_ =	sdelay $0x3  }
0x33: {  	p0 =	seq.s32 s10, $0x1;
	s10 =	sld [smem:$0x3FB4];
	_ =	sdelay $0x3  }
0x34: {  	[smem:$0x3FB4] =	sst s10  }
0x35: {  	s10 =	sld [smem:$0x3FB3];
	_ =	sdelay $0x3  }
0x36: {  	p1 =	seq.s32 s10, $0x1;
	s10 =	sld [smem:$0x3FB4];
	_ =	sdelay $0x3  }
0x37: {  	[smem:$0x3FB4] =	sst s10  }
0x38: {  	s10 =	sld [smem:$0x3FB5]  }
0x39: {  	_ = 	snop;
	(pc) =	sbr.ind lr, $3  }
0x3a: {  	_ = 	snop  }
0x3b: {  	_ = 	snop  }
0x3c: {  	p2 =	seq.s32 s10, $0x1;
	s10 =	sld [smem:$0x3FB4]  }
0x3d: {  	_ =	shalt  }
0x3e: {  	_ =	shalt  }
0x3f: {  	_ =	shalt  }
0x40: {  	_ =	shalt  }
0x41: {  	_ =	shalt  }
0x42: {  	_ =	shalt  }
0x43: {  	_ =	shalt  }
0x44: {  	_ =	shalt  }
0x45: {  	_ =	shalt  }
0x46: {  	_ =	shalt  }
0x47: {  	_ =	shalt  }
0x48: {  	_ =	shalt  }
0x49: {  	_ =	shalt  }
0x4a: {  	_ =	shalt  }
0x4b: {  	_ =	shalt  }
0x4c: {  	_ =	shalt  }
0x4d: {  	_ =	shalt  }
0x4e: {  	_ =	shalt  }
0x4f: {  	_ =	shalt  }
0x50: {  	_ =	shalt  }
0x51: {  	_ =	shalt  }
0x52: {  	_ =	shalt  }
0x53: {  	_ =	shalt  }
0x54: {  	_ =	shalt  }
0x55: {  	_ =	shalt  }
0x56: {  	_ =	shalt  }
0x57: {  	_ =	shalt  }
0x58: {  	_ =	shalt  }
0x59: {  	_ =	shalt  }
0x5a: {  	_ =	shalt  }
0x5b: {  	_ =	shalt  }
0x5c: {  	_ =	shalt  }
0x5d: {  	_ =	shalt  }
0x5e: {  	_ =	shalt  }
0x5f: {  	_ =	shalt  }
0x60: {  	_ =	shalt  }
0x61: {  	_ =	shalt  }
0x62: {  	_ =	shalt  }
0x63: {  	_ =	shalt  }
0x64: {  	_ =	shalt  }
0x65: {  	_ =	shalt  }
0x66: {  	_ =	shalt  }
0x67: {  	_ =	shalt  }
0x68: {  	_ =	shalt  }
0x69: {  	_ =	shalt  }
0x6a: {  	_ =	shalt  }
0x6b: {  	_ =	shalt  }
0x6c: {  	_ =	shalt  }
0x6d: {  	_ =	shalt  }
0x6e: {  	_ =	shalt  }
0x6f: {  	_ =	shalt  }
0x70: {  	_ =	shalt  }
0x71: {  	_ =	shalt  }
0x72: {  	_ =	shalt  }
0x73: {  	_ =	shalt  }
0x74: {  	_ =	shalt  }
0x75: {  	_ =	shalt  }
0x76: {  	_ =	shalt  }
0x77: {  	_ =	shalt  }
0x78: {  	_ =	shalt  }
0x79: {  	_ =	shalt  }
0x7a: {  	_ =	shalt  }
0x7b: {  	_ =	shalt  }
0x7c: {  	_ =	shalt  }
0x7d: {  	_ =	shalt  }
0x7e: {  	_ =	shalt  }
0x7f: {  	_ =	shalt  }
0x80: {  	_ =	shalt  }
0x81: {  	_ =	shalt  }
0x82: {  	_ =	shalt  }
0x83: {  	_ =	shalt  }
0x84: {  	_ =	shalt  }
0x85: {  	_ =	shalt  }
0x86: {  	_ =	shalt  }
0x87: {  	_ =	shalt  }
.Lfunc_end0:
.L_simem_size_0:
called_computation_lowered:
.L_overlay_start_0:
0x88: {  	s2 =	sld [smem:$0x3FD9]  }
0x89: {  	s3 =	sld [smem:$0x3FFE];
	_ =	sdelay $0x1  }
0x8a: {  	s1 =	srdreg.scid  }
0x8b: {  	s0 =	sand.u32 $0x1, s1  }
0x8c: {  	s17 =	sshll.u32 s0, $0xA;
	s2 =	sadd.s32 s3, s2  }
0x8d: {  	s2 =	sadd.s32 s2, s17  }
0x8e: {  	[smem:$0x3FC0] =	sst s2  }
0x8f: {  	_ = 	snop  }
0x90: {  	s2 =	sld [smem:$0x3FC9]  }
0x91: {  	s18 =	sld [smem:$0x3FC7]  }
0x92: {  	s4 =	sld [smem:$0x3FC6]  }
0x93: {  	s5 =	sld [smem:$0x3FC5];
	(tm) =	ssettm $0x1  }
0x94: {  	s6 =	sld [smem:$0x3FFB];
	_ =	sdelay $0x3  }
0x95: {  	_ =	strace s6  }
0x96: {  	s6 =	sld [smem:$0x3FFC];
	_ =	sdelay $0x3  }
0x97: {  	_ =	strace s6  }
0x98: {  	s6 =	sld [smem:$0x3FFD];
	_ =	sdelay $0x3  }
0x99: {  	_ =	strace s6  }
0x9a: {  	_ =	strace $0x8FFFFFFF  }
0x9b: {  	s19 =	sld [smem:$0x3FDB];
	_ =	sdelay $0x1  }
0x9c: {  	s7 =	simm.s32 $_scs_section_size  }
0x9d: {  	s8 =	simm.s32 $_size__tile_overlayer_lowered;
	s9 =	simm.s32 $_tile_overlayer_lowered  }
0x9e: {  	s22 =	simm.s32 $0x1BFF;
	s21 =	sshll.u32 s9, $0x1;
	s6 =	sadd.s32 s7, s19  }
0x9f: {  	s10 =	simm.s32 $0x0;
	s20 =	sshll.u32 s8, $0x1;
	s8 =	sadd.s32 s21, s6  }
0xa0: {  	[timem:s10], [sflag:s22] =	dma.local [hbm:s8], s20  }
0xa1: {  	_ =	swait.ge [sflag:s22], s20  }
0xa2: {  	s7 =	ssub.s32 $0x0, s20;
	[sflag:s22] =	ssyncset.done $0x0  }
0xa3: {  	[sflag:s22] =	ssyncadd.s32 s7;
	_ =	sdelay $0x1  }
0xa4: {  	s23 =	simm.s32 $0x1B8B  }
0xa5: {  	_ =	swait.ge [sflag:s23], $0x1  }
0xa6: {  	[sflag:s23] =	ssyncset.done $0x0  }
0xa7: {  	s25 =	simm.s32 $0x1B8E;
	s24 =	sld [smem:$0x3FFE];
	[sflag:s23] =	ssyncadd.s32 $0xFFFFFFFF  }
0xa8: {  	s26 =	simm.s32 $execute0_lowered;
	[smem:$0x3FD2] =	sst s25  }
0xa9: {  	s8 =	sshll.u32 s26, $0x1;
	_ =	strace $0x80000046;
	[dreg:$0x1] =	wrdreg $0xFFFFFFFF  }
0xaa: {  	s28 =	simm.s32 $_size_execute0_lowered;
	s6 =	sadd.s32 s6, s8;
	[dreg:$0x0] =	wrdreg $0x0  }
0xab: {  	s8 =	sshll.u32 s28, $0x1;
	[dreg:$0x2] =	wrdreg s6  }
0xac: {  	[dreg:$0x3] =	wrdreg s8  }
0xad: {  	[dreg:$0x4] =	wrdreg $0xC0  }
0xae: {  	_ =	task [dreg:s10], $0x5FFFF  }
0xaf: {  	[dreg:$0x1] =	wrdreg $0xFFFFFFFF  }
0xb0: {  	[dreg:$0x0] =	wrdreg $0x60  }
0xb1: {  	[dreg:$0x2] =	wrdreg s2  }
0xb2: {  	[dreg:$0x3] =	wrdreg s18  }
0xb3: {  	[dreg:$0x4] =	wrdreg s4  }
0xb4: {  	[dreg:$0x5] =	wrdreg s5  }
0xb5: {  	[dreg:$0x6] =	wrdreg s24  }
0xb6: {  	[dreg:$0x7] =	wrdreg $0x9  }
0xb7: {  	_ =	task.clear_ibuf [dreg:s10], $0x8FFFF;
	_ =	strace $0x90000046  }
0xb8: {  	s29 =	simm.s32 $0x9;
	_ =	strace $0x80000048  }
0xb9: {  	_ =	swait.ge [sflag:s29], $0x1  }
0xba: {  	[sflag:s29] =	ssyncadd.s32 $0xFFFFFFFF  }
0xbb: {  	_ =	strace $0x90000048  }
0xbc: {  	_ =	sfence  }
0xbd: {  	s30 =	sld [smem:$0x0];
	_ =	sdelay $0x2  }
0xbe: {  	s31 =	sshll.u32 s1, $0xD;
	s1 =	sshrl.u32 s1, $0x2  }
0xbf: {  	s3 =	sand.u32 $0x4000, s31;
	s1 =	sadd.s32 s1, s30  }
0xc0: {  	s0 =	sor.u32 s3, s0;
	s1 =	sshll.u32 s1, $0x11  }
0xc1: {  	s0 =	sor.u32 s1, s0  }
0xc2: {  	s0 =	sadd.s32 $0x8F2B, s0  }
0xc3: {  	[sflag:s0] =	ssyncadd.remote.s32 $0x1  }
0xc4: {  	_ =	sfence.sel $0xFFFF  }
0xc5: {  	[dreg:$0x0] =	wrdreg $0xFFFFFFFF;
	(pc) =	sbr.abs _section_cstart, $3  }
0xc6: {  	[dreg:$0x1] =	wrdreg $0xFFFFFFFF  }
0xc7: {  	_ =	task.clear_ibuf [dreg:s10], $0x2FFFF;
	_ =	strace $0x9FFFFFFF  }
0xc8: {  	(tm) =	ssettm $0x7FFFFFFF  }
0xc9: {  	_ =	shalt  }
tec
execute0_lowered:
.L_overlay_start_1:
0x0: {  	(tag) =	ssettag $0x1  }
0x1: {  	s1 =	rddreg [dreg:$0x0]  }
0x2: {  	s0 =	rddreg [dreg:$0x1]  }
0x3: {  	s3 =	rddreg [dreg:$0x2]  }
0x4: {  	s2 =	rddreg [dreg:$0x3]  }
0x5: {  	s5 =	rddreg [dreg:$0x4]  }
0x6: {  	s4 =	simm.s32 $0x0;
	s6 =	srdreg.scid;
	s8 =	stileid.u32  }
0x7: {  	s13 =	simm.s32 $0x8;
	s15 =	simm.s32 $0x80;
	s20 =	simm.s32 $0x1880  }
0x8: {  	s28 =	simm.s32 $0xE000;
	s29 =	simm.s32 $0x6000;
	s31 =	simm.s32 $0x1  }
0x9: {  	s19 =	simm.s32 $0x2;
	s21 =	simm.s32 $0x4;
	s22 =	simm.s32 $0x3  }
0xa: {  	s23 =	simm.s32 $0x5;
	s24 =	simm.s32 $0x6;
	s30 =	simm.s32 $0x0  }
0xb: {  	[smem:$0x7FF] =	sst s4;
	s6 =	sand.u32 $0x1, s6;
	s8 =	sshll.u32 s8, $0xC  }
0xc: {  	s5 =	sadd.s32 $0xC00, s5;
	s7 =	ssub.s32 $0x2, s6;
	s6 =	sshll.u32 s6, $0xB  }
0xd: {  	_ =	strace $0x80000047;
	s9 =	sshrl.u32 s7, $0x1;
	s6 =	sor.u32 s6, s8  }
0xe: {  	s7 =	ssub.s32 s7, s9;
	s8 =	sshrl.u32 s6, $0x3;
	s25 =	sshll.u32 s6, $0x4  }
0xf: {  	s10 =	sor.u32 $0x80, s6;
	s0 =	sadd.s32 s0, s8;
	s26 =	sadd.s32 s3, s8  }
0x10: {  	s9 =	sadd.s32 s5, s25;
	s12 =	smax.u32 s7, $0x1;
	[dreg:$0x6] =	wrdreg s0  }
0x11: {  	s25 =	simm.s32 $0x7;
	s3 =	simm.s32 $0x16000;
	[dreg:$0x7] =	wrdreg s26  }
0x12: {  	s11 =	sadd.s32 $0x7800, s9;
	s26 =	simm.s32 $0x2000;
	s0 =	simm.s32 $0xA000  }
.LBB2_1:
0x13: {  	s7 =	rddreg [dreg:$0x6]  }
0x14: {  	[tilespmem:s4], [sflag:$0x8] =	stream.linear.gather [hbm4b:s7+s4], $0x800, $0x38;
	[tilespmem:$0x1A000] =	vst v63  }
0x15: {  	_ =	swait.ge [sflag:s13], $0x800  }
0x16: {  	[sflag:s13] =	ssyncset.done $0x0  }
0x17: {  	s8 =	simm.s32 $0x800;
	s17 =	rddreg [dreg:$0x7];
	[sflag:s13] =	ssyncadd.s32 $0xFFFFF800  }
0x18: {  	[tilespmem:s8], [sflag:$0x8] =	stream.linear.gather [hbm4b:s17+s4], $0x800, $0x38;
	[tilespmem:$0x1A000] =	vst v63  }
0x19: {  	_ =	swait.ge [sflag:s13], $0x800  }
0x1a: {  	[sflag:s13] =	ssyncset.done $0x0  }
0x1b: {  	s7 =	simm.s32 $0x1000;
	[sflag:s13] =	ssyncadd.s32 $0xFFFFF800  }
0x1c: {  	[tilespmem:s7], [sflag:$0x7] =	stream.indirect.gather [hbm4b:s1+s15], $0x1, s4, s15, $0xb8;
	[tilespmem:$0x1A000] =	vst v63  }
0x1d: {  	s14 =	simm.s32 $0x1800  }
0x1e: {  	[tilespmem:s14], [sflag:$0x7] =	stream.indirect.gather [hbm4b:s1+s15], $0x1, s8, s15, $0xb8;
	[tilespmem:$0x1A000] =	vst v63  }
0x1f: {  	s8 =	simm.s32 $0x1080  }
0x20: {  	[tilespmem:s8], [sflag:$0x7] =	stream.indirect.gather [hbm4b:s1+s15], $0x1, s15, s15, $0xb8;
	[tilespmem:$0x1A000] =	vst v63  }
0x21: {  	s16 =	simm.s32 $0x880  }
0x22: {  	[tilespmem:s20], [sflag:$0x7] =	stream.indirect.gather [hbm4b:s1+s15], $0x1, s16, s15, $0xb8;
	[tilespmem:$0x1A000] =	vst v63  }
0x23: {  	s18 =	simm.s32 $0x100;
	s17 =	simm.s32 $0x1100  }
0x24: {  	[tilespmem:s17], [sflag:$0x7] =	stream.indirect.gather [hbm4b:s1+s15], $0x1, s18, s15, $0xb8;
	[tilespmem:$0x1A000] =	vst v63  }
0x25: {  	s17 =	simm.s32 $0x900;
	s18 =	simm.s32 $0x1900  }
0x26: {  	[tilespmem:s18], [sflag:$0x7] =	stream.indirect.gather [hbm4b:s1+s15], $0x1, s17, s15, $0xb8;
	[tilespmem:$0x1A000] =	vst v63  }
0x27: {  	s17 =	simm.s32 $0x180;
	s18 =	simm.s32 $0x1180  }
0x28: {  	[tilespmem:s18], [sflag:$0x7] =	stream.indirect.gather [hbm4b:s1+s15], $0x1, s17, s15, $0xb8;
	[tilespmem:$0x1A000] =	vst v63  }
0x29: {  	s17 =	simm.s32 $0x980;
	s18 =	simm.s32 $0x1980  }
0x2a: {  	[tilespmem:s18], [sflag:$0x7] =	stream.indirect.gather [hbm4b:s1+s15], $0x1, s17, s15, $0xb8;
	[tilespmem:$0x1A000] =	vst v63  }
0x2b: {  	s17 =	simm.s32 $0x200;
	s18 =	simm.s32 $0x1200  }
0x2c: {  	[tilespmem:s18], [sflag:$0x7] =	stream.indirect.gather [hbm4b:s1+s15], $0x1, s17, s15, $0xb8;
	[tilespmem:$0x1A000] =	vst v63  }
0x2d: {  	s17 =	simm.s32 $0xA00;
	s18 =	simm.s32 $0x1A00  }
0x2e: {  	[tilespmem:s18], [sflag:$0x7] =	stream.indirect.gather [hbm4b:s1+s15], $0x1, s17, s15, $0xb8;
	[tilespmem:$0x1A000] =	vst v63  }
0x2f: {  	s17 =	simm.s32 $0x280;
	s18 =	simm.s32 $0x1280  }
0x30: {  	[tilespmem:s18], [sflag:$0x7] =	stream.indirect.gather [hbm4b:s1+s15], $0x1, s17, s15, $0xb8;
	[tilespmem:$0x1A000] =	vst v63  }
0x31: {  	s17 =	simm.s32 $0xA80;
	s18 =	simm.s32 $0x1A80  }
0x32: {  	[tilespmem:s18], [sflag:$0x7] =	stream.indirect.gather [hbm4b:s1+s15], $0x1, s17, s15, $0xb8;
	[tilespmem:$0x1A000] =	vst v63  }
0x33: {  	s17 =	simm.s32 $0x300;
	s18 =	simm.s32 $0x1300  }
0x34: {  	[tilespmem:s18], [sflag:$0x7] =	stream.indirect.gather [hbm4b:s1+s15], $0x1, s17, s15, $0xb8;
	[tilespmem:$0x1A000] =	vst v63  }
0x35: {  	s17 =	simm.s32 $0xB00;
	s18 =	simm.s32 $0x1B00  }
0x36: {  	[tilespmem:s18], [sflag:$0x7] =	stream.indirect.gather [hbm4b:s1+s15], $0x1, s17, s15, $0xb8;
	[tilespmem:$0x1A000] =	vst v63  }
0x37: {  	s17 =	simm.s32 $0x380;
	s18 =	simm.s32 $0x1380  }
0x38: {  	[tilespmem:s18], [sflag:$0x7] =	stream.indirect.gather [hbm4b:s1+s15], $0x1, s17, s15, $0xb8;
	[tilespmem:$0x1A000] =	vst v63  }
0x39: {  	s17 =	simm.s32 $0xB80;
	s18 =	simm.s32 $0x1B80  }
0x3a: {  	[tilespmem:s18], [sflag:$0x7] =	stream.indirect.gather [hbm4b:s1+s15], $0x1, s17, s15, $0xb8;
	[tilespmem:$0x1A000] =	vst v63  }
0x3b: {  	s17 =	simm.s32 $0x400;
	s18 =	simm.s32 $0x1400  }
0x3c: {  	[tilespmem:s18], [sflag:$0x7] =	stream.indirect.gather [hbm4b:s1+s15], $0x1, s17, s15, $0xb8;
	[tilespmem:$0x1A000] =	vst v63  }
0x3d: {  	s17 =	simm.s32 $0xC00;
	s18 =	simm.s32 $0x1C00  }
0x3e: {  	[tilespmem:s18], [sflag:$0x7] =	stream.indirect.gather [hbm4b:s1+s15], $0x1, s17, s15, $0xb8;
	[tilespmem:$0x1A000] =	vst v63  }
0x3f: {  	s17 =	simm.s32 $0x480;
	s18 =	simm.s32 $0x1480  }
0x40: {  	[tilespmem:s18], [sflag:$0x7] =	stream.indirect.gather [hbm4b:s1+s15], $0x1, s17, s15, $0xb8;
	[tilespmem:$0x1A000] =	vst v63  }
0x41: {  	s17 =	simm.s32 $0xC80;
	s18 =	simm.s32 $0x1C80  }
0x42: {  	[tilespmem:s18], [sflag:$0x7] =	stream.indirect.gather [hbm4b:s1+s15], $0x1, s17, s15, $0xb8;
	[tilespmem:$0x1A000] =	vst v63  }
0x43: {  	s17 =	simm.s32 $0x500;
	s18 =	simm.s32 $0x1500  }
0x44: {  	[tilespmem:s18], [sflag:$0x7] =	stream.indirect.gather [hbm4b:s1+s15], $0x1, s17, s15, $0xb8;
	[tilespmem:$0x1A000] =	vst v63  }
0x45: {  	s17 =	simm.s32 $0xD00;
	s18 =	simm.s32 $0x1D00  }
0x46: {  	[tilespmem:s18], [sflag:$0x7] =	stream.indirect.gather [hbm4b:s1+s15], $0x1, s17, s15, $0xb8;
	[tilespmem:$0x1A000] =	vst v63  }
0x47: {  	s17 =	simm.s32 $0x580;
	s18 =	simm.s32 $0x1580  }
0x48: {  	[tilespmem:s18], [sflag:$0x7] =	stream.indirect.gather [hbm4b:s1+s15], $0x1, s17, s15, $0xb8;
	[tilespmem:$0x1A000] =	vst v63  }
0x49: {  	s17 =	simm.s32 $0xD80;
	s18 =	simm.s32 $0x1D80  }
0x4a: {  	[tilespmem:s18], [sflag:$0x7] =	stream.indirect.gather [hbm4b:s1+s15], $0x1, s17, s15, $0xb8;
	[tilespmem:$0x1A000] =	vst v63  }
0x4b: {  	s17 =	simm.s32 $0x600;
	s18 =	simm.s32 $0x1600  }
0x4c: {  	[tilespmem:s18], [sflag:$0x7] =	stream.indirect.gather [hbm4b:s1+s15], $0x1, s17, s15, $0xb8;
	[tilespmem:$0x1A000] =	vst v63  }
0x4d: {  	s17 =	simm.s32 $0xE00;
	s18 =	simm.s32 $0x1E00  }
0x4e: {  	[tilespmem:s18], [sflag:$0x7] =	stream.indirect.gather [hbm4b:s1+s15], $0x1, s17, s15, $0xb8;
	[tilespmem:$0x1A000] =	vst v63  }
0x4f: {  	s17 =	simm.s32 $0x680;
	s18 =	simm.s32 $0x1680  }
0x50: {  	[tilespmem:s18], [sflag:$0x7] =	stream.indirect.gather [hbm4b:s1+s15], $0x1, s17, s15, $0xb8;
	[tilespmem:$0x1A000] =	vst v63  }
0x51: {  	s17 =	simm.s32 $0xE80;
	s18 =	simm.s32 $0x1E80  }
0x52: {  	[tilespmem:s18], [sflag:$0x7] =	stream.indirect.gather [hbm4b:s1+s15], $0x1, s17, s15, $0xb8;
	[tilespmem:$0x1A000] =	vst v63  }
0x53: {  	s17 =	simm.s32 $0x700;
	s18 =	simm.s32 $0x1700  }
0x54: {  	[tilespmem:s18], [sflag:$0x7] =	stream.indirect.gather [hbm4b:s1+s15], $0x1, s17, s15, $0xb8;
	[tilespmem:$0x1A000] =	vst v63  }
0x55: {  	s17 =	simm.s32 $0xF00;
	s18 =	simm.s32 $0x1F00  }
0x56: {  	[tilespmem:s18], [sflag:$0x7] =	stream.indirect.gather [hbm4b:s1+s15], $0x1, s17, s15, $0xb8;
	[tilespmem:$0x1A000] =	vst v63  }
0x57: {  	s17 =	simm.s32 $0x780;
	s18 =	simm.s32 $0x1780  }
0x58: {  	[tilespmem:s18], [sflag:$0x7] =	stream.indirect.gather [hbm4b:s1+s15], $0x1, s17, s15, $0xb8;
	[tilespmem:$0x1A000] =	vst v63  }
0x59: {  	s17 =	simm.s32 $0xF80;
	s18 =	simm.s32 $0x1F80  }
0x5a: {  	[tilespmem:s18], [sflag:$0x7] =	stream.indirect.gather [hbm4b:s1+s15], $0x1, s17, s15, $0xb8;
	[tilespmem:$0x1A000] =	vst v63  }
0x5b: {  	_ =	swait.ge [sflag:s25], $0x80  }
0x5c: {  	[sflag:s25] =	ssyncset.done $0x0  }
0x5d: {  	[sflag:s25] =	ssyncadd.s32 $0xFFFFFF80  }
0x5e: {  	_ =	swait.ge [sflag:s25], $0x80  }
0x5f: {  	[sflag:s25] =	ssyncset.done $0x0  }
0x60: {  	[sflag:s25] =	ssyncadd.s32 $0xFFFFFF80  }
0x61: {  	_ =	swait.ge [sflag:s25], $0x80  }
0x62: {  	[sflag:s25] =	ssyncset.done $0x0  }
0x63: {  	[sflag:s25] =	ssyncadd.s32 $0xFFFFFF80  }
0x64: {  	_ =	swait.ge [sflag:s25], $0x80  }
0x65: {  	[sflag:s25] =	ssyncset.done $0x0  }
0x66: {  	[sflag:s25] =	ssyncadd.s32 $0xFFFFFF80  }
0x67: {  	_ =	swait.ge [sflag:s25], $0x80  }
0x68: {  	[sflag:s25] =	ssyncset.done $0x0  }
0x69: {  	[sflag:s25] =	ssyncadd.s32 $0xFFFFFF80  }
0x6a: {  	_ =	swait.ge [sflag:s25], $0x80  }
0x6b: {  	[sflag:s25] =	ssyncset.done $0x0  }
0x6c: {  	[sflag:s25] =	ssyncadd.s32 $0xFFFFFF80  }
0x6d: {  	_ =	swait.ge [sflag:s25], $0x80  }
0x6e: {  	[sflag:s25] =	ssyncset.done $0x0  }
0x6f: {  	[sflag:s25] =	ssyncadd.s32 $0xFFFFFF80  }
0x70: {  	_ =	swait.ge [sflag:s25], $0x80  }
0x71: {  	[sflag:s25] =	ssyncset.done $0x0  }
0x72: {  	[sflag:s25] =	ssyncadd.s32 $0xFFFFFF80  }
0x73: {  	_ =	swait.ge [sflag:s25], $0x80  }
0x74: {  	[sflag:s25] =	ssyncset.done $0x0  }
0x75: {  	[sflag:s25] =	ssyncadd.s32 $0xFFFFFF80  }
0x76: {  	_ =	swait.ge [sflag:s25], $0x80  }
0x77: {  	[sflag:s25] =	ssyncset.done $0x0  }
0x78: {  	[sflag:s25] =	ssyncadd.s32 $0xFFFFFF80  }
0x79: {  	_ =	swait.ge [sflag:s25], $0x80  }
0x7a: {  	[sflag:s25] =	ssyncset.done $0x0  }
0x7b: {  	[sflag:s25] =	ssyncadd.s32 $0xFFFFFF80  }
0x7c: {  	_ =	swait.ge [sflag:s25], $0x80  }
0x7d: {  	[sflag:s25] =	ssyncset.done $0x0  }
0x7e: {  	[sflag:s25] =	ssyncadd.s32 $0xFFFFFF80  }
0x7f: {  	_ =	swait.ge [sflag:s25], $0x80  }
0x80: {  	[sflag:s25] =	ssyncset.done $0x0  }
0x81: {  	[sflag:s25] =	ssyncadd.s32 $0xFFFFFF80  }
0x82: {  	_ =	swait.ge [sflag:s25], $0x80  }
0x83: {  	[sflag:s25] =	ssyncset.done $0x0  }
0x84: {  	[sflag:s25] =	ssyncadd.s32 $0xFFFFFF80  }
0x85: {  	_ =	swait.ge [sflag:s25], $0x80  }
0x86: {  	[sflag:s25] =	ssyncset.done $0x0  }
0x87: {  	[sflag:s25] =	ssyncadd.s32 $0xFFFFFF80  }
0x88: {  	_ =	swait.ge [sflag:s25], $0x80  }
0x89: {  	[sflag:s25] =	ssyncset.done $0x0  }
0x8a: {  	[sflag:s25] =	ssyncadd.s32 $0xFFFFFF80  }
0x8b: {  	_ =	swait.ge [sflag:s25], $0x80  }
0x8c: {  	[sflag:s25] =	ssyncset.done $0x0  }
0x8d: {  	[sflag:s25] =	ssyncadd.s32 $0xFFFFFF80  }
0x8e: {  	_ =	swait.ge [sflag:s25], $0x80  }
0x8f: {  	[sflag:s25] =	ssyncset.done $0x0  }
0x90: {  	[sflag:s25] =	ssyncadd.s32 $0xFFFFFF80  }
0x91: {  	_ =	swait.ge [sflag:s25], $0x80  }
0x92: {  	[sflag:s25] =	ssyncset.done $0x0  }
0x93: {  	[sflag:s25] =	ssyncadd.s32 $0xFFFFFF80  }
0x94: {  	_ =	swait.ge [sflag:s25], $0x80  }
0x95: {  	[sflag:s25] =	ssyncset.done $0x0  }
0x96: {  	[sflag:s25] =	ssyncadd.s32 $0xFFFFFF80  }
0x97: {  	_ =	swait.ge [sflag:s25], $0x80  }
0x98: {  	[sflag:s25] =	ssyncset.done $0x0  }
0x99: {  	[sflag:s25] =	ssyncadd.s32 $0xFFFFFF80  }
0x9a: {  	_ =	swait.ge [sflag:s25], $0x80  }
0x9b: {  	[sflag:s25] =	ssyncset.done $0x0  }
0x9c: {  	[sflag:s25] =	ssyncadd.s32 $0xFFFFFF80  }
0x9d: {  	_ =	swait.ge [sflag:s25], $0x80  }
0x9e: {  	[sflag:s25] =	ssyncset.done $0x0  }
0x9f: {  	[sflag:s25] =	ssyncadd.s32 $0xFFFFFF80  }
0xa0: {  	_ =	swait.ge [sflag:s25], $0x80  }
0xa1: {  	[sflag:s25] =	ssyncset.done $0x0  }
0xa2: {  	[sflag:s25] =	ssyncadd.s32 $0xFFFFFF80  }
0xa3: {  	_ =	swait.ge [sflag:s25], $0x80  }
0xa4: {  	[sflag:s25] =	ssyncset.done $0x0  }
0xa5: {  	[sflag:s25] =	ssyncadd.s32 $0xFFFFFF80  }
0xa6: {  	_ =	swait.ge [sflag:s25], $0x80  }
0xa7: {  	[sflag:s25] =	ssyncset.done $0x0  }
0xa8: {  	[sflag:s25] =	ssyncadd.s32 $0xFFFFFF80  }
0xa9: {  	_ =	swait.ge [sflag:s25], $0x80  }
0xaa: {  	[sflag:s25] =	ssyncset.done $0x0  }
0xab: {  	[sflag:s25] =	ssyncadd.s32 $0xFFFFFF80  }
0xac: {  	_ =	swait.ge [sflag:s25], $0x80  }
0xad: {  	[sflag:s25] =	ssyncset.done $0x0  }
0xae: {  	[sflag:s25] =	ssyncadd.s32 $0xFFFFFF80  }
0xaf: {  	_ =	swait.ge [sflag:s25], $0x80  }
0xb0: {  	[sflag:s25] =	ssyncset.done $0x0  }
0xb1: {  	[sflag:s25] =	ssyncadd.s32 $0xFFFFFF80  }
0xb2: {  	_ =	swait.ge [sflag:s25], $0x80  }
0xb3: {  	[sflag:s25] =	ssyncset.done $0x0  }
0xb4: {  	[sflag:s25] =	ssyncadd.s32 $0xFFFFFF80  }
0xb5: {  	_ =	swait.ge [sflag:s25], $0x80  }
0xb6: {  	[sflag:s25] =	ssyncset.done $0x0  }
0xb7: {  	[sflag:s25] =	ssyncadd.s32 $0xFFFFFF80  }
0xb8: {  	_ =	swait.ge [sflag:s25], $0x80  }
0xb9: {  	[sflag:s25] =	ssyncset.done $0x0  }
0xba: {  	[sflag:s25] =	ssyncadd.s32 $0xFFFFFF80  }
0xbb: {  	[tilespmem:s26], [sflag:$0x1] =	stream.indirect.gather [hbm4b:s2+s15], $0x80, s7, s15, $0xb8;
	[tilespmem:$0x1A000] =	vst v63  }
0xbc: {  	_ = 	snop  }
0xbd: {  	[tilespmem:s28], [sflag:$0x1] =	stream.indirect.gather [hbm4b:s2+s15], $0x80, s14, s15, $0xb8;
	[tilespmem:$0x1A000] =	vst v63  }
0xbe: {  	_ = 	snop  }
0xbf: {  	[tilespmem:s29], [sflag:$0x2] =	stream.indirect.gather [hbm4b:s2+s15], $0x80, s8, s15, $0xb8;
	[tilespmem:$0x1A000] =	vst v63  }
0xc0: {  	s18 =	simm.s32 $0x12000;
	s14 =	simm.s32 $0x0  }
0xc1: {  	[tilespmem:s18], [sflag:$0x2] =	stream.indirect.gather [hbm4b:s2+s15], $0x80, s20, s15, $0xb8;
	[tilespmem:$0x1A000] =	vst v63  }
.LBB2_2:
0xc2: {  	_ =	swait.ge [sflag:s31], $0x4000  }
0xc3: {  	[sflag:s31] =	ssyncset.done $0x0  }
0xc4: {  	[sflag:s31] =	ssyncadd.s32 $0xFFFFC000  }
0xc5: {  	_ =	swait.ge [sflag:s31], $0x4000  }
0xc6: {  	[sflag:s31] =	ssyncset.done $0x0  }
0xc7: {  	s16 =	simm.s32 $0x0;
	[sflag:s31] =	ssyncadd.s32 $0xFFFFC000  }
0xc8: {  	v7 =	vld [tilespmem:s16+$0xE000]  }
0xc9: {  	v11 =	vld [tilespmem:s16+$0xE010]  }
0xca: {  	v5 =	vld [tilespmem:s16+$0xE020]  }
0xcb: {  	v4 =	vld [tilespmem:s16+$0xE030]  }
0xcc: {  	v3 =	vld [tilespmem:s16+$0xE040]  }
0xcd: {  	v2 =	vld [tilespmem:s16+$0xE050]  }
0xce: {  	v1 =	vld [tilespmem:s16+$0xE060]  }
0xcf: {  	v0 =	vld [tilespmem:s16+$0xE070]  }
0xd0: {  	v12 =	vld [tilespmem:s16+$0x2000]  }
0xd1: {  	v13 =	vld [tilespmem:s16+$0x2010]  }
0xd2: {  	v10 =	vld [tilespmem:s16+$0x2020]  }
0xd3: {  	v9 =	vld [tilespmem:s16+$0x2030]  }
0xd4: {  	v8 =	vld [tilespmem:s16+$0x2040]  }
0xd5: {  	v6 =	vld [tilespmem:s16+$0x2050];
	v12 =	vmul.f32 v7, v12  }
0xd6: {  	s7 =	simm.s32 $0x200;
	v11 =	vmul.f32 v11, v13;
	v7 =	vld [tilespmem:s16+$0x2060]  }
.LBB2_3:
0xd7: {  	s17 =	sshra.s32 s7, $0x2;
	p0 =	sne.s32 s7, $0xFE00;
	[tilespmem:s16+$0x2000] =	vst v12;
	v5 =	vmul.f32 v5, v10;
	v10 =	vld [tilespmem:s16+$0x2070]  }
0xd8: {  	v12 =	vld [tilespmem:s17+$0xE000];
	[tilespmem:s16+$0x2010] =	vst v11;
	v4 =	vmul.f32 v4, v9  }
0xd9: {  	v11 =	vld [tilespmem:s17+$0xE010];
	[tilespmem:s16+$0x2020] =	vst v5;
	v3 =	vmul.f32 v3, v8  }
0xda: {  	v5 =	vld [tilespmem:s17+$0xE020];
	[tilespmem:s16+$0x2030] =	vst v4;
	v2 =	vmul.f32 v2, v6  }
0xdb: {  	v4 =	vld [tilespmem:s17+$0xE030];
	[tilespmem:s16+$0x2040] =	vst v3;
	v1 =	vmul.f32 v1, v7  }
0xdc: {  	v3 =	vld [tilespmem:s17+$0xE040];
	[tilespmem:s16+$0x2050] =	vst v2;
	v0 =	vmul.f32 v0, v10  }
0xdd: {  	v2 =	vld [tilespmem:s17+$0xE050];
	[tilespmem:s16+$0x2060] =	vst v1  }
0xde: {  	v1 =	vld [tilespmem:s17+$0xE060];
	[tilespmem:s16+$0x2070] =	vst v0;
	s16 =	smov.u32 s17  }
0xdf: {  	v0 =	vld [tilespmem:s16+$0xE070]  }
0xe0: {  	v6 =	vld [tilespmem:s16+$0x2000]  }
0xe1: {  	v7 =	vld [tilespmem:s16+$0x2010]  }
.Ltmp0:
0xe2: {  	v10 =	vld [tilespmem:s16+$0x2020];
	(pc) =	sbr.rel @p0 .LBB2_3-.Ltmp0, $4  }
0xe3: {  	v9 =	vld [tilespmem:s16+$0x2030]  }
0xe4: {  	v8 =	vld [tilespmem:s16+$0x2040]  }
0xe5: {  	v12 =	vmul.f32 v12, v6;
	v6 =	vld [tilespmem:s16+$0x2050]  }
0xe6: {  	s7 =	sadd.s32 $0x200, s7;
	v11 =	vmul.f32 v11, v7;
	v7 =	vld [tilespmem:s16+$0x2060]  }
0xe7: {  	[tilespmem:s16+$0x2000] =	vst v12;
	v5 =	vmul.f32 v5, v10;
	v10 =	vld [tilespmem:s16+$0x2070]  }
0xe8: {  	[tilespmem:s16+$0x2010] =	vst v11;
	v4 =	vmul.f32 v4, v9  }
0xe9: {  	[tilespmem:s16+$0x2020] =	vst v5;
	v3 =	vmul.f32 v3, v8  }
0xea: {  	[tilespmem:s16+$0x2030] =	vst v4;
	v2 =	vmul.f32 v2, v6  }
0xeb: {  	[tilespmem:s16+$0x2040] =	vst v3;
	v1 =	vmul.f32 v1, v7  }
0xec: {  	[tilespmem:s16+$0x2050] =	vst v2;
	v0 =	vmul.f32 v0, v10  }
0xed: {  	s7 =	smul.u32 $0x3, s14;
	p0 =	seq.s32 s14, $0x0;
	[tilespmem:s16+$0x2060] =	vst v1  }
0xee: {  	s17 =	simm.s32 @!p0 $0x6;
	[tilespmem:s16+$0x2070] =	vst v0  }
0xef: {  	s16 =	sadd.s32 $0x2, s7;
	_ =	swait.ge @!p0 [sflag:s17], $0x4000  }
0xf0: {  	s7 =	sshll.u32 s16, $0x7;
	[sflag:s17] =	ssyncset.done @!p0 $0x0  }
0xf1: {  	s8 =	sadd.s32 $0x1000, s7;
	[sflag:s17] =	ssyncadd.s32 @!p0 $0xFFFFC000;
	s17 =	smul.u32 $0x180, s14  }
0xf2: {  	[tilespmem:s0], [sflag:$0x3] =	stream.indirect.gather [hbm4b:s2+s15], $0x80, s8, s15, $0xb8;
	[tilespmem:$0x1A000] =	vst v63  }
0xf3: {  	s7 =	sadd.s32 $0x1800, s7;
	s18 =	sadd.s32 s6, s17  }
0xf4: {  	[tilespmem:s3], [sflag:$0x3] =	stream.indirect.gather [hbm4b:s2+s15], $0x80, s7, s15, $0xb8;
	[tilespmem:$0x1A000] =	vst v63  }
0xf5: {  	s7 =	sshll.u32 s18, $0x4  }
0xf6: {  	s18 =	simm.s32 $0x0;
	s7 =	sadd.s32 s5, s7  }
0xf7: {  	[hbm4b:s7+s18] =	stream.linear.scatter [tilespmem:s26], [sflag:$0x4], $0x4000, $0x38;
	[tilespmem:$0x1A000] =	vst v63  }
0xf8: {  	_ =	swait.ge [sflag:s19], $0x4000  }
0xf9: {  	[sflag:s19] =	ssyncset.done $0x0  }
0xfa: {  	[sflag:s19] =	ssyncadd.s32 $0xFFFFC000  }
0xfb: {  	_ =	swait.ge [sflag:s19], $0x4000  }
0xfc: {  	[sflag:s19] =	ssyncset.done $0x0  }
0xfd: {  	s7 =	simm.s32 $0x0;
	[sflag:s19] =	ssyncadd.s32 $0xFFFFC000  }
0xfe: {  	v7 =	vld [tilespmem:s7+$0x12000]  }
0xff: {  	v11 =	vld [tilespmem:s7+$0x12010]  }
0x100: {  	v5 =	vld [tilespmem:s7+$0x12020]  }
0x101: {  	v4 =	vld [tilespmem:s7+$0x12030]  }
0x102: {  	v3 =	vld [tilespmem:s7+$0x12040]  }
0x103: {  	v2 =	vld [tilespmem:s7+$0x12050]  }
0x104: {  	v1 =	vld [tilespmem:s7+$0x12060]  }
0x105: {  	v0 =	vld [tilespmem:s7+$0x12070]  }
0x106: {  	v12 =	vld [tilespmem:s7+$0x6000]  }
0x107: {  	v13 =	vld [tilespmem:s7+$0x6010]  }
0x108: {  	v10 =	vld [tilespmem:s7+$0x6020]  }
0x109: {  	v9 =	vld [tilespmem:s7+$0x6030]  }
0x10a: {  	v8 =	vld [tilespmem:s7+$0x6040]  }
0x10b: {  	v6 =	vld [tilespmem:s7+$0x6050];
	v12 =	vmul.f32 v7, v12  }
0x10c: {  	s18 =	simm.s32 $0x200;
	v11 =	vmul.f32 v11, v13;
	v7 =	vld [tilespmem:s7+$0x6060]  }
.LBB2_5:
0x10d: {  	s8 =	sshra.s32 s18, $0x2;
	p0 =	sne.s32 s18, $0xFE00;
	[tilespmem:s7+$0x6000] =	vst v12;
	v5 =	vmul.f32 v5, v10;
	v10 =	vld [tilespmem:s7+$0x6070]  }
0x10e: {  	v12 =	vld [tilespmem:s8+$0x12000];
	[tilespmem:s7+$0x6010] =	vst v11;
	v4 =	vmul.f32 v4, v9  }
0x10f: {  	v11 =	vld [tilespmem:s8+$0x12010];
	[tilespmem:s7+$0x6020] =	vst v5;
	v3 =	vmul.f32 v3, v8  }
0x110: {  	v5 =	vld [tilespmem:s8+$0x12020];
	[tilespmem:s7+$0x6030] =	vst v4;
	v2 =	vmul.f32 v2, v6  }
0x111: {  	v4 =	vld [tilespmem:s8+$0x12030];
	[tilespmem:s7+$0x6040] =	vst v3;
	v1 =	vmul.f32 v1, v7  }
0x112: {  	v3 =	vld [tilespmem:s8+$0x12040];
	[tilespmem:s7+$0x6050] =	vst v2;
	v0 =	vmul.f32 v0, v10  }
0x113: {  	v2 =	vld [tilespmem:s8+$0x12050];
	[tilespmem:s7+$0x6060] =	vst v1  }
0x114: {  	v1 =	vld [tilespmem:s8+$0x12060];
	[tilespmem:s7+$0x6070] =	vst v0;
	s7 =	smov.u32 s8  }
0x115: {  	v0 =	vld [tilespmem:s7+$0x12070]  }
0x116: {  	v6 =	vld [tilespmem:s7+$0x6000]  }
0x117: {  	v7 =	vld [tilespmem:s7+$0x6010]  }
.Ltmp1:
0x118: {  	v10 =	vld [tilespmem:s7+$0x6020];
	(pc) =	sbr.rel @p0 .LBB2_5-.Ltmp1, $4  }
0x119: {  	v9 =	vld [tilespmem:s7+$0x6030]  }
0x11a: {  	v8 =	vld [tilespmem:s7+$0x6040]  }
0x11b: {  	v12 =	vmul.f32 v12, v6;
	v6 =	vld [tilespmem:s7+$0x6050]  }
0x11c: {  	s18 =	sadd.s32 $0x200, s18;
	v11 =	vmul.f32 v11, v7;
	v7 =	vld [tilespmem:s7+$0x6060]  }
0x11d: {  	[tilespmem:s7+$0x6000] =	vst v12;
	v5 =	vmul.f32 v5, v10;
	v10 =	vld [tilespmem:s7+$0x6070]  }
0x11e: {  	[tilespmem:s7+$0x6010] =	vst v11;
	v4 =	vmul.f32 v4, v9  }
0x11f: {  	[tilespmem:s7+$0x6020] =	vst v5;
	v3 =	vmul.f32 v3, v8  }
0x120: {  	[tilespmem:s7+$0x6030] =	vst v4;
	v2 =	vmul.f32 v2, v6  }
0x121: {  	[tilespmem:s7+$0x6040] =	vst v3;
	v1 =	vmul.f32 v1, v7  }
0x122: {  	[tilespmem:s7+$0x6050] =	vst v2;
	v0 =	vmul.f32 v0, v10  }
0x123: {  	[tilespmem:s7+$0x6060] =	vst v1  }
0x124: {  	[tilespmem:s7+$0x6070] =	vst v0  }
0x125: {  	_ =	swait.ge [sflag:s21], $0x4000  }
0x126: {  	[sflag:s21] =	ssyncset.done $0x0  }
0x127: {  	s18 =	sadd.s32 $0x1180, s17;
	[sflag:s21] =	ssyncadd.s32 $0xFFFFC000  }
0x128: {  	[tilespmem:s26], [sflag:$0x1] =	stream.indirect.gather [hbm4b:s2+s15], $0x80, s18, s15, $0xb8;
	[tilespmem:$0x1A000] =	vst v63  }
0x129: {  	s18 =	sadd.s32 s17, s10  }
0x12a: {  	s8 =	sadd.s32 $0x1980, s17;
	s7 =	sshll.u32 s18, $0x4  }
0x12b: {  	[tilespmem:s28], [sflag:$0x1] =	stream.indirect.gather [hbm4b:s2+s15], $0x80, s8, s15, $0xb8;
	[tilespmem:$0x1A000] =	vst v63  }
0x12c: {  	s7 =	sadd.s32 s5, s7;
	s8 =	simm.s32 $0x0  }
0x12d: {  	[hbm4b:s7+s8] =	stream.linear.scatter [tilespmem:s29], [sflag:$0x5], $0x4000, $0x38;
	[tilespmem:$0x1A000] =	vst v63  }
0x12e: {  	_ =	swait.ge [sflag:s22], $0x4000  }
0x12f: {  	[sflag:s22] =	ssyncset.done $0x0  }
0x130: {  	[sflag:s22] =	ssyncadd.s32 $0xFFFFC000  }
0x131: {  	_ =	swait.ge [sflag:s22], $0x4000  }
0x132: {  	[sflag:s22] =	ssyncset.done $0x0  }
0x133: {  	s7 =	simm.s32 $0x0;
	[sflag:s22] =	ssyncadd.s32 $0xFFFFC000  }
0x134: {  	v7 =	vld [tilespmem:s7+$0x16000]  }
0x135: {  	v11 =	vld [tilespmem:s7+$0x16010]  }
0x136: {  	v5 =	vld [tilespmem:s7+$0x16020]  }
0x137: {  	v4 =	vld [tilespmem:s7+$0x16030]  }
0x138: {  	v3 =	vld [tilespmem:s7+$0x16040]  }
0x139: {  	v2 =	vld [tilespmem:s7+$0x16050]  }
0x13a: {  	v1 =	vld [tilespmem:s7+$0x16060]  }
0x13b: {  	v0 =	vld [tilespmem:s7+$0x16070]  }
0x13c: {  	v12 =	vld [tilespmem:s7+$0xA000]  }
0x13d: {  	v13 =	vld [tilespmem:s7+$0xA010]  }
0x13e: {  	v10 =	vld [tilespmem:s7+$0xA020]  }
0x13f: {  	v9 =	vld [tilespmem:s7+$0xA030]  }
0x140: {  	v8 =	vld [tilespmem:s7+$0xA040]  }
0x141: {  	v6 =	vld [tilespmem:s7+$0xA050];
	v12 =	vmul.f32 v7, v12  }
0x142: {  	s18 =	simm.s32 $0x200;
	v11 =	vmul.f32 v11, v13;
	v7 =	vld [tilespmem:s7+$0xA060]  }
.LBB2_7:
0x143: {  	s8 =	sshra.s32 s18, $0x2;
	p0 =	sne.s32 s18, $0xFE00;
	[tilespmem:s7+$0xA000] =	vst v12;
	v5 =	vmul.f32 v5, v10;
	v10 =	vld [tilespmem:s7+$0xA070]  }
0x144: {  	v12 =	vld [tilespmem:s8+$0x16000];
	[tilespmem:s7+$0xA010] =	vst v11;
	v4 =	vmul.f32 v4, v9  }
0x145: {  	v11 =	vld [tilespmem:s8+$0x16010];
	[tilespmem:s7+$0xA020] =	vst v5;
	v3 =	vmul.f32 v3, v8  }
0x146: {  	v5 =	vld [tilespmem:s8+$0x16020];
	[tilespmem:s7+$0xA030] =	vst v4;
	v2 =	vmul.f32 v2, v6  }
0x147: {  	v4 =	vld [tilespmem:s8+$0x16030];
	[tilespmem:s7+$0xA040] =	vst v3;
	v1 =	vmul.f32 v1, v7  }
0x148: {  	v3 =	vld [tilespmem:s8+$0x16040];
	[tilespmem:s7+$0xA050] =	vst v2;
	v0 =	vmul.f32 v0, v10  }
0x149: {  	v2 =	vld [tilespmem:s8+$0x16050];
	[tilespmem:s7+$0xA060] =	vst v1  }
0x14a: {  	v1 =	vld [tilespmem:s8+$0x16060];
	[tilespmem:s7+$0xA070] =	vst v0;
	s7 =	smov.u32 s8  }
0x14b: {  	v0 =	vld [tilespmem:s7+$0x16070]  }
0x14c: {  	v6 =	vld [tilespmem:s7+$0xA000]  }
0x14d: {  	v7 =	vld [tilespmem:s7+$0xA010]  }
.Ltmp2:
0x14e: {  	v10 =	vld [tilespmem:s7+$0xA020];
	(pc) =	sbr.rel @p0 .LBB2_7-.Ltmp2, $4  }
0x14f: {  	v9 =	vld [tilespmem:s7+$0xA030]  }
0x150: {  	v8 =	vld [tilespmem:s7+$0xA040]  }
0x151: {  	v12 =	vmul.f32 v12, v6;
	v6 =	vld [tilespmem:s7+$0xA050]  }
0x152: {  	s18 =	sadd.s32 $0x200, s18;
	v11 =	vmul.f32 v11, v7;
	v7 =	vld [tilespmem:s7+$0xA060]  }
0x153: {  	[tilespmem:s7+$0xA000] =	vst v12;
	v5 =	vmul.f32 v5, v10;
	v63 =	vld [tilespmem:s7+$0xA070]  }
0x154: {  	[tilespmem:s7+$0xA010] =	vst v11;
	v4 =	vmul.f32 v4, v9  }
0x155: {  	[tilespmem:s7+$0xA020] =	vst v5;
	v3 =	vmul.f32 v3, v8  }
0x156: {  	[tilespmem:s7+$0xA030] =	vst v4;
	v2 =	vmul.f32 v2, v6  }
0x157: {  	[tilespmem:s7+$0xA040] =	vst v3;
	v1 =	vmul.f32 v1, v7  }
0x158: {  	[tilespmem:s7+$0xA050] =	vst v2;
	v0 =	vmul.f32 v0, v63  }
0x159: {  	[tilespmem:s7+$0xA060] =	vst v1  }
0x15a: {  	[tilespmem:s7+$0xA070] =	vst v0  }
0x15b: {  	p0 =	seq.s32 s14, $0x4;
	_ =	swait.ge [sflag:s23], $0x4000  }
0x15c: {  	s8 =	simm.s32 @!p0 $0x80;
	[sflag:s23] =	ssyncset.done $0x0  }
0x15d: {  	s18 =	simm.s32 @!p0 $0x6000;
	s7 =	sadd.s32 @!p0 $0x1200, s17;
	[sflag:s23] =	ssyncadd.s32 $0xFFFFC000  }
0x15e: {  	[tilespmem:s18], [sflag:$0x2] =	stream.indirect.gather @!p0 [hbm4b:s2+s8], $0x80, s7, s8, $0xb8;
	[tilespmem:$0x1A000] =	vst v63  }
0x15f: {  	s14 =	sadd.s32 $0x1, s14;
	s7 =	sadd.s32 @!p0 $0x1A00, s17;
	s17 =	simm.s32 @!p0 $0x12000  }
0x160: {  	[tilespmem:s17], [sflag:$0x2] =	stream.indirect.gather @!p0 [hbm4b:s2+s8], $0x80, s7, s8, $0xb8;
	[tilespmem:$0x1A000] =	vst v63  }
0x161: {  	p0 =	sne.s32 s14, $0x5  }
.Ltmp3:
0x162: {  	_ = 	snop;
	(pc) =	sbr.rel @p0 .LBB2_2-.Ltmp3, $4  }
0x163: {  	_ = 	snop  }
0x164: {  	s18 =	sshll.u32 s16, $0xB  }
0x165: {  	s7 =	sadd.s32 s18, s9  }
0x166: {  	[hbm4b:s7+s4] =	stream.linear.scatter [tilespmem:s0], [sflag:$0x6], $0x4000, $0x38;
	[tilespmem:$0x1A000] =	vst v63  }
0x167: {  	_ =	swait.ge [sflag:s31], $0x4000  }
0x168: {  	[sflag:s31] =	ssyncset.done $0x0  }
0x169: {  	[sflag:s31] =	ssyncadd.s32 $0xFFFFC000  }
0x16a: {  	_ =	swait.ge [sflag:s31], $0x4000  }
0x16b: {  	[sflag:s31] =	ssyncset.done $0x0  }
0x16c: {  	s7 =	simm.s32 $0x0;
	[sflag:s31] =	ssyncadd.s32 $0xFFFFC000  }
0x16d: {  	v7 =	vld [tilespmem:s7+$0xE000]  }
0x16e: {  	v11 =	vld [tilespmem:s7+$0xE010]  }
0x16f: {  	v5 =	vld [tilespmem:s7+$0xE020]  }
0x170: {  	v4 =	vld [tilespmem:s7+$0xE030]  }
0x171: {  	v3 =	vld [tilespmem:s7+$0xE040]  }
0x172: {  	v2 =	vld [tilespmem:s7+$0xE050]  }
0x173: {  	v1 =	vld [tilespmem:s7+$0xE060]  }
0x174: {  	v0 =	vld [tilespmem:s7+$0xE070]  }
0x175: {  	v12 =	vld [tilespmem:s7+$0x2000]  }
0x176: {  	v13 =	vld [tilespmem:s7+$0x2010]  }
0x177: {  	v10 =	vld [tilespmem:s7+$0x2020]  }
0x178: {  	v9 =	vld [tilespmem:s7+$0x2030]  }
0x179: {  	v8 =	vld [tilespmem:s7+$0x2040]  }
0x17a: {  	v6 =	vld [tilespmem:s7+$0x2050];
	v12 =	vmul.f32 v7, v12  }
0x17b: {  	s14 =	simm.s32 $0x200;
	v11 =	vmul.f32 v11, v13;
	v7 =	vld [tilespmem:s7+$0x2060]  }
.LBB2_10:
0x17c: {  	s8 =	sshra.s32 s14, $0x2;
	p0 =	sne.s32 s14, $0xFE00;
	[tilespmem:s7+$0x2000] =	vst v12;
	v5 =	vmul.f32 v5, v10;
	v10 =	vld [tilespmem:s7+$0x2070]  }
0x17d: {  	v12 =	vld [tilespmem:s8+$0xE000];
	[tilespmem:s7+$0x2010] =	vst v11;
	v4 =	vmul.f32 v4, v9  }
0x17e: {  	v11 =	vld [tilespmem:s8+$0xE010];
	[tilespmem:s7+$0x2020] =	vst v5;
	v3 =	vmul.f32 v3, v8  }
0x17f: {  	v5 =	vld [tilespmem:s8+$0xE020];
	[tilespmem:s7+$0x2030] =	vst v4;
	v2 =	vmul.f32 v2, v6  }
0x180: {  	v4 =	vld [tilespmem:s8+$0xE030];
	[tilespmem:s7+$0x2040] =	vst v3;
	v1 =	vmul.f32 v1, v7  }
0x181: {  	v3 =	vld [tilespmem:s8+$0xE040];
	[tilespmem:s7+$0x2050] =	vst v2;
	v0 =	vmul.f32 v0, v10  }
0x182: {  	v2 =	vld [tilespmem:s8+$0xE050];
	[tilespmem:s7+$0x2060] =	vst v1  }
0x183: {  	v1 =	vld [tilespmem:s8+$0xE060];
	[tilespmem:s7+$0x2070] =	vst v0;
	s7 =	smov.u32 s8  }
0x184: {  	v0 =	vld [tilespmem:s7+$0xE070]  }
0x185: {  	v6 =	vld [tilespmem:s7+$0x2000]  }
0x186: {  	v7 =	vld [tilespmem:s7+$0x2010]  }
.Ltmp4:
0x187: {  	v10 =	vld [tilespmem:s7+$0x2020];
	(pc) =	sbr.rel @p0 .LBB2_10-.Ltmp4, $4  }
0x188: {  	v9 =	vld [tilespmem:s7+$0x2030]  }
0x189: {  	v8 =	vld [tilespmem:s7+$0x2040]  }
0x18a: {  	v12 =	vmul.f32 v12, v6;
	v6 =	vld [tilespmem:s7+$0x2050]  }
0x18b: {  	s14 =	sadd.s32 $0x200, s14;
	v11 =	vmul.f32 v11, v7;
	v7 =	vld [tilespmem:s7+$0x2060]  }
0x18c: {  	[tilespmem:s7+$0x2000] =	vst v12;
	v5 =	vmul.f32 v5, v10;
	v63 =	vld [tilespmem:s7+$0x2070]  }
0x18d: {  	[tilespmem:s7+$0x2010] =	vst v11;
	v4 =	vmul.f32 v4, v9  }
0x18e: {  	[tilespmem:s7+$0x2020] =	vst v5;
	v3 =	vmul.f32 v3, v8  }
0x18f: {  	[tilespmem:s7+$0x2030] =	vst v4;
	v2 =	vmul.f32 v2, v6  }
0x190: {  	[tilespmem:s7+$0x2040] =	vst v3;
	v1 =	vmul.f32 v1, v7  }
0x191: {  	[tilespmem:s7+$0x2050] =	vst v2;
	v0 =	vmul.f32 v0, v63  }
0x192: {  	[tilespmem:s7+$0x2060] =	vst v1  }
0x193: {  	[tilespmem:s7+$0x2070] =	vst v0  }
0x194: {  	s30 =	sadd.s32 $0x1, s30;
	_ =	swait.ge [sflag:s24], $0x4000  }
0x195: {  	p0 =	sne.s32 s30, s12;
	[sflag:s24] =	ssyncset.done $0x0  }
.Ltmp5:
0x196: {  	[sflag:s24] =	ssyncadd.s32 $0xFFFFC000;
	(pc) =	sbr.rel @p0 .LBB2_1-.Ltmp5, $4  }
0x197: {  	[hbm4b:s11+s4] =	stream.linear.scatter [tilespmem:s26], [sflag:$0x4], $0x4000, $0x38;
	[tilespmem:$0x1A000] =	vst v63  }
0x198: {  	_ =	swait.ge [sflag:s21], $0x4000  }
0x199: {  	[sflag:s21] =	ssyncset.done $0x0  }
0x19a: {  	[sflag:s21] =	ssyncadd.s32 $0xFFFFC000  }
0x19b: {  	_ =	sfence.sel $0x180000  }
0x19c: {  	[bflag:$0x0] =	sbarrier.arrive $0xFFFF  }
0x19d: {  	_ =	strace $0x90000047  }
0x19e: {  	s0 =	stileid.u32;
	[bflag:$0x2] =	sbarrier.arrive $0xFFFF  }
0x19f: {  	p0 =	sne.s32 s0, $0x0;
	s0 =	rddreg [dreg:$0x5]  }
0x1a0: {  	s0 =	sadd.s32 @!p0 $0x100000, s0  }
0x1a1: {  	[sflag:s0] =	ssyncadd.tile.s32 @!p0 $0x1;
	_ =	shalt  }
.Lfunc_end2:
_tile_overlayer_lowered:
.L_overlay_start_2:
0x1a2: {  	(tag) =	ssettag $0x2  }
0x1a3: {  	s0 =	rddreg [dreg:$0x0];
	s2 =	stileid.u32  }
0x1a4: {  	s1 =	rddreg [dreg:$0x1];
	p0 =	sne.s32 s2, $0x0  }
0x1a5: {  	s3 =	rddreg [dreg:$0x2];
	[bflag:$0x3] =	sbarrier.arrive $0xFFFF;
	s2 =	simm.s32 @!p0 $0x1C08  }
0x1a6: {  	[timem:s3], [sflag:s2] =	dma.local @!p0 [hbm:s0], s1  }
0x1a7: {  	s0 =	simm.s32 @!p0 $0x8  }
0x1a8: {  	_ =	swait.ge @!p0 [sflag:s0], s1  }
0x1a9: {  	s1 =	ssub.s32 @!p0 $0x0, s1;
	[sflag:s0] =	ssyncset.done @!p0 $0x0  }
0x1aa: {  	[sflag:s0] =	ssyncadd.s32 @!p0 s1  }
0x1ab: {  	[bflag:$0x3] =	sbarrier.arrive $0xFFFF  }
0x1ac: {  	_ =	shalt  }

</sc_bundles>
